<compile_context>
chip_gen: v7x
topology: tpu7x:2x2x1
jax: 0.10.2.dev20260603
libtpu: 0.0.44.dev20260713+nightly
codegen_flags: <defaults>
</compile_context>

<pallas_src>
import functools

import jax
import jax.numpy as jnp
from jax import lax
from jax.experimental import pallas as pl
from jax.experimental.pallas import tpu as pltpu
from jax.experimental.pallas import tpu_sc as plsc

N = 10000
E = 320000
D_IN = 128
D_HID = 16
D_OUT = 8

NC = 2
NS = 16
NW = NC * NS
CH = 128
K = 2 * (-(-E // (NW * CH * 2)))
TCH = NW * K
E_PAD = CH * TCH
N_PAD = 10240
RPT = N_PAD // NS

DEG_KS = (88, 72)
MP16_KS = (118, 42)
MP8_KS = (88, 72)

_mesh = plsc.VectorSubcoreMesh(
    core_axis_name="c", subcore_axis_name="s", num_cores=NC, num_subcores=NS
)


@functools.partial(
    pl.kernel,
    out_type=jax.ShapeDtypeStruct((NC, N_PAD), jnp.float32),
    mesh=_mesh,
    scratch_types=[
        pltpu.VMEM((max(DEG_KS), CH), jnp.int32),
        pltpu.VMEM((CH,), jnp.float32),
        pltpu.VMEM((RPT,), jnp.float32),
        pltpu.VMEM_SHARED((N_PAD,), jnp.float32),
    ],
    compiler_params=pltpu.CompilerParams(use_tc_tiling_on_sc=False),
)
def _deg(dst_hbm, out_hbm, dst_v, ones_v, z_v, deg_sh):
    c = lax.axis_index("c")
    s = lax.axis_index("s")
    for i in range(CH // 16):
        ones_v[pl.ds(i * 16, 16)] = jnp.ones((16,), jnp.float32)

    def zbody(i, _):
        z_v[pl.ds(i * 16, 16)] = jnp.zeros((16,), jnp.float32)
        return 0

    lax.fori_loop(0, RPT // 16, zbody, 0)
    pltpu.sync_copy(z_v, deg_sh.at[pl.ds(s * RPT, RPT)])

    def run(kc, base):
        pltpu.sync_copy(dst_hbm.at[pl.ds(base, kc)], dst_v.at[pl.ds(0, kc)])
        plsc.subcore_barrier()

        def body(j, _):
            pltpu.sync_copy(ones_v, deg_sh.at[dst_v.at[j]], add=True)
            return 0

        lax.fori_loop(0, kc, body, 0)
        plsc.subcore_barrier()

    @pl.when(c == 0)
    def _():
        run(DEG_KS[0], s * DEG_KS[0])

    @pl.when(c == 1)
    def _():
        run(DEG_KS[1], NS * DEG_KS[0] + s * DEG_KS[1])

    pltpu.sync_copy(deg_sh.at[pl.ds(s * RPT, RPT)],
                    out_hbm.at[c, pl.ds(s * RPT, RPT)])


def _make_mp(D, ks, tec_zero):
    k0, k1 = ks
    scratch = [
        pltpu.VMEM((max(ks), CH), jnp.int32),
        pltpu.VMEM((max(ks), CH), jnp.int32),
        pltpu.VMEM((CH, D), jnp.float32),
        pltpu.VMEM((CH, D), jnp.float32),
        pltpu.VMEM_SHARED((N_PAD, D), jnp.float32),
        pltpu.SemaphoreType.DMA,
        pltpu.SemaphoreType.DMA,
    ]
    if tec_zero:
        scratch.append(pltpu.VMEM((RPT, D), jnp.float32))

    @functools.partial(
        pl.kernel,
        out_type=jax.ShapeDtypeStruct((NC, N_PAD, D), jnp.float32),
        mesh=_mesh,
        scratch_types=scratch,
        compiler_params=pltpu.CompilerParams(use_tc_tiling_on_sc=False),
    )
    def _mp(y_hbm, src_hbm, dst_hbm, zeros_hbm, out_hbm, src_v, dst_v,
            buf0, buf1, acc_sh, sem0, sem1, *maybe_zbuf):
        c = lax.axis_index("c")
        s = lax.axis_index("s")

        def run(kc, base):
            pltpu.sync_copy(src_hbm.at[pl.ds(base, kc)],
                            src_v.at[pl.ds(0, kc)])
            pltpu.sync_copy(dst_hbm.at[pl.ds(base, kc)],
                            dst_v.at[pl.ds(0, kc)])
            pltpu.async_copy(y_hbm.at[src_v.at[0]], buf0, sem0)
            if tec_zero:
                zbuf = maybe_zbuf[0]

                def zb(i, _):
                    for u in range(8):
                        zbuf[i * 8 + u, :] = jnp.zeros((16,), jnp.float32)
                    return 0

                lax.fori_loop(0, RPT // 8, zb, 0)
                pltpu.sync_copy(zbuf, acc_sh.at[pl.ds(s * RPT, RPT)])
            else:
                pltpu.sync_copy(zeros_hbm.at[pl.ds(s * RPT, RPT)],
                                acc_sh.at[pl.ds(s * RPT, RPT)])
            plsc.subcore_barrier()

            def body(g, _):
                a = 2 * g
                b = a + 1
                nxt = lax.rem(a + 2, kc)
                pltpu.async_copy(y_hbm.at[src_v.at[b]], buf1, sem1)
                pltpu.make_async_copy(y_hbm.at[src_v.at[a]], buf0,
                                      sem0).wait()
                pltpu.sync_copy(buf0, acc_sh.at[dst_v.at[a]], add=True)
                pltpu.async_copy(y_hbm.at[src_v.at[nxt]], buf0, sem0)
                pltpu.make_async_copy(y_hbm.at[src_v.at[b]], buf1,
                                      sem1).wait()
                pltpu.sync_copy(buf1, acc_sh.at[dst_v.at[b]], add=True)
                return 0

            lax.fori_loop(0, kc // 2, body, 0)
            pltpu.make_async_copy(y_hbm.at[src_v.at[0]], buf0, sem0).wait()
            plsc.subcore_barrier()

        @pl.when(c == 0)
        def _():
            run(k0, s * k0)

        @pl.when(c == 1)
        def _():
            run(k1, NS * k0 + s * k1)

        pltpu.sync_copy(acc_sh.at[pl.ds(s * RPT, RPT)],
                        out_hbm.at[c, pl.ds(s * RPT, RPT)])

    return _mp


_mp16 = _make_mp(D_HID, MP16_KS, tec_zero=True)
_mp8 = _make_mp(D_OUT, MP8_KS, tec_zero=False)


def _d1_body(x_ref, w1_ref, degp_ref, y1_ref, dinv_ref):
    deg = degp_ref[0] + degp_ref[1] + 1.0
    dinv = lax.rsqrt(deg)
    dinv_ref[...] = dinv
    y1_ref[...] = jnp.dot(x_ref[...], w1_ref[...],
                          preferred_element_type=jnp.float32) * dinv


def _d2_body(p_ref, y1_ref, dinv_ref, b1_ref, w2_ref, y2_ref):
    dinv = dinv_ref[...]
    agg = (p_ref[0] + p_ref[1] + y1_ref[...]) * dinv + b1_ref[...]
    h = jnp.maximum(agg, 0.0)
    y2_ref[...] = jnp.dot(h, w2_ref[...],
                          preferred_element_type=jnp.float32) * dinv


def _d3_body(p_ref, y2_ref, dinv_ref, b2_ref, out_ref):
    z = p_ref[0, :N] + p_ref[1, :N] + y2_ref[:N]
    z = z * dinv_ref[:N] + b2_ref[...]
    m = jnp.max(z, axis=1, keepdims=True)
    e = jnp.exp(z - m)
    out_ref[...] = e / jnp.sum(e, axis=1, keepdims=True)


def kernel(x, edge_index, W1, b1, W2, b2):
    src = edge_index[0]
    dst = edge_index[1]
    fill = jnp.full((TCH - E // CH, CH), N, jnp.int32)
    srcp = jnp.concatenate([src.reshape(E // CH, CH), fill])
    dstp = jnp.concatenate([dst.reshape(E // CH, CH), fill])
    xp = jnp.pad(x, ((0, N_PAD - N), (0, 0)))
    z16 = jnp.zeros((N_PAD, D_HID), jnp.float32)
    z8 = jnp.zeros((N_PAD, D_OUT), jnp.float32)

    degp = _deg(dstp).reshape(NC, N_PAD, 1)

    y1, dinv = pl.pallas_call(
        _d1_body,
        out_shape=(
            jax.ShapeDtypeStruct((N_PAD, D_HID), jnp.float32),
            jax.ShapeDtypeStruct((N_PAD, 1), jnp.float32),
        ),
    )(xp, W1, degp)

    p1 = _mp16(y1, srcp, dstp, z16)

    y2 = pl.pallas_call(
        _d2_body,
        out_shape=jax.ShapeDtypeStruct((N_PAD, D_OUT), jnp.float32),
    )(p1, y1, dinv, b1.reshape(1, D_HID), W2)

    p2 = _mp8(y2, srcp, dstp, z8)

    out = pl.pallas_call(
        _d3_body,
        out_shape=jax.ShapeDtypeStruct((N, D_OUT), jnp.float32),
    )(p2, y2, dinv, b2.reshape(1, D_OUT))
    return out

# --- scband reference (transcript-rebuilt; emitter-appended) ---
"""Pipeline reference for scband-net-26783416057864 (READ-ONLY COPY).

The authoritative reference and input builder live on the scoring server;
editing this copy changes nothing except your own understanding.
"""

import jax, jax.numpy as jnp
import numpy as np

N = 10000
E = 320000
D_IN = 128
D_HID = 16
D_OUT = 8


def setup_inputs(seed: int = 0) -> dict:
    key = jax.random.key(seed)
    k1, k2, k3, k4 = jax.random.split(key, 4)
    x = jax.random.normal(k1, (N, D_IN), dtype=jnp.float32)
    edge_index = jax.random.randint(k2, (2, E), 0, N, dtype=jnp.int32)
    W1 = jax.random.normal(k3, (D_IN, D_HID), dtype=jnp.float32) * (1.0 / np.sqrt(D_IN))
    b1 = jnp.zeros((D_HID,), dtype=jnp.float32)
    W2 = jax.random.normal(k4, (D_HID, D_OUT), dtype=jnp.float32) * (1.0 / np.sqrt(D_HID))
    b2 = jnp.zeros((D_OUT,), dtype=jnp.float32)
    return {"x": x, "edge_index": edge_index, "W1": W1, "b1": b1, "W2": W2, "b2": b2}


def reference(x, edge_index, W1, b1, W2, b2):
    # GCNConv (Kipf & Welling): out = D^{-1/2} (A + I) D^{-1/2} X W + b
    src = edge_index[0]
    dst = edge_index[1]
    loop = jnp.arange(N, dtype=src.dtype)
    src = jnp.concatenate([src, loop])
    dst = jnp.concatenate([dst, loop])
    deg = jnp.zeros((N,), dtype=x.dtype).at[dst].add(1.0)
    dinv = jax.lax.rsqrt(jnp.maximum(deg, 1.0))
    norm = dinv[src] * dinv[dst]

    def conv(h, W, b):
        hw = h @ W
        msg = hw[src] * norm[:, None]
        agg = jax.ops.segment_sum(msg, dst, num_segments=N)
        return agg + b

    h = jax.nn.relu(conv(x, W1, b1))
    out = conv(h, W2, b2)
    return jax.nn.softmax(out, axis=1)

if __name__ == "__main__":
    import jax
    _d = setup_inputs()
    print(jax.jit(kernel)(*tuple(_d.values())))

</pallas_src>

<mosaic_0001>
#map = affine_map<(d0, d1) -> (0, 0)>
module attributes {stable_mosaic.version = 14 : i64} {
  func.func @_deg(%arg0: i32, %arg1: i32, %arg2: memref<2560x128xi32, #tpu.memory_space<hbm>>, %arg3: memref<2x10240xf32, #tpu.memory_space<hbm>>, %arg4: memref<88x128xi32, #tpu.memory_space<vmem>>, %arg5: memref<128xf32, #tpu.memory_space<vmem>>, %arg6: memref<640xf32, #tpu.memory_space<vmem>>, %arg7: memref<10240xf32, #tpu.memory_space<vmem_shared>>) attributes {dimension_semantics = [#tpu.dimension_semantics<core_parallel>, #tpu.dimension_semantics<subcore_parallel>], iteration_bounds = array<i64: 2, 16>, scalar_prefetch = 0 : i64, scratch_operands = 4 : i64, tpu.core_type = #tpu.core_type<sc_vector_subcore>, window_params = [{transform_indices = #map}, {transform_indices = #map}]} {
    %broadcast_in_dim3A = arith.constant 1.000000e+00 : f32
    %broadcast_in_dim3A_0 = vector.broadcast %broadcast_in_dim3A : f32 to vector<16xf32>
    %swap3A = arith.constant 0 : index
    %swap3A_1 = tpu.vector_load %arg5[%swap3A] {strides = array<i32>} : memref<128xf32, #tpu.memory_space<vmem>>, vector<16xf32>,
    %swap3A_2 = vector.shape_cast %swap3A_1 : vector<16xf32> to vector<16xf32>
    %swap3A_3 = vector.shape_cast %broadcast_in_dim3A_0 : vector<16xf32> to vector<16xf32>
    tpu.vector_store %arg5[%swap3A], %swap3A_3 {strides = array<i32>} : memref<128xf32, #tpu.memory_space<vmem>>, vector<16xf32>,
    %broadcast_in_dim3A_4 = arith.constant 1.000000e+00 : f32
    %broadcast_in_dim3A_5 = vector.broadcast %broadcast_in_dim3A_4 : f32 to vector<16xf32>
    %swap3A_6 = arith.constant 16 : index
    %swap3A_7 = tpu.vector_load %arg5[%swap3A_6] {strides = array<i32>} : memref<128xf32, #tpu.memory_space<vmem>>, vector<16xf32>,
    %swap3A_8 = vector.shape_cast %swap3A_7 : vector<16xf32> to vector<16xf32>
    %swap3A_9 = vector.shape_cast %broadcast_in_dim3A_5 : vector<16xf32> to vector<16xf32>
    tpu.vector_store %arg5[%swap3A_6], %swap3A_9 {strides = array<i32>} : memref<128xf32, #tpu.memory_space<vmem>>, vector<16xf32>,
    %broadcast_in_dim3A_10 = arith.constant 1.000000e+00 : f32
    %broadcast_in_dim3A_11 = vector.broadcast %broadcast_in_dim3A_10 : f32 to vector<16xf32>
    %swap3A_12 = arith.constant 32 : index
    %swap3A_13 = tpu.vector_load %arg5[%swap3A_12] {strides = array<i32>} : memref<128xf32, #tpu.memory_space<vmem>>, vector<16xf32>,
    %swap3A_14 = vector.shape_cast %swap3A_13 : vector<16xf32> to vector<16xf32>
    %swap3A_15 = vector.shape_cast %broadcast_in_dim3A_11 : vector<16xf32> to vector<16xf32>
    tpu.vector_store %arg5[%swap3A_12], %swap3A_15 {strides = array<i32>} : memref<128xf32, #tpu.memory_space<vmem>>, vector<16xf32>,
    %broadcast_in_dim3A_16 = arith.constant 1.000000e+00 : f32
    %broadcast_in_dim3A_17 = vector.broadcast %broadcast_in_dim3A_16 : f32 to vector<16xf32>
    %swap3A_18 = arith.constant 48 : index
    %swap3A_19 = tpu.vector_load %arg5[%swap3A_18] {strides = array<i32>} : memref<128xf32, #tpu.memory_space<vmem>>, vector<16xf32>,
    %swap3A_20 = vector.shape_cast %swap3A_19 : vector<16xf32> to vector<16xf32>
    %swap3A_21 = vector.shape_cast %broadcast_in_dim3A_17 : vector<16xf32> to vector<16xf32>
    tpu.vector_store %arg5[%swap3A_18], %swap3A_21 {strides = array<i32>} : memref<128xf32, #tpu.memory_space<vmem>>, vector<16xf32>,
    %broadcast_in_dim3A_22 = arith.constant 1.000000e+00 : f32
    %broadcast_in_dim3A_23 = vector.broadcast %broadcast_in_dim3A_22 : f32 to vector<16xf32>
    %swap3A_24 = arith.constant 64 : index
    %swap3A_25 = tpu.vector_load %arg5[%swap3A_24] {strides = array<i32>} : memref<128xf32, #tpu.memory_space<vmem>>, vector<16xf32>,
    %swap3A_26 = vector.shape_cast %swap3A_25 : vector<16xf32> to vector<16xf32>
    %swap3A_27 = vector.shape_cast %broadcast_in_dim3A_23 : vector<16xf32> to vector<16xf32>
    tpu.vector_store %arg5[%swap3A_24], %swap3A_27 {strides = array<i32>} : memref<128xf32, #tpu.memory_space<vmem>>, vector<16xf32>,
    %broadcast_in_dim3A_28 = arith.constant 1.000000e+00 : f32
    %broadcast_in_dim3A_29 = vector.broadcast %broadcast_in_dim3A_28 : f32 to vector<16xf32>
    %swap3A_30 = arith.constant 80 : index
    %swap3A_31 = tpu.vector_load %arg5[%swap3A_30] {strides = array<i32>} : memref<128xf32, #tpu.memory_space<vmem>>, vector<16xf32>,
    %swap3A_32 = vector.shape_cast %swap3A_31 : vector<16xf32> to vector<16xf32>
    %swap3A_33 = vector.shape_cast %broadcast_in_dim3A_29 : vector<16xf32> to vector<16xf32>
    tpu.vector_store %arg5[%swap3A_30], %swap3A_33 {strides = array<i32>} : memref<128xf32, #tpu.memory_space<vmem>>, vector<16xf32>,
    %broadcast_in_dim3A_34 = arith.constant 1.000000e+00 : f32
    %broadcast_in_dim3A_35 = vector.broadcast %broadcast_in_dim3A_34 : f32 to vector<16xf32>
    %swap3A_36 = arith.constant 96 : index
    %swap3A_37 = tpu.vector_load %arg5[%swap3A_36] {strides = array<i32>} : memref<128xf32, #tpu.memory_space<vmem>>, vector<16xf32>,
    %swap3A_38 = vector.shape_cast %swap3A_37 : vector<16xf32> to vector<16xf32>
    %swap3A_39 = vector.shape_cast %broadcast_in_dim3A_35 : vector<16xf32> to vector<16xf32>
    tpu.vector_store %arg5[%swap3A_36], %swap3A_39 {strides = array<i32>} : memref<128xf32, #tpu.memory_space<vmem>>, vector<16xf32>,
    %broadcast_in_dim3A_40 = arith.constant 1.000000e+00 : f32
    %broadcast_in_dim3A_41 = vector.broadcast %broadcast_in_dim3A_40 : f32 to vector<16xf32>
    %swap3A_42 = arith.constant 112 : index
    %swap3A_43 = tpu.vector_load %arg5[%swap3A_42] {strides = array<i32>} : memref<128xf32, #tpu.memory_space<vmem>>, vector<16xf32>,
    %swap3A_44 = vector.shape_cast %swap3A_43 : vector<16xf32> to vector<16xf32>
    %swap3A_45 = vector.shape_cast %broadcast_in_dim3A_41 : vector<16xf32> to vector<16xf32>
    tpu.vector_store %arg5[%swap3A_42], %swap3A_45 {strides = array<i32>} : memref<128xf32, #tpu.memory_space<vmem>>, vector<16xf32>,
    %scan3A = arith.constant 0 : i32
    %scan3A_46 = arith.constant 0 : i32
    %scan3A_47 = arith.constant 40 : i32
    %scan3A_48 = arith.addi %scan3A_46, %scan3A_47 : i32
    %scan3A_49 = arith.constant 1 : i32
    %scan3A_50 = scf.for %scan3A_64 = %scan3A_46 to %scan3A_48 step %scan3A_49 iter_args(%scan3A_65 = %scan3A) -> (i32)  : i32 {
      %broadcast_in_dim3A_66 = arith.constant 0.000000e+00 : f32
      %broadcast_in_dim3A_67 = vector.broadcast %broadcast_in_dim3A_66 : f32 to vector<16xf32>
      %mul3A_68 = arith.constant 16 : i32
      %mul3A_69 = arith.muli %scan3A_64, %mul3A_68 : i32
      %swap3A_70 = arith.index_cast %mul3A_69 : i32 to index
      %swap3A_71 = tpu.vector_load %arg6[%swap3A_70] {strides = array<i32>} : memref<640xf32, #tpu.memory_space<vmem>>, vector<16xf32>,
      %swap3A_72 = vector.shape_cast %swap3A_71 : vector<16xf32> to vector<16xf32>
      %swap3A_73 = vector.shape_cast %broadcast_in_dim3A_67 : vector<16xf32> to vector<16xf32>
      tpu.vector_store %arg6[%swap3A_70], %swap3A_73 {strides = array<i32>} : memref<640xf32, #tpu.memory_space<vmem>>, vector<16xf32>,
      %scan3A_74 = arith.constant 0 : i32
      scf.yield %scan3A_74 : i32
    }
    %scan3A_51 = arith.constant 40 : i32
    %mul3A = arith.constant 640 : i32
    %mul3A_52 = arith.muli %arg1, %mul3A : i32
    "tpu.region"() ({
      %run_scoped3A = tpu.sem_alloc : memref<!tpu.dma_semaphore, #tpu.memory_space<semaphore_mem>>
      %dma_start3A = tpu.memref_slice %arg7[%mul3A_52] : memref<10240xf32, #tpu.memory_space<vmem_shared>> -> memref<640xf32, #tpu.memory_space<vmem_shared>>
      %dma_start3A_64 = tpu.memref_slice %arg7[%mul3A_52] : memref<10240xf32, #tpu.memory_space<vmem_shared>> -> memref<640xf32, #tpu.memory_space<vmem_shared>>
      tpu.enqueue_dma source(%arg6 : memref<640xf32, #tpu.memory_space<vmem>>) target(%dma_start3A_64 : memref<640xf32, #tpu.memory_space<vmem_shared>>) target_semaphore(%run_scoped3A : memref<!tpu.dma_semaphore, #tpu.memory_space<semaphore_mem>>)
      %dma_wait3A = tpu.memref_slice %arg7[%mul3A_52] : memref<10240xf32, #tpu.memory_space<vmem_shared>> -> memref<640xf32, #tpu.memory_space<vmem_shared>>
      %dma_wait3A_65 = tpu.memref_slice %arg7[%mul3A_52] : memref<10240xf32, #tpu.memory_space<vmem_shared>> -> memref<640xf32, #tpu.memory_space<vmem_shared>>
      tpu.wait_dma2 semaphore(%run_scoped3A : memref<!tpu.dma_semaphore, #tpu.memory_space<semaphore_mem>>) src(%arg6 : memref<640xf32, #tpu.memory_space<vmem>>) dst(%dma_wait3A_65 : memref<640xf32, #tpu.memory_space<vmem_shared>>)
      tpu.yield
    }) : () -> ()
    %eq3A = arith.constant 0 : i32
    %eq3A_53 = arith.cmpi eq, %arg0, %eq3A : i32
    %convert_element_type3A = arith.extui %eq3A_53 : i1 to i32
    %cond3A = arith.constant 0 : i32
    %cond3A_54 = arith.cmpi ne, %convert_element_type3A, %cond3A : i32
    scf.if %cond3A_54 {
      %mul3A_64 = arith.constant 88 : i32
      %mul3A_65 = arith.muli %arg1, %mul3A_64 : i32
      "tpu.region"() ({
        %run_scoped3A = tpu.sem_alloc : memref<!tpu.dma_semaphore, #tpu.memory_space<semaphore_mem>>
        %dma_start3A = arith.constant 0 : i32
        %dma_start3A_74 = arith.constant 0 : i32
        %dma_start3A_75 = tpu.memref_slice %arg4[%dma_start3A, %dma_start3A_74] : memref<88x128xi32, #tpu.memory_space<vmem>> -> memref<88x128xi32, #tpu.memory_space<vmem>>
        %dma_start3A_76 = arith.constant 0 : i32
        %dma_start3A_77 = tpu.memref_slice %arg2[%mul3A_65, %dma_start3A_76] : memref<2560x128xi32, #tpu.memory_space<hbm>> -> memref<88x128xi32, #tpu.memory_space<hbm>>
        %dma_start3A_78 = arith.constant 0 : i32
        %dma_start3A_79 = arith.constant 0 : i32
        %dma_start3A_80 = tpu.memref_slice %arg4[%dma_start3A_78, %dma_start3A_79] : memref<88x128xi32, #tpu.memory_space<vmem>> -> memref<88x128xi32, #tpu.memory_space<vmem>>
        %dma_start3A_81 = arith.constant 0 : i32
        %dma_start3A_82 = tpu.memref_slice %arg2[%mul3A_65, %dma_start3A_81] : memref<2560x128xi32, #tpu.memory_space<hbm>> -> memref<88x128xi32, #tpu.memory_space<hbm>>
        tpu.enqueue_dma source(%dma_start3A_82 : memref<88x128xi32, #tpu.memory_space<hbm>>) target(%dma_start3A_80 : memref<88x128xi32, #tpu.memory_space<vmem>>) target_semaphore(%run_scoped3A : memref<!tpu.dma_semaphore, #tpu.memory_space<semaphore_mem>>)
        %dma_wait3A = arith.constant 0 : i32
        %dma_wait3A_83 = arith.constant 0 : i32
        %dma_wait3A_84 = tpu.memref_slice %arg4[%dma_wait3A, %dma_wait3A_83] : memref<88x128xi32, #tpu.memory_space<vmem>> -> memref<88x128xi32, #tpu.memory_space<vmem>>
        %dma_wait3A_85 = arith.constant 0 : i32
        %dma_wait3A_86 = tpu.memref_slice %arg2[%mul3A_65, %dma_wait3A_85] : memref<2560x128xi32, #tpu.memory_space<hbm>> -> memref<88x128xi32, #tpu.memory_space<hbm>>
        %dma_wait3A_87 = arith.constant 0 : i32
        %dma_wait3A_88 = arith.constant 0 : i32
        %dma_wait3A_89 = tpu.memref_slice %arg4[%dma_wait3A_87, %dma_wait3A_88] : memref<88x128xi32, #tpu.memory_space<vmem>> -> memref<88x128xi32, #tpu.memory_space<vmem>>
        %dma_wait3A_90 = arith.constant 0 : i32
        %dma_wait3A_91 = tpu.memref_slice %arg2[%mul3A_65, %dma_wait3A_90] : memref<2560x128xi32, #tpu.memory_space<hbm>> -> memref<88x128xi32, #tpu.memory_space<hbm>>
        tpu.wait_dma2 semaphore(%run_scoped3A : memref<!tpu.dma_semaphore, #tpu.memory_space<semaphore_mem>>) src(%dma_wait3A_91 : memref<88x128xi32, #tpu.memory_space<hbm>>) dst(%dma_wait3A_89 : memref<88x128xi32, #tpu.memory_space<vmem>>)
        tpu.yield
      }) : () -> ()
      %barrier3A = arith.constant 0 : index
      tpu.barrier barrier_id(%barrier3A)
      %scan3A_66 = arith.constant 0 : i32
      %scan3A_67 = arith.constant 0 : i32
      %scan3A_68 = arith.constant 88 : i32
      %scan3A_69 = arith.addi %scan3A_67, %scan3A_68 : i32
      %scan3A_70 = arith.constant 1 : i32
      %scan3A_71 = scf.for %scan3A_74 = %scan3A_67 to %scan3A_69 step %scan3A_70 iter_args(%scan3A_75 = %scan3A_66) -> (i32)  : i32 {
        "tpu.region"() ({
          %run_scoped3A = tpu.sem_alloc : memref<!tpu.dma_semaphore, #tpu.memory_space<semaphore_mem>>
          %dma_start3A = arith.constant 0 : i32
          %dma_start3A_77 = tpu.memref_slice %arg4[%scan3A_74, %dma_start3A] : memref<88x128xi32, #tpu.memory_space<vmem>> -> memref<1x128xi32, #tpu.memory_space<vmem>>
          %dma_start3A_78 = tpu.memref_squeeze %dma_start3A_77 : memref<1x128xi32, #tpu.memory_space<vmem>> -> memref<128xi32, #tpu.memory_space<vmem>>
          %dma_start3A_79 = arith.constant 0 : i32
          %dma_start3A_80 = tpu.memref_slice %arg7[%dma_start3A_79] : memref<10240xf32, #tpu.memory_space<vmem_shared>> -> memref<10240xf32, #tpu.memory_space<vmem_shared>>
          tpu.enqueue_indirect_dma source(%arg5 : memref<128xf32, #tpu.memory_space<vmem>>) target(%dma_start3A_80 : memref<10240xf32, #tpu.memory_space<vmem_shared>>) offsets(%dma_start3A_78 : memref<128xi32, #tpu.memory_space<vmem>>) semaphore(%run_scoped3A : memref<!tpu.dma_semaphore, #tpu.memory_space<semaphore_mem>>) {add = true}
          %dma_wait3A = arith.constant 0 : i32
          %dma_wait3A_81 = tpu.memref_slice %arg4[%scan3A_74, %dma_wait3A] : memref<88x128xi32, #tpu.memory_space<vmem>> -> memref<1x128xi32, #tpu.memory_space<vmem>>
          %dma_wait3A_82 = tpu.memref_squeeze %dma_wait3A_81 : memref<1x128xi32, #tpu.memory_space<vmem>> -> memref<128xi32, #tpu.memory_space<vmem>>
          %dma_wait3A_83 = arith.constant 0 : i32
          %dma_wait3A_84 = tpu.memref_slice %arg7[%dma_wait3A_83] : memref<10240xf32, #tpu.memory_space<vmem_shared>> -> memref<10240xf32, #tpu.memory_space<vmem_shared>>
          tpu.wait_indirect_dma semaphore(%run_scoped3A : memref<!tpu.dma_semaphore, #tpu.memory_space<semaphore_mem>>) src(%arg5 : memref<128xf32, #tpu.memory_space<vmem>>) dst(%dma_wait3A_84 : memref<10240xf32, #tpu.memory_space<vmem_shared>>)
          tpu.yield
        }) : () -> ()
        %scan3A_76 = arith.constant 0 : i32
        scf.yield %scan3A_76 : i32
      }
      %scan3A_72 = arith.constant 88 : i32
      %barrier3A_73 = arith.constant 0 : index
      tpu.barrier barrier_id(%barrier3A_73)
    } else {
    }
    %eq3A_55 = arith.constant 1 : i32
    %eq3A_56 = arith.cmpi eq, %arg0, %eq3A_55 : i32
    %convert_element_type3A_57 = arith.extui %eq3A_56 : i1 to i32
    %cond3A_58 = arith.constant 0 : i32
    %cond3A_59 = arith.cmpi ne, %convert_element_type3A_57, %cond3A_58 : i32
    scf.if %cond3A_59 {
      %mul3A_64 = arith.constant 72 : i32
      %mul3A_65 = arith.muli %arg1, %mul3A_64 : i32
      %add3A = arith.constant 1408 : i32
      %add3A_66 = arith.addi %add3A, %mul3A_65 : i32
      "tpu.region"() ({
        %run_scoped3A = tpu.sem_alloc : memref<!tpu.dma_semaphore, #tpu.memory_space<semaphore_mem>>
        %dma_start3A = arith.constant 0 : i32
        %dma_start3A_75 = arith.constant 0 : i32
        %dma_start3A_76 = tpu.memref_slice %arg4[%dma_start3A, %dma_start3A_75] : memref<88x128xi32, #tpu.memory_space<vmem>> -> memref<72x128xi32, #tpu.memory_space<vmem>>
        %dma_start3A_77 = arith.constant 0 : i32
        %dma_start3A_78 = tpu.memref_slice %arg2[%add3A_66, %dma_start3A_77] : memref<2560x128xi32, #tpu.memory_space<hbm>> -> memref<72x128xi32, #tpu.memory_space<hbm>>
        %dma_start3A_79 = arith.constant 0 : i32
        %dma_start3A_80 = arith.constant 0 : i32
        %dma_start3A_81 = tpu.memref_slice %arg4[%dma_start3A_79, %dma_start3A_80] : memref<88x128xi32, #tpu.memory_space<vmem>> -> memref<72x128xi32, #tpu.memory_space<vmem>>
        %dma_start3A_82 = arith.constant 0 : i32
        %dma_start3A_83 = tpu.memref_slice %arg2[%add3A_66, %dma_start3A_82] : memref<2560x128xi32, #tpu.memory_space<hbm>> -> memref<72x128xi32, #tpu.memory_space<hbm>>
        tpu.enqueue_dma source(%dma_start3A_83 : memref<72x128xi32, #tpu.memory_space<hbm>>) target(%dma_start3A_81 : memref<72x128xi32, #tpu.memory_space<vmem>>) target_semaphore(%run_scoped3A : memref<!tpu.dma_semaphore, #tpu.memory_space<semaphore_mem>>)
        %dma_wait3A = arith.constant 0 : i32
        %dma_wait3A_84 = arith.constant 0 : i32
        %dma_wait3A_85 = tpu.memref_slice %arg4[%dma_wait3A, %dma_wait3A_84] : memref<88x128xi32, #tpu.memory_space<vmem>> -> memref<72x128xi32, #tpu.memory_space<vmem>>
        %dma_wait3A_86 = arith.constant 0 : i32
        %dma_wait3A_87 = tpu.memref_slice %arg2[%add3A_66, %dma_wait3A_86] : memref<2560x128xi32, #tpu.memory_space<hbm>> -> memref<72x128xi32, #tpu.memory_space<hbm>>
        %dma_wait3A_88 = arith.constant 0 : i32
        %dma_wait3A_89 = arith.constant 0 : i32
        %dma_wait3A_90 = tpu.memref_slice %arg4[%dma_wait3A_88, %dma_wait3A_89] : memref<88x128xi32, #tpu.memory_space<vmem>> -> memref<72x128xi32, #tpu.memory_space<vmem>>
        %dma_wait3A_91 = arith.constant 0 : i32
        %dma_wait3A_92 = tpu.memref_slice %arg2[%add3A_66, %dma_wait3A_91] : memref<2560x128xi32, #tpu.memory_space<hbm>> -> memref<72x128xi32, #tpu.memory_space<hbm>>
        tpu.wait_dma2 semaphore(%run_scoped3A : memref<!tpu.dma_semaphore, #tpu.memory_space<semaphore_mem>>) src(%dma_wait3A_92 : memref<72x128xi32, #tpu.memory_space<hbm>>) dst(%dma_wait3A_90 : memref<72x128xi32, #tpu.memory_space<vmem>>)
        tpu.yield
      }) : () -> ()
      %barrier3A = arith.constant 0 : index
      tpu.barrier barrier_id(%barrier3A)
      %scan3A_67 = arith.constant 0 : i32
      %scan3A_68 = arith.constant 0 : i32
      %scan3A_69 = arith.constant 72 : i32
      %scan3A_70 = arith.addi %scan3A_68, %scan3A_69 : i32
      %scan3A_71 = arith.constant 1 : i32
      %scan3A_72 = scf.for %scan3A_75 = %scan3A_68 to %scan3A_70 step %scan3A_71 iter_args(%scan3A_76 = %scan3A_67) -> (i32)  : i32 {
        "tpu.region"() ({
          %run_scoped3A = tpu.sem_alloc : memref<!tpu.dma_semaphore, #tpu.memory_space<semaphore_mem>>
          %dma_start3A = arith.constant 0 : i32
          %dma_start3A_78 = tpu.memref_slice %arg4[%scan3A_75, %dma_start3A] : memref<88x128xi32, #tpu.memory_space<vmem>> -> memref<1x128xi32, #tpu.memory_space<vmem>>
          %dma_start3A_79 = tpu.memref_squeeze %dma_start3A_78 : memref<1x128xi32, #tpu.memory_space<vmem>> -> memref<128xi32, #tpu.memory_space<vmem>>
          %dma_start3A_80 = arith.constant 0 : i32
          %dma_start3A_81 = tpu.memref_slice %arg7[%dma_start3A_80] : memref<10240xf32, #tpu.memory_space<vmem_shared>> -> memref<10240xf32, #tpu.memory_space<vmem_shared>>
          tpu.enqueue_indirect_dma source(%arg5 : memref<128xf32, #tpu.memory_space<vmem>>) target(%dma_start3A_81 : memref<10240xf32, #tpu.memory_space<vmem_shared>>) offsets(%dma_start3A_79 : memref<128xi32, #tpu.memory_space<vmem>>) semaphore(%run_scoped3A : memref<!tpu.dma_semaphore, #tpu.memory_space<semaphore_mem>>) {add = true}
          %dma_wait3A = arith.constant 0 : i32
          %dma_wait3A_82 = tpu.memref_slice %arg4[%scan3A_75, %dma_wait3A] : memref<88x128xi32, #tpu.memory_space<vmem>> -> memref<1x128xi32, #tpu.memory_space<vmem>>
          %dma_wait3A_83 = tpu.memref_squeeze %dma_wait3A_82 : memref<1x128xi32, #tpu.memory_space<vmem>> -> memref<128xi32, #tpu.memory_space<vmem>>
          %dma_wait3A_84 = arith.constant 0 : i32
          %dma_wait3A_85 = tpu.memref_slice %arg7[%dma_wait3A_84] : memref<10240xf32, #tpu.memory_space<vmem_shared>> -> memref<10240xf32, #tpu.memory_space<vmem_shared>>
          tpu.wait_indirect_dma semaphore(%run_scoped3A : memref<!tpu.dma_semaphore, #tpu.memory_space<semaphore_mem>>) src(%arg5 : memref<128xf32, #tpu.memory_space<vmem>>) dst(%dma_wait3A_85 : memref<10240xf32, #tpu.memory_space<vmem_shared>>)
          tpu.yield
        }) : () -> ()
        %scan3A_77 = arith.constant 0 : i32
        scf.yield %scan3A_77 : i32
      }
      %scan3A_73 = arith.constant 72 : i32
      %barrier3A_74 = arith.constant 0 : index
      tpu.barrier barrier_id(%barrier3A_74)
    } else {
    }
    %mul3A_60 = arith.constant 640 : i32
    %mul3A_61 = arith.muli %arg1, %mul3A_60 : i32
    %mul3A_62 = arith.constant 640 : i32
    %mul3A_63 = arith.muli %arg1, %mul3A_62 : i32
    "tpu.region"() ({
      %run_scoped3A = tpu.sem_alloc : memref<!tpu.dma_semaphore, #tpu.memory_space<semaphore_mem>>
      %dma_start3A = tpu.memref_slice %arg3[%arg0, %mul3A_63] : memref<2x10240xf32, #tpu.memory_space<hbm>> -> memref<1x640xf32, #tpu.memory_space<hbm>>
      %dma_start3A_64 = tpu.memref_squeeze %dma_start3A : memref<1x640xf32, #tpu.memory_space<hbm>> -> memref<640xf32, #tpu.memory_space<hbm>>
      %dma_start3A_65 = tpu.memref_slice %arg7[%mul3A_61] : memref<10240xf32, #tpu.memory_space<vmem_shared>> -> memref<640xf32, #tpu.memory_space<vmem_shared>>
      tpu.enqueue_dma source(%dma_start3A_65 : memref<640xf32, #tpu.memory_space<vmem_shared>>) target(%dma_start3A_64 : memref<640xf32, #tpu.memory_space<hbm>>) target_semaphore(%run_scoped3A : memref<!tpu.dma_semaphore, #tpu.memory_space<semaphore_mem>>)
      %dma_wait3A = tpu.memref_slice %arg3[%arg0, %mul3A_63] : memref<2x10240xf32, #tpu.memory_space<hbm>> -> memref<1x640xf32, #tpu.memory_space<hbm>>
      %dma_wait3A_66 = tpu.memref_squeeze %dma_wait3A : memref<1x640xf32, #tpu.memory_space<hbm>> -> memref<640xf32, #tpu.memory_space<hbm>>
      %dma_wait3A_67 = tpu.memref_slice %arg7[%mul3A_61] : memref<10240xf32, #tpu.memory_space<vmem_shared>> -> memref<640xf32, #tpu.memory_space<vmem_shared>>
      tpu.wait_dma2 semaphore(%run_scoped3A : memref<!tpu.dma_semaphore, #tpu.memory_space<semaphore_mem>>) src(%dma_wait3A_67 : memref<640xf32, #tpu.memory_space<vmem_shared>>) dst(%dma_wait3A_66 : memref<640xf32, #tpu.memory_space<hbm>>)
      tpu.yield
    }) : () -> ()
    return
  }
}

#map = affine_map<(d0, d1) -> (0, 0)>
#map1 = affine_map<(d0, d1) -> (0, 0, 0)>
module attributes {stable_mosaic.version = 14 : i64} {
  func.func @_mp(%arg0: i32, %arg1: i32, %arg2: memref<10240x8xf32, #tpu.memory_space<hbm>>, %arg3: memref<2560x128xi32, #tpu.memory_space<hbm>>, %arg4: memref<2560x128xi32, #tpu.memory_space<hbm>>, %arg5: memref<10240x8xf32, #tpu.memory_space<hbm>>, %arg6: memref<2x10240x8xf32, #tpu.memory_space<hbm>>, %arg7: memref<88x128xi32, #tpu.memory_space<vmem>>, %arg8: memref<88x128xi32, #tpu.memory_space<vmem>>, %arg9: memref<128x8xf32, #tpu.memory_space<vmem>>, %arg10: memref<128x8xf32, #tpu.memory_space<vmem>>, %arg11: memref<10240x8xf32, #tpu.memory_space<vmem_shared>>, %arg12: memref<!tpu.dma_semaphore, #tpu.memory_space<semaphore_mem>>, %arg13: memref<!tpu.dma_semaphore, #tpu.memory_space<semaphore_mem>>) attributes {dimension_semantics = [#tpu.dimension_semantics<core_parallel>, #tpu.dimension_semantics<subcore_parallel>], iteration_bounds = array<i64: 2, 16>, scalar_prefetch = 0 : i64, scratch_operands = 7 : i64, tpu.core_type = #tpu.core_type<sc_vector_subcore>, window_params = [{transform_indices = #map}, {transform_indices = #map}, {transform_indices = #map}, {transform_indices = #map}, {transform_indices = #map1}]} {
    %eq3A = arith.constant 0 : i32
    %eq3A_0 = arith.cmpi eq, %arg0, %eq3A : i32
    %convert_element_type3A = arith.extui %eq3A_0 : i1 to i32
    %cond3A = arith.constant 0 : i32
    %cond3A_1 = arith.cmpi ne, %convert_element_type3A, %cond3A : i32
    scf.if %cond3A_1 {
      %mul3A_10 = arith.constant 88 : i32
      %mul3A_11 = arith.muli %arg1, %mul3A_10 : i32
      "tpu.region"() ({
        %run_scoped3A = tpu.sem_alloc : memref<!tpu.dma_semaphore, #tpu.memory_space<semaphore_mem>>
        %dma_start3A_35 = arith.constant 0 : i32
        %dma_start3A_36 = arith.constant 0 : i32
        %dma_start3A_37 = tpu.memref_slice %arg7[%dma_start3A_35, %dma_start3A_36] : memref<88x128xi32, #tpu.memory_space<vmem>> -> memref<88x128xi32, #tpu.memory_space<vmem>>
        %dma_start3A_38 = arith.constant 0 : i32
        %dma_start3A_39 = tpu.memref_slice %arg3[%mul3A_11, %dma_start3A_38] : memref<2560x128xi32, #tpu.memory_space<hbm>> -> memref<88x128xi32, #tpu.memory_space<hbm>>
        %dma_start3A_40 = arith.constant 0 : i32
        %dma_start3A_41 = arith.constant 0 : i32
        %dma_start3A_42 = tpu.memref_slice %arg7[%dma_start3A_40, %dma_start3A_41] : memref<88x128xi32, #tpu.memory_space<vmem>> -> memref<88x128xi32, #tpu.memory_space<vmem>>
        %dma_start3A_43 = arith.constant 0 : i32
        %dma_start3A_44 = tpu.memref_slice %arg3[%mul3A_11, %dma_start3A_43] : memref<2560x128xi32, #tpu.memory_space<hbm>> -> memref<88x128xi32, #tpu.memory_space<hbm>>
        tpu.enqueue_dma source(%dma_start3A_44 : memref<88x128xi32, #tpu.memory_space<hbm>>) target(%dma_start3A_42 : memref<88x128xi32, #tpu.memory_space<vmem>>) target_semaphore(%run_scoped3A : memref<!tpu.dma_semaphore, #tpu.memory_space<semaphore_mem>>)
        %dma_wait3A_45 = arith.constant 0 : i32
        %dma_wait3A_46 = arith.constant 0 : i32
        %dma_wait3A_47 = tpu.memref_slice %arg7[%dma_wait3A_45, %dma_wait3A_46] : memref<88x128xi32, #tpu.memory_space<vmem>> -> memref<88x128xi32, #tpu.memory_space<vmem>>
        %dma_wait3A_48 = arith.constant 0 : i32
        %dma_wait3A_49 = tpu.memref_slice %arg3[%mul3A_11, %dma_wait3A_48] : memref<2560x128xi32, #tpu.memory_space<hbm>> -> memref<88x128xi32, #tpu.memory_space<hbm>>
        %dma_wait3A_50 = arith.constant 0 : i32
        %dma_wait3A_51 = arith.constant 0 : i32
        %dma_wait3A_52 = tpu.memref_slice %arg7[%dma_wait3A_50, %dma_wait3A_51] : memref<88x128xi32, #tpu.memory_space<vmem>> -> memref<88x128xi32, #tpu.memory_space<vmem>>
        %dma_wait3A_53 = arith.constant 0 : i32
        %dma_wait3A_54 = tpu.memref_slice %arg3[%mul3A_11, %dma_wait3A_53] : memref<2560x128xi32, #tpu.memory_space<hbm>> -> memref<88x128xi32, #tpu.memory_space<hbm>>
        tpu.wait_dma2 semaphore(%run_scoped3A : memref<!tpu.dma_semaphore, #tpu.memory_space<semaphore_mem>>) src(%dma_wait3A_54 : memref<88x128xi32, #tpu.memory_space<hbm>>) dst(%dma_wait3A_52 : memref<88x128xi32, #tpu.memory_space<vmem>>)
        tpu.yield
      }) : () -> ()
      "tpu.region"() ({
        %run_scoped3A = tpu.sem_alloc : memref<!tpu.dma_semaphore, #tpu.memory_space<semaphore_mem>>
        %dma_start3A_35 = arith.constant 0 : i32
        %dma_start3A_36 = arith.constant 0 : i32
        %dma_start3A_37 = tpu.memref_slice %arg8[%dma_start3A_35, %dma_start3A_36] : memref<88x128xi32, #tpu.memory_space<vmem>> -> memref<88x128xi32, #tpu.memory_space<vmem>>
        %dma_start3A_38 = arith.constant 0 : i32
        %dma_start3A_39 = tpu.memref_slice %arg4[%mul3A_11, %dma_start3A_38] : memref<2560x128xi32, #tpu.memory_space<hbm>> -> memref<88x128xi32, #tpu.memory_space<hbm>>
        %dma_start3A_40 = arith.constant 0 : i32
        %dma_start3A_41 = arith.constant 0 : i32
        %dma_start3A_42 = tpu.memref_slice %arg8[%dma_start3A_40, %dma_start3A_41] : memref<88x128xi32, #tpu.memory_space<vmem>> -> memref<88x128xi32, #tpu.memory_space<vmem>>
        %dma_start3A_43 = arith.constant 0 : i32
        %dma_start3A_44 = tpu.memref_slice %arg4[%mul3A_11, %dma_start3A_43] : memref<2560x128xi32, #tpu.memory_space<hbm>> -> memref<88x128xi32, #tpu.memory_space<hbm>>
        tpu.enqueue_dma source(%dma_start3A_44 : memref<88x128xi32, #tpu.memory_space<hbm>>) target(%dma_start3A_42 : memref<88x128xi32, #tpu.memory_space<vmem>>) target_semaphore(%run_scoped3A : memref<!tpu.dma_semaphore, #tpu.memory_space<semaphore_mem>>)
        %dma_wait3A_45 = arith.constant 0 : i32
        %dma_wait3A_46 = arith.constant 0 : i32
        %dma_wait3A_47 = tpu.memref_slice %arg8[%dma_wait3A_45, %dma_wait3A_46] : memref<88x128xi32, #tpu.memory_space<vmem>> -> memref<88x128xi32, #tpu.memory_space<vmem>>
        %dma_wait3A_48 = arith.constant 0 : i32
        %dma_wait3A_49 = tpu.memref_slice %arg4[%mul3A_11, %dma_wait3A_48] : memref<2560x128xi32, #tpu.memory_space<hbm>> -> memref<88x128xi32, #tpu.memory_space<hbm>>
        %dma_wait3A_50 = arith.constant 0 : i32
        %dma_wait3A_51 = arith.constant 0 : i32
        %dma_wait3A_52 = tpu.memref_slice %arg8[%dma_wait3A_50, %dma_wait3A_51] : memref<88x128xi32, #tpu.memory_space<vmem>> -> memref<88x128xi32, #tpu.memory_space<vmem>>
        %dma_wait3A_53 = arith.constant 0 : i32
        %dma_wait3A_54 = tpu.memref_slice %arg4[%mul3A_11, %dma_wait3A_53] : memref<2560x128xi32, #tpu.memory_space<hbm>> -> memref<88x128xi32, #tpu.memory_space<hbm>>
        tpu.wait_dma2 semaphore(%run_scoped3A : memref<!tpu.dma_semaphore, #tpu.memory_space<semaphore_mem>>) src(%dma_wait3A_54 : memref<88x128xi32, #tpu.memory_space<hbm>>) dst(%dma_wait3A_52 : memref<88x128xi32, #tpu.memory_space<vmem>>)
        tpu.yield
      }) : () -> ()
      %dma_start3A = arith.constant 0 : i32
      %dma_start3A_12 = arith.constant 0 : i32
      %dma_start3A_13 = tpu.memref_slice %arg7[%dma_start3A, %dma_start3A_12] : memref<88x128xi32, #tpu.memory_space<vmem>> -> memref<1x128xi32, #tpu.memory_space<vmem>>
      %dma_start3A_14 = tpu.memref_squeeze %dma_start3A_13 : memref<1x128xi32, #tpu.memory_space<vmem>> -> memref<128xi32, #tpu.memory_space<vmem>>
      %dma_start3A_15 = arith.constant 0 : i32
      %dma_start3A_16 = arith.constant 0 : i32
      %dma_start3A_17 = tpu.memref_slice %arg2[%dma_start3A_15, %dma_start3A_16] : memref<10240x8xf32, #tpu.memory_space<hbm>> -> memref<10240x8xf32, #tpu.memory_space<hbm>>
      tpu.enqueue_indirect_dma source(%dma_start3A_17 : memref<10240x8xf32, #tpu.memory_space<hbm>>) target(%arg9 : memref<128x8xf32, #tpu.memory_space<vmem>>) offsets(%dma_start3A_14 : memref<128xi32, #tpu.memory_space<vmem>>) semaphore(%arg12 : memref<!tpu.dma_semaphore, #tpu.memory_space<semaphore_mem>>)
      %mul3A_18 = arith.constant 640 : i32
      %mul3A_19 = arith.muli %arg1, %mul3A_18 : i32
      %mul3A_20 = arith.constant 640 : i32
      %mul3A_21 = arith.muli %arg1, %mul3A_20 : i32
      "tpu.region"() ({
        %run_scoped3A = tpu.sem_alloc : memref<!tpu.dma_semaphore, #tpu.memory_space<semaphore_mem>>
        %dma_start3A_35 = arith.constant 0 : i32
        %dma_start3A_36 = tpu.memref_slice %arg11[%mul3A_21, %dma_start3A_35] : memref<10240x8xf32, #tpu.memory_space<vmem_shared>> -> memref<640x8xf32, #tpu.memory_space<vmem_shared>>
        %dma_start3A_37 = arith.constant 0 : i32
        %dma_start3A_38 = tpu.memref_slice %arg5[%mul3A_19, %dma_start3A_37] : memref<10240x8xf32, #tpu.memory_space<hbm>> -> memref<640x8xf32, #tpu.memory_space<hbm>>
        tpu.enqueue_dma source(%dma_start3A_38 : memref<640x8xf32, #tpu.memory_space<hbm>>) target(%dma_start3A_36 : memref<640x8xf32, #tpu.memory_space<vmem_shared>>) target_semaphore(%run_scoped3A : memref<!tpu.dma_semaphore, #tpu.memory_space<semaphore_mem>>)
        %dma_wait3A_39 = arith.constant 0 : i32
        %dma_wait3A_40 = tpu.memref_slice %arg11[%mul3A_21, %dma_wait3A_39] : memref<10240x8xf32, #tpu.memory_space<vmem_shared>> -> memref<640x8xf32, #tpu.memory_space<vmem_shared>>
        %dma_wait3A_41 = arith.constant 0 : i32
        %dma_wait3A_42 = tpu.memref_slice %arg5[%mul3A_19, %dma_wait3A_41] : memref<10240x8xf32, #tpu.memory_space<hbm>> -> memref<640x8xf32, #tpu.memory_space<hbm>>
        tpu.wait_dma2 semaphore(%run_scoped3A : memref<!tpu.dma_semaphore, #tpu.memory_space<semaphore_mem>>) src(%dma_wait3A_42 : memref<640x8xf32, #tpu.memory_space<hbm>>) dst(%dma_wait3A_40 : memref<640x8xf32, #tpu.memory_space<vmem_shared>>)
        tpu.yield
      }) : () -> ()
      %barrier3A = arith.constant 0 : index
      tpu.barrier barrier_id(%barrier3A)
      %scan3A = arith.constant 0 : i32
      %scan3A_22 = arith.constant 0 : i32
      %scan3A_23 = arith.constant 44 : i32
      %scan3A_24 = arith.addi %scan3A_22, %scan3A_23 : i32
      %scan3A_25 = arith.constant 1 : i32
      %scan3A_26 = scf.for %scan3A_35 = %scan3A_22 to %scan3A_24 step %scan3A_25 iter_args(%scan3A_36 = %scan3A) -> (i32)  : i32 {
        %mul3A_37 = arith.constant 2 : i32
        %mul3A_38 = arith.muli %mul3A_37, %scan3A_35 : i32
        %add3A = arith.constant 1 : i32
        %add3A_39 = arith.addi %mul3A_38, %add3A : i32
        %add3A_40 = arith.constant 2 : i32
        %add3A_41 = arith.addi %mul3A_38, %add3A_40 : i32
        %rem3A = arith.constant 88 : i32
        %rem3A_42 = arith.remsi %add3A_41, %rem3A : i32
        %dma_start3A_43 = arith.constant 0 : i32
        %dma_start3A_44 = tpu.memref_slice %arg7[%add3A_39, %dma_start3A_43] : memref<88x128xi32, #tpu.memory_space<vmem>> -> memref<1x128xi32, #tpu.memory_space<vmem>>
        %dma_start3A_45 = tpu.memref_squeeze %dma_start3A_44 : memref<1x128xi32, #tpu.memory_space<vmem>> -> memref<128xi32, #tpu.memory_space<vmem>>
        %dma_start3A_46 = arith.constant 0 : i32
        %dma_start3A_47 = arith.constant 0 : i32
        %dma_start3A_48 = tpu.memref_slice %arg2[%dma_start3A_46, %dma_start3A_47] : memref<10240x8xf32, #tpu.memory_space<hbm>> -> memref<10240x8xf32, #tpu.memory_space<hbm>>
        tpu.enqueue_indirect_dma source(%dma_start3A_48 : memref<10240x8xf32, #tpu.memory_space<hbm>>) target(%arg10 : memref<128x8xf32, #tpu.memory_space<vmem>>) offsets(%dma_start3A_45 : memref<128xi32, #tpu.memory_space<vmem>>) semaphore(%arg13 : memref<!tpu.dma_semaphore, #tpu.memory_space<semaphore_mem>>)
        %dma_wait3A_49 = arith.constant 0 : i32
        %dma_wait3A_50 = tpu.memref_slice %arg7[%mul3A_38, %dma_wait3A_49] : memref<88x128xi32, #tpu.memory_space<vmem>> -> memref<1x128xi32, #tpu.memory_space<vmem>>
        %dma_wait3A_51 = tpu.memref_squeeze %dma_wait3A_50 : memref<1x128xi32, #tpu.memory_space<vmem>> -> memref<128xi32, #tpu.memory_space<vmem>>
        %dma_wait3A_52 = arith.constant 0 : i32
        %dma_wait3A_53 = arith.constant 0 : i32
        %dma_wait3A_54 = tpu.memref_slice %arg2[%dma_wait3A_52, %dma_wait3A_53] : memref<10240x8xf32, #tpu.memory_space<hbm>> -> memref<10240x8xf32, #tpu.memory_space<hbm>>
        tpu.wait_indirect_dma semaphore(%arg12 : memref<!tpu.dma_semaphore, #tpu.memory_space<semaphore_mem>>) src(%dma_wait3A_54 : memref<10240x8xf32, #tpu.memory_space<hbm>>) dst(%arg9 : memref<128x8xf32, #tpu.memory_space<vmem>>)
        "tpu.region"() ({
          %run_scoped3A = tpu.sem_alloc : memref<!tpu.dma_semaphore, #tpu.memory_space<semaphore_mem>>
          %dma_start3A_68 = arith.constant 0 : i32
          %dma_start3A_69 = tpu.memref_slice %arg8[%mul3A_38, %dma_start3A_68] : memref<88x128xi32, #tpu.memory_space<vmem>> -> memref<1x128xi32, #tpu.memory_space<vmem>>
          %dma_start3A_70 = tpu.memref_squeeze %dma_start3A_69 : memref<1x128xi32, #tpu.memory_space<vmem>> -> memref<128xi32, #tpu.memory_space<vmem>>
          %dma_start3A_71 = arith.constant 0 : i32
          %dma_start3A_72 = arith.constant 0 : i32
          %dma_start3A_73 = tpu.memref_slice %arg11[%dma_start3A_71, %dma_start3A_72] : memref<10240x8xf32, #tpu.memory_space<vmem_shared>> -> memref<10240x8xf32, #tpu.memory_space<vmem_shared>>
          tpu.enqueue_indirect_dma source(%arg9 : memref<128x8xf32, #tpu.memory_space<vmem>>) target(%dma_start3A_73 : memref<10240x8xf32, #tpu.memory_space<vmem_shared>>) offsets(%dma_start3A_70 : memref<128xi32, #tpu.memory_space<vmem>>) semaphore(%run_scoped3A : memref<!tpu.dma_semaphore, #tpu.memory_space<semaphore_mem>>) {add = true}
          %dma_wait3A_74 = arith.constant 0 : i32
          %dma_wait3A_75 = tpu.memref_slice %arg8[%mul3A_38, %dma_wait3A_74] : memref<88x128xi32, #tpu.memory_space<vmem>> -> memref<1x128xi32, #tpu.memory_space<vmem>>
          %dma_wait3A_76 = tpu.memref_squeeze %dma_wait3A_75 : memref<1x128xi32, #tpu.memory_space<vmem>> -> memref<128xi32, #tpu.memory_space<vmem>>
          %dma_wait3A_77 = arith.constant 0 : i32
          %dma_wait3A_78 = arith.constant 0 : i32
          %dma_wait3A_79 = tpu.memref_slice %arg11[%dma_wait3A_77, %dma_wait3A_78] : memref<10240x8xf32, #tpu.memory_space<vmem_shared>> -> memref<10240x8xf32, #tpu.memory_space<vmem_shared>>
          tpu.wait_indirect_dma semaphore(%run_scoped3A : memref<!tpu.dma_semaphore, #tpu.memory_space<semaphore_mem>>) src(%arg9 : memref<128x8xf32, #tpu.memory_space<vmem>>) dst(%dma_wait3A_79 : memref<10240x8xf32, #tpu.memory_space<vmem_shared>>)
          tpu.yield
        }) : () -> ()
        %dma_start3A_55 = arith.constant 0 : i32
        %dma_start3A_56 = tpu.memref_slice %arg7[%rem3A_42, %dma_start3A_55] : memref<88x128xi32, #tpu.memory_space<vmem>> -> memref<1x128xi32, #tpu.memory_space<vmem>>
        %dma_start3A_57 = tpu.memref_squeeze %dma_start3A_56 : memref<1x128xi32, #tpu.memory_space<vmem>> -> memref<128xi32, #tpu.memory_space<vmem>>
        %dma_start3A_58 = arith.constant 0 : i32
        %dma_start3A_59 = arith.constant 0 : i32
        %dma_start3A_60 = tpu.memref_slice %arg2[%dma_start3A_58, %dma_start3A_59] : memref<10240x8xf32, #tpu.memory_space<hbm>> -> memref<10240x8xf32, #tpu.memory_space<hbm>>
        tpu.enqueue_indirect_dma source(%dma_start3A_60 : memref<10240x8xf32, #tpu.memory_space<hbm>>) target(%arg9 : memref<128x8xf32, #tpu.memory_space<vmem>>) offsets(%dma_start3A_57 : memref<128xi32, #tpu.memory_space<vmem>>) semaphore(%arg12 : memref<!tpu.dma_semaphore, #tpu.memory_space<semaphore_mem>>)
        %dma_wait3A_61 = arith.constant 0 : i32
        %dma_wait3A_62 = tpu.memref_slice %arg7[%add3A_39, %dma_wait3A_61] : memref<88x128xi32, #tpu.memory_space<vmem>> -> memref<1x128xi32, #tpu.memory_space<vmem>>
        %dma_wait3A_63 = tpu.memref_squeeze %dma_wait3A_62 : memref<1x128xi32, #tpu.memory_space<vmem>> -> memref<128xi32, #tpu.memory_space<vmem>>
        %dma_wait3A_64 = arith.constant 0 : i32
        %dma_wait3A_65 = arith.constant 0 : i32
        %dma_wait3A_66 = tpu.memref_slice %arg2[%dma_wait3A_64, %dma_wait3A_65] : memref<10240x8xf32, #tpu.memory_space<hbm>> -> memref<10240x8xf32, #tpu.memory_space<hbm>>
        tpu.wait_indirect_dma semaphore(%arg13 : memref<!tpu.dma_semaphore, #tpu.memory_space<semaphore_mem>>) src(%dma_wait3A_66 : memref<10240x8xf32, #tpu.memory_space<hbm>>) dst(%arg10 : memref<128x8xf32, #tpu.memory_space<vmem>>)
        "tpu.region"() ({
          %run_scoped3A = tpu.sem_alloc : memref<!tpu.dma_semaphore, #tpu.memory_space<semaphore_mem>>
          %dma_start3A_68 = arith.constant 0 : i32
          %dma_start3A_69 = tpu.memref_slice %arg8[%add3A_39, %dma_start3A_68] : memref<88x128xi32, #tpu.memory_space<vmem>> -> memref<1x128xi32, #tpu.memory_space<vmem>>
          %dma_start3A_70 = tpu.memref_squeeze %dma_start3A_69 : memref<1x128xi32, #tpu.memory_space<vmem>> -> memref<128xi32, #tpu.memory_space<vmem>>
          %dma_start3A_71 = arith.constant 0 : i32
          %dma_start3A_72 = arith.constant 0 : i32
          %dma_start3A_73 = tpu.memref_slice %arg11[%dma_start3A_71, %dma_start3A_72] : memref<10240x8xf32, #tpu.memory_space<vmem_shared>> -> memref<10240x8xf32, #tpu.memory_space<vmem_shared>>
          tpu.enqueue_indirect_dma source(%arg10 : memref<128x8xf32, #tpu.memory_space<vmem>>) target(%dma_start3A_73 : memref<10240x8xf32, #tpu.memory_space<vmem_shared>>) offsets(%dma_start3A_70 : memref<128xi32, #tpu.memory_space<vmem>>) semaphore(%run_scoped3A : memref<!tpu.dma_semaphore, #tpu.memory_space<semaphore_mem>>) {add = true}
          %dma_wait3A_74 = arith.constant 0 : i32
          %dma_wait3A_75 = tpu.memref_slice %arg8[%add3A_39, %dma_wait3A_74] : memref<88x128xi32, #tpu.memory_space<vmem>> -> memref<1x128xi32, #tpu.memory_space<vmem>>
          %dma_wait3A_76 = tpu.memref_squeeze %dma_wait3A_75 : memref<1x128xi32, #tpu.memory_space<vmem>> -> memref<128xi32, #tpu.memory_space<vmem>>
          %dma_wait3A_77 = arith.constant 0 : i32
          %dma_wait3A_78 = arith.constant 0 : i32
          %dma_wait3A_79 = tpu.memref_slice %arg11[%dma_wait3A_77, %dma_wait3A_78] : memref<10240x8xf32, #tpu.memory_space<vmem_shared>> -> memref<10240x8xf32, #tpu.memory_space<vmem_shared>>
          tpu.wait_indirect_dma semaphore(%run_scoped3A : memref<!tpu.dma_semaphore, #tpu.memory_space<semaphore_mem>>) src(%arg10 : memref<128x8xf32, #tpu.memory_space<vmem>>) dst(%dma_wait3A_79 : memref<10240x8xf32, #tpu.memory_space<vmem_shared>>)
          tpu.yield
        }) : () -> ()
        %scan3A_67 = arith.constant 0 : i32
        scf.yield %scan3A_67 : i32
      }
      %scan3A_27 = arith.constant 44 : i32
      %dma_wait3A = arith.constant 0 : i32
      %dma_wait3A_28 = arith.constant 0 : i32
      %dma_wait3A_29 = tpu.memref_slice %arg7[%dma_wait3A, %dma_wait3A_28] : memref<88x128xi32, #tpu.memory_space<vmem>> -> memref<1x128xi32, #tpu.memory_space<vmem>>
      %dma_wait3A_30 = tpu.memref_squeeze %dma_wait3A_29 : memref<1x128xi32, #tpu.memory_space<vmem>> -> memref<128xi32, #tpu.memory_space<vmem>>
      %dma_wait3A_31 = arith.constant 0 : i32
      %dma_wait3A_32 = arith.constant 0 : i32
      %dma_wait3A_33 = tpu.memref_slice %arg2[%dma_wait3A_31, %dma_wait3A_32] : memref<10240x8xf32, #tpu.memory_space<hbm>> -> memref<10240x8xf32, #tpu.memory_space<hbm>>
      tpu.wait_indirect_dma semaphore(%arg12 : memref<!tpu.dma_semaphore, #tpu.memory_space<semaphore_mem>>) src(%dma_wait3A_33 : memref<10240x8xf32, #tpu.memory_space<hbm>>) dst(%arg9 : memref<128x8xf32, #tpu.memory_space<vmem>>)
      %barrier3A_34 = arith.constant 0 : index
      tpu.barrier barrier_id(%barrier3A_34)
    } else {
    }
    %eq3A_2 = arith.constant 1 : i32
    %eq3A_3 = arith.cmpi eq, %arg0, %eq3A_2 : i32
    %convert_element_type3A_4 = arith.extui %eq3A_3 : i1 to i32
    %cond3A_5 = arith.constant 0 : i32
    %cond3A_6 = arith.cmpi ne, %convert_element_type3A_4, %cond3A_5 : i32
    scf.if %cond3A_6 {
      %mul3A_10 = arith.constant 72 : i32
      %mul3A_11 = arith.muli %arg1, %mul3A_10 : i32
      %add3A = arith.constant 1408 : i32
      %add3A_12 = arith.addi %add3A, %mul3A_11 : i32
      "tpu.region"() ({
        %run_scoped3A = tpu.sem_alloc : memref<!tpu.dma_semaphore, #tpu.memory_space<semaphore_mem>>
        %dma_start3A_36 = arith.constant 0 : i32
        %dma_start3A_37 = arith.constant 0 : i32
        %dma_start3A_38 = tpu.memref_slice %arg7[%dma_start3A_36, %dma_start3A_37] : memref<88x128xi32, #tpu.memory_space<vmem>> -> memref<72x128xi32, #tpu.memory_space<vmem>>
        %dma_start3A_39 = arith.constant 0 : i32
        %dma_start3A_40 = tpu.memref_slice %arg3[%add3A_12, %dma_start3A_39] : memref<2560x128xi32, #tpu.memory_space<hbm>> -> memref<72x128xi32, #tpu.memory_space<hbm>>
        %dma_start3A_41 = arith.constant 0 : i32
        %dma_start3A_42 = arith.constant 0 : i32
        %dma_start3A_43 = tpu.memref_slice %arg7[%dma_start3A_41, %dma_start3A_42] : memref<88x128xi32, #tpu.memory_space<vmem>> -> memref<72x128xi32, #tpu.memory_space<vmem>>
        %dma_start3A_44 = arith.constant 0 : i32
        %dma_start3A_45 = tpu.memref_slice %arg3[%add3A_12, %dma_start3A_44] : memref<2560x128xi32, #tpu.memory_space<hbm>> -> memref<72x128xi32, #tpu.memory_space<hbm>>
        tpu.enqueue_dma source(%dma_start3A_45 : memref<72x128xi32, #tpu.memory_space<hbm>>) target(%dma_start3A_43 : memref<72x128xi32, #tpu.memory_space<vmem>>) target_semaphore(%run_scoped3A : memref<!tpu.dma_semaphore, #tpu.memory_space<semaphore_mem>>)
        %dma_wait3A_46 = arith.constant 0 : i32
        %dma_wait3A_47 = arith.constant 0 : i32
        %dma_wait3A_48 = tpu.memref_slice %arg7[%dma_wait3A_46, %dma_wait3A_47] : memref<88x128xi32, #tpu.memory_space<vmem>> -> memref<72x128xi32, #tpu.memory_space<vmem>>
        %dma_wait3A_49 = arith.constant 0 : i32
        %dma_wait3A_50 = tpu.memref_slice %arg3[%add3A_12, %dma_wait3A_49] : memref<2560x128xi32, #tpu.memory_space<hbm>> -> memref<72x128xi32, #tpu.memory_space<hbm>>
        %dma_wait3A_51 = arith.constant 0 : i32
        %dma_wait3A_52 = arith.constant 0 : i32
        %dma_wait3A_53 = tpu.memref_slice %arg7[%dma_wait3A_51, %dma_wait3A_52] : memref<88x128xi32, #tpu.memory_space<vmem>> -> memref<72x128xi32, #tpu.memory_space<vmem>>
        %dma_wait3A_54 = arith.constant 0 : i32
        %dma_wait3A_55 = tpu.memref_slice %arg3[%add3A_12, %dma_wait3A_54] : memref<2560x128xi32, #tpu.memory_space<hbm>> -> memref<72x128xi32, #tpu.memory_space<hbm>>
        tpu.wait_dma2 semaphore(%run_scoped3A : memref<!tpu.dma_semaphore, #tpu.memory_space<semaphore_mem>>) src(%dma_wait3A_55 : memref<72x128xi32, #tpu.memory_space<hbm>>) dst(%dma_wait3A_53 : memref<72x128xi32, #tpu.memory_space<vmem>>)
        tpu.yield
      }) : () -> ()
      "tpu.region"() ({
        %run_scoped3A = tpu.sem_alloc : memref<!tpu.dma_semaphore, #tpu.memory_space<semaphore_mem>>
        %dma_start3A_36 = arith.constant 0 : i32
        %dma_start3A_37 = arith.constant 0 : i32
        %dma_start3A_38 = tpu.memref_slice %arg8[%dma_start3A_36, %dma_start3A_37] : memref<88x128xi32, #tpu.memory_space<vmem>> -> memref<72x128xi32, #tpu.memory_space<vmem>>
        %dma_start3A_39 = arith.constant 0 : i32
        %dma_start3A_40 = tpu.memref_slice %arg4[%add3A_12, %dma_start3A_39] : memref<2560x128xi32, #tpu.memory_space<hbm>> -> memref<72x128xi32, #tpu.memory_space<hbm>>
        %dma_start3A_41 = arith.constant 0 : i32
        %dma_start3A_42 = arith.constant 0 : i32
        %dma_start3A_43 = tpu.memref_slice %arg8[%dma_start3A_41, %dma_start3A_42] : memref<88x128xi32, #tpu.memory_space<vmem>> -> memref<72x128xi32, #tpu.memory_space<vmem>>
        %dma_start3A_44 = arith.constant 0 : i32
        %dma_start3A_45 = tpu.memref_slice %arg4[%add3A_12, %dma_start3A_44] : memref<2560x128xi32, #tpu.memory_space<hbm>> -> memref<72x128xi32, #tpu.memory_space<hbm>>
        tpu.enqueue_dma source(%dma_start3A_45 : memref<72x128xi32, #tpu.memory_space<hbm>>) target(%dma_start3A_43 : memref<72x128xi32, #tpu.memory_space<vmem>>) target_semaphore(%run_scoped3A : memref<!tpu.dma_semaphore, #tpu.memory_space<semaphore_mem>>)
        %dma_wait3A_46 = arith.constant 0 : i32
        %dma_wait3A_47 = arith.constant 0 : i32
        %dma_wait3A_48 = tpu.memref_slice %arg8[%dma_wait3A_46, %dma_wait3A_47] : memref<88x128xi32, #tpu.memory_space<vmem>> -> memref<72x128xi32, #tpu.memory_space<vmem>>
        %dma_wait3A_49 = arith.constant 0 : i32
        %dma_wait3A_50 = tpu.memref_slice %arg4[%add3A_12, %dma_wait3A_49] : memref<2560x128xi32, #tpu.memory_space<hbm>> -> memref<72x128xi32, #tpu.memory_space<hbm>>
        %dma_wait3A_51 = arith.constant 0 : i32
        %dma_wait3A_52 = arith.constant 0 : i32
        %dma_wait3A_53 = tpu.memref_slice %arg8[%dma_wait3A_51, %dma_wait3A_52] : memref<88x128xi32, #tpu.memory_space<vmem>> -> memref<72x128xi32, #tpu.memory_space<vmem>>
        %dma_wait3A_54 = arith.constant 0 : i32
        %dma_wait3A_55 = tpu.memref_slice %arg4[%add3A_12, %dma_wait3A_54] : memref<2560x128xi32, #tpu.memory_space<hbm>> -> memref<72x128xi32, #tpu.memory_space<hbm>>
        tpu.wait_dma2 semaphore(%run_scoped3A : memref<!tpu.dma_semaphore, #tpu.memory_space<semaphore_mem>>) src(%dma_wait3A_55 : memref<72x128xi32, #tpu.memory_space<hbm>>) dst(%dma_wait3A_53 : memref<72x128xi32, #tpu.memory_space<vmem>>)
        tpu.yield
      }) : () -> ()
      %dma_start3A = arith.constant 0 : i32
      %dma_start3A_13 = arith.constant 0 : i32
      %dma_start3A_14 = tpu.memref_slice %arg7[%dma_start3A, %dma_start3A_13] : memref<88x128xi32, #tpu.memory_space<vmem>> -> memref<1x128xi32, #tpu.memory_space<vmem>>
      %dma_start3A_15 = tpu.memref_squeeze %dma_start3A_14 : memref<1x128xi32, #tpu.memory_space<vmem>> -> memref<128xi32, #tpu.memory_space<vmem>>
      %dma_start3A_16 = arith.constant 0 : i32
      %dma_start3A_17 = arith.constant 0 : i32
      %dma_start3A_18 = tpu.memref_slice %arg2[%dma_start3A_16, %dma_start3A_17] : memref<10240x8xf32, #tpu.memory_space<hbm>> -> memref<10240x8xf32, #tpu.memory_space<hbm>>
      tpu.enqueue_indirect_dma source(%dma_start3A_18 : memref<10240x8xf32, #tpu.memory_space<hbm>>) target(%arg9 : memref<128x8xf32, #tpu.memory_space<vmem>>) offsets(%dma_start3A_15 : memref<128xi32, #tpu.memory_space<vmem>>) semaphore(%arg12 : memref<!tpu.dma_semaphore, #tpu.memory_space<semaphore_mem>>)
      %mul3A_19 = arith.constant 640 : i32
      %mul3A_20 = arith.muli %arg1, %mul3A_19 : i32
      %mul3A_21 = arith.constant 640 : i32
      %mul3A_22 = arith.muli %arg1, %mul3A_21 : i32
      "tpu.region"() ({
        %run_scoped3A = tpu.sem_alloc : memref<!tpu.dma_semaphore, #tpu.memory_space<semaphore_mem>>
        %dma_start3A_36 = arith.constant 0 : i32
        %dma_start3A_37 = tpu.memref_slice %arg11[%mul3A_22, %dma_start3A_36] : memref<10240x8xf32, #tpu.memory_space<vmem_shared>> -> memref<640x8xf32, #tpu.memory_space<vmem_shared>>
        %dma_start3A_38 = arith.constant 0 : i32
        %dma_start3A_39 = tpu.memref_slice %arg5[%mul3A_20, %dma_start3A_38] : memref<10240x8xf32, #tpu.memory_space<hbm>> -> memref<640x8xf32, #tpu.memory_space<hbm>>
        tpu.enqueue_dma source(%dma_start3A_39 : memref<640x8xf32, #tpu.memory_space<hbm>>) target(%dma_start3A_37 : memref<640x8xf32, #tpu.memory_space<vmem_shared>>) target_semaphore(%run_scoped3A : memref<!tpu.dma_semaphore, #tpu.memory_space<semaphore_mem>>)
        %dma_wait3A_40 = arith.constant 0 : i32
        %dma_wait3A_41 = tpu.memref_slice %arg11[%mul3A_22, %dma_wait3A_40] : memref<10240x8xf32, #tpu.memory_space<vmem_shared>> -> memref<640x8xf32, #tpu.memory_space<vmem_shared>>
        %dma_wait3A_42 = arith.constant 0 : i32
        %dma_wait3A_43 = tpu.memref_slice %arg5[%mul3A_20, %dma_wait3A_42] : memref<10240x8xf32, #tpu.memory_space<hbm>> -> memref<640x8xf32, #tpu.memory_space<hbm>>
        tpu.wait_dma2 semaphore(%run_scoped3A : memref<!tpu.dma_semaphore, #tpu.memory_space<semaphore_mem>>) src(%dma_wait3A_43 : memref<640x8xf32, #tpu.memory_space<hbm>>) dst(%dma_wait3A_41 : memref<640x8xf32, #tpu.memory_space<vmem_shared>>)
        tpu.yield
      }) : () -> ()
      %barrier3A = arith.constant 0 : index
      tpu.barrier barrier_id(%barrier3A)
      %scan3A = arith.constant 0 : i32
      %scan3A_23 = arith.constant 0 : i32
      %scan3A_24 = arith.constant 36 : i32
      %scan3A_25 = arith.addi %scan3A_23, %scan3A_24 : i32
      %scan3A_26 = arith.constant 1 : i32
      %scan3A_27 = scf.for %scan3A_36 = %scan3A_23 to %scan3A_25 step %scan3A_26 iter_args(%scan3A_37 = %scan3A) -> (i32)  : i32 {
        %mul3A_38 = arith.constant 2 : i32
        %mul3A_39 = arith.muli %mul3A_38, %scan3A_36 : i32
        %add3A_40 = arith.constant 1 : i32
        %add3A_41 = arith.addi %mul3A_39, %add3A_40 : i32
        %add3A_42 = arith.constant 2 : i32
        %add3A_43 = arith.addi %mul3A_39, %add3A_42 : i32
        %rem3A = arith.constant 72 : i32
        %rem3A_44 = arith.remsi %add3A_43, %rem3A : i32
        %dma_start3A_45 = arith.constant 0 : i32
        %dma_start3A_46 = tpu.memref_slice %arg7[%add3A_41, %dma_start3A_45] : memref<88x128xi32, #tpu.memory_space<vmem>> -> memref<1x128xi32, #tpu.memory_space<vmem>>
        %dma_start3A_47 = tpu.memref_squeeze %dma_start3A_46 : memref<1x128xi32, #tpu.memory_space<vmem>> -> memref<128xi32, #tpu.memory_space<vmem>>
        %dma_start3A_48 = arith.constant 0 : i32
        %dma_start3A_49 = arith.constant 0 : i32
        %dma_start3A_50 = tpu.memref_slice %arg2[%dma_start3A_48, %dma_start3A_49] : memref<10240x8xf32, #tpu.memory_space<hbm>> -> memref<10240x8xf32, #tpu.memory_space<hbm>>
        tpu.enqueue_indirect_dma source(%dma_start3A_50 : memref<10240x8xf32, #tpu.memory_space<hbm>>) target(%arg10 : memref<128x8xf32, #tpu.memory_space<vmem>>) offsets(%dma_start3A_47 : memref<128xi32, #tpu.memory_space<vmem>>) semaphore(%arg13 : memref<!tpu.dma_semaphore, #tpu.memory_space<semaphore_mem>>)
        %dma_wait3A_51 = arith.constant 0 : i32
        %dma_wait3A_52 = tpu.memref_slice %arg7[%mul3A_39, %dma_wait3A_51] : memref<88x128xi32, #tpu.memory_space<vmem>> -> memref<1x128xi32, #tpu.memory_space<vmem>>
        %dma_wait3A_53 = tpu.memref_squeeze %dma_wait3A_52 : memref<1x128xi32, #tpu.memory_space<vmem>> -> memref<128xi32, #tpu.memory_space<vmem>>
        %dma_wait3A_54 = arith.constant 0 : i32
        %dma_wait3A_55 = arith.constant 0 : i32
        %dma_wait3A_56 = tpu.memref_slice %arg2[%dma_wait3A_54, %dma_wait3A_55] : memref<10240x8xf32, #tpu.memory_space<hbm>> -> memref<10240x8xf32, #tpu.memory_space<hbm>>
        tpu.wait_indirect_dma semaphore(%arg12 : memref<!tpu.dma_semaphore, #tpu.memory_space<semaphore_mem>>) src(%dma_wait3A_56 : memref<10240x8xf32, #tpu.memory_space<hbm>>) dst(%arg9 : memref<128x8xf32, #tpu.memory_space<vmem>>)
        "tpu.region"() ({
          %run_scoped3A = tpu.sem_alloc : memref<!tpu.dma_semaphore, #tpu.memory_space<semaphore_mem>>
          %dma_start3A_70 = arith.constant 0 : i32
          %dma_start3A_71 = tpu.memref_slice %arg8[%mul3A_39, %dma_start3A_70] : memref<88x128xi32, #tpu.memory_space<vmem>> -> memref<1x128xi32, #tpu.memory_space<vmem>>
          %dma_start3A_72 = tpu.memref_squeeze %dma_start3A_71 : memref<1x128xi32, #tpu.memory_space<vmem>> -> memref<128xi32, #tpu.memory_space<vmem>>
          %dma_start3A_73 = arith.constant 0 : i32
          %dma_start3A_74 = arith.constant 0 : i32
          %dma_start3A_75 = tpu.memref_slice %arg11[%dma_start3A_73, %dma_start3A_74] : memref<10240x8xf32, #tpu.memory_space<vmem_shared>> -> memref<10240x8xf32, #tpu.memory_space<vmem_shared>>
          tpu.enqueue_indirect_dma source(%arg9 : memref<128x8xf32, #tpu.memory_space<vmem>>) target(%dma_start3A_75 : memref<10240x8xf32, #tpu.memory_space<vmem_shared>>) offsets(%dma_start3A_72 : memref<128xi32, #tpu.memory_space<vmem>>) semaphore(%run_scoped3A : memref<!tpu.dma_semaphore, #tpu.memory_space<semaphore_mem>>) {add = true}
          %dma_wait3A_76 = arith.constant 0 : i32
          %dma_wait3A_77 = tpu.memref_slice %arg8[%mul3A_39, %dma_wait3A_76] : memref<88x128xi32, #tpu.memory_space<vmem>> -> memref<1x128xi32, #tpu.memory_space<vmem>>
          %dma_wait3A_78 = tpu.memref_squeeze %dma_wait3A_77 : memref<1x128xi32, #tpu.memory_space<vmem>> -> memref<128xi32, #tpu.memory_space<vmem>>
          %dma_wait3A_79 = arith.constant 0 : i32
          %dma_wait3A_80 = arith.constant 0 : i32
          %dma_wait3A_81 = tpu.memref_slice %arg11[%dma_wait3A_79, %dma_wait3A_80] : memref<10240x8xf32, #tpu.memory_space<vmem_shared>> -> memref<10240x8xf32, #tpu.memory_space<vmem_shared>>
          tpu.wait_indirect_dma semaphore(%run_scoped3A : memref<!tpu.dma_semaphore, #tpu.memory_space<semaphore_mem>>) src(%arg9 : memref<128x8xf32, #tpu.memory_space<vmem>>) dst(%dma_wait3A_81 : memref<10240x8xf32, #tpu.memory_space<vmem_shared>>)
          tpu.yield
        }) : () -> ()
        %dma_start3A_57 = arith.constant 0 : i32
        %dma_start3A_58 = tpu.memref_slice %arg7[%rem3A_44, %dma_start3A_57] : memref<88x128xi32, #tpu.memory_space<vmem>> -> memref<1x128xi32, #tpu.memory_space<vmem>>
        %dma_start3A_59 = tpu.memref_squeeze %dma_start3A_58 : memref<1x128xi32, #tpu.memory_space<vmem>> -> memref<128xi32, #tpu.memory_space<vmem>>
        %dma_start3A_60 = arith.constant 0 : i32
        %dma_start3A_61 = arith.constant 0 : i32
        %dma_start3A_62 = tpu.memref_slice %arg2[%dma_start3A_60, %dma_start3A_61] : memref<10240x8xf32, #tpu.memory_space<hbm>> -> memref<10240x8xf32, #tpu.memory_space<hbm>>
        tpu.enqueue_indirect_dma source(%dma_start3A_62 : memref<10240x8xf32, #tpu.memory_space<hbm>>) target(%arg9 : memref<128x8xf32, #tpu.memory_space<vmem>>) offsets(%dma_start3A_59 : memref<128xi32, #tpu.memory_space<vmem>>) semaphore(%arg12 : memref<!tpu.dma_semaphore, #tpu.memory_space<semaphore_mem>>)
        %dma_wait3A_63 = arith.constant 0 : i32
        %dma_wait3A_64 = tpu.memref_slice %arg7[%add3A_41, %dma_wait3A_63] : memref<88x128xi32, #tpu.memory_space<vmem>> -> memref<1x128xi32, #tpu.memory_space<vmem>>
        %dma_wait3A_65 = tpu.memref_squeeze %dma_wait3A_64 : memref<1x128xi32, #tpu.memory_space<vmem>> -> memref<128xi32, #tpu.memory_space<vmem>>
        %dma_wait3A_66 = arith.constant 0 : i32
        %dma_wait3A_67 = arith.constant 0 : i32
        %dma_wait3A_68 = tpu.memref_slice %arg2[%dma_wait3A_66, %dma_wait3A_67] : memref<10240x8xf32, #tpu.memory_space<hbm>> -> memref<10240x8xf32, #tpu.memory_space<hbm>>
        tpu.wait_indirect_dma semaphore(%arg13 : memref<!tpu.dma_semaphore, #tpu.memory_space<semaphore_mem>>) src(%dma_wait3A_68 : memref<10240x8xf32, #tpu.memory_space<hbm>>) dst(%arg10 : memref<128x8xf32, #tpu.memory_space<vmem>>)
        "tpu.region"() ({
          %run_scoped3A = tpu.sem_alloc : memref<!tpu.dma_semaphore, #tpu.memory_space<semaphore_mem>>
          %dma_start3A_70 = arith.constant 0 : i32
          %dma_start3A_71 = tpu.memref_slice %arg8[%add3A_41, %dma_start3A_70] : memref<88x128xi32, #tpu.memory_space<vmem>> -> memref<1x128xi32, #tpu.memory_space<vmem>>
          %dma_start3A_72 = tpu.memref_squeeze %dma_start3A_71 : memref<1x128xi32, #tpu.memory_space<vmem>> -> memref<128xi32, #tpu.memory_space<vmem>>
          %dma_start3A_73 = arith.constant 0 : i32
          %dma_start3A_74 = arith.constant 0 : i32
          %dma_start3A_75 = tpu.memref_slice %arg11[%dma_start3A_73, %dma_start3A_74] : memref<10240x8xf32, #tpu.memory_space<vmem_shared>> -> memref<10240x8xf32, #tpu.memory_space<vmem_shared>>
          tpu.enqueue_indirect_dma source(%arg10 : memref<128x8xf32, #tpu.memory_space<vmem>>) target(%dma_start3A_75 : memref<10240x8xf32, #tpu.memory_space<vmem_shared>>) offsets(%dma_start3A_72 : memref<128xi32, #tpu.memory_space<vmem>>) semaphore(%run_scoped3A : memref<!tpu.dma_semaphore, #tpu.memory_space<semaphore_mem>>) {add = true}
          %dma_wait3A_76 = arith.constant 0 : i32
          %dma_wait3A_77 = tpu.memref_slice %arg8[%add3A_41, %dma_wait3A_76] : memref<88x128xi32, #tpu.memory_space<vmem>> -> memref<1x128xi32, #tpu.memory_space<vmem>>
          %dma_wait3A_78 = tpu.memref_squeeze %dma_wait3A_77 : memref<1x128xi32, #tpu.memory_space<vmem>> -> memref<128xi32, #tpu.memory_space<vmem>>
          %dma_wait3A_79 = arith.constant 0 : i32
          %dma_wait3A_80 = arith.constant 0 : i32
          %dma_wait3A_81 = tpu.memref_slice %arg11[%dma_wait3A_79, %dma_wait3A_80] : memref<10240x8xf32, #tpu.memory_space<vmem_shared>> -> memref<10240x8xf32, #tpu.memory_space<vmem_shared>>
          tpu.wait_indirect_dma semaphore(%run_scoped3A : memref<!tpu.dma_semaphore, #tpu.memory_space<semaphore_mem>>) src(%arg10 : memref<128x8xf32, #tpu.memory_space<vmem>>) dst(%dma_wait3A_81 : memref<10240x8xf32, #tpu.memory_space<vmem_shared>>)
          tpu.yield
        }) : () -> ()
        %scan3A_69 = arith.constant 0 : i32
        scf.yield %scan3A_69 : i32
      }
      %scan3A_28 = arith.constant 36 : i32
      %dma_wait3A = arith.constant 0 : i32
      %dma_wait3A_29 = arith.constant 0 : i32
      %dma_wait3A_30 = tpu.memref_slice %arg7[%dma_wait3A, %dma_wait3A_29] : memref<88x128xi32, #tpu.memory_space<vmem>> -> memref<1x128xi32, #tpu.memory_space<vmem>>
      %dma_wait3A_31 = tpu.memref_squeeze %dma_wait3A_30 : memref<1x128xi32, #tpu.memory_space<vmem>> -> memref<128xi32, #tpu.memory_space<vmem>>
      %dma_wait3A_32 = arith.constant 0 : i32
      %dma_wait3A_33 = arith.constant 0 : i32
      %dma_wait3A_34 = tpu.memref_slice %arg2[%dma_wait3A_32, %dma_wait3A_33] : memref<10240x8xf32, #tpu.memory_space<hbm>> -> memref<10240x8xf32, #tpu.memory_space<hbm>>
      tpu.wait_indirect_dma semaphore(%arg12 : memref<!tpu.dma_semaphore, #tpu.memory_space<semaphore_mem>>) src(%dma_wait3A_34 : memref<10240x8xf32, #tpu.memory_space<hbm>>) dst(%arg9 : memref<128x8xf32, #tpu.memory_space<vmem>>)
      %barrier3A_35 = arith.constant 0 : index
      tpu.barrier barrier_id(%barrier3A_35)
    } else {
    }
    %mul3A = arith.constant 640 : i32
    %mul3A_7 = arith.muli %arg1, %mul3A : i32
    %mul3A_8 = arith.constant 640 : i32
    %mul3A_9 = arith.muli %arg1, %mul3A_8 : i32
    "tpu.region"() ({
      %run_scoped3A = tpu.sem_alloc : memref<!tpu.dma_semaphore, #tpu.memory_space<semaphore_mem>>
      %dma_start3A = arith.constant 0 : i32
      %dma_start3A_10 = tpu.memref_slice %arg6[%arg0, %mul3A_9, %dma_start3A] : memref<2x10240x8xf32, #tpu.memory_space<hbm>> -> memref<1x640x8xf32, #tpu.memory_space<hbm>>
      %dma_start3A_11 = tpu.memref_squeeze %dma_start3A_10 : memref<1x640x8xf32, #tpu.memory_space<hbm>> -> memref<640x8xf32, #tpu.memory_space<hbm>>
      %dma_start3A_12 = arith.constant 0 : i32
      %dma_start3A_13 = tpu.memref_slice %arg11[%mul3A_7, %dma_start3A_12] : memref<10240x8xf32, #tpu.memory_space<vmem_shared>> -> memref<640x8xf32, #tpu.memory_space<vmem_shared>>
      tpu.enqueue_dma source(%dma_start3A_13 : memref<640x8xf32, #tpu.memory_space<vmem_shared>>) target(%dma_start3A_11 : memref<640x8xf32, #tpu.memory_space<hbm>>) target_semaphore(%run_scoped3A : memref<!tpu.dma_semaphore, #tpu.memory_space<semaphore_mem>>)
      %dma_wait3A = arith.constant 0 : i32
      %dma_wait3A_14 = tpu.memref_slice %arg6[%arg0, %mul3A_9, %dma_wait3A] : memref<2x10240x8xf32, #tpu.memory_space<hbm>> -> memref<1x640x8xf32, #tpu.memory_space<hbm>>
      %dma_wait3A_15 = tpu.memref_squeeze %dma_wait3A_14 : memref<1x640x8xf32, #tpu.memory_space<hbm>> -> memref<640x8xf32, #tpu.memory_space<hbm>>
      %dma_wait3A_16 = arith.constant 0 : i32
      %dma_wait3A_17 = tpu.memref_slice %arg11[%mul3A_7, %dma_wait3A_16] : memref<10240x8xf32, #tpu.memory_space<vmem_shared>> -> memref<640x8xf32, #tpu.memory_space<vmem_shared>>
      tpu.wait_dma2 semaphore(%run_scoped3A : memref<!tpu.dma_semaphore, #tpu.memory_space<semaphore_mem>>) src(%dma_wait3A_17 : memref<640x8xf32, #tpu.memory_space<vmem_shared>>) dst(%dma_wait3A_15 : memref<640x8xf32, #tpu.memory_space<hbm>>)
      tpu.yield
    }) : () -> ()
    return
  }
}

#map = affine_map<(d0, d1) -> (0, 0)>
#map1 = affine_map<(d0, d1) -> (0, 0, 0)>
module attributes {stable_mosaic.version = 14 : i64} {
  func.func @_mp(%arg0: i32, %arg1: i32, %arg2: memref<10240x16xf32, #tpu.memory_space<hbm>>, %arg3: memref<2560x128xi32, #tpu.memory_space<hbm>>, %arg4: memref<2560x128xi32, #tpu.memory_space<hbm>>, %arg5: memref<10240x16xf32, #tpu.memory_space<hbm>>, %arg6: memref<2x10240x16xf32, #tpu.memory_space<hbm>>, %arg7: memref<118x128xi32, #tpu.memory_space<vmem>>, %arg8: memref<118x128xi32, #tpu.memory_space<vmem>>, %arg9: memref<128x16xf32, #tpu.memory_space<vmem>>, %arg10: memref<128x16xf32, #tpu.memory_space<vmem>>, %arg11: memref<10240x16xf32, #tpu.memory_space<vmem_shared>>, %arg12: memref<!tpu.dma_semaphore, #tpu.memory_space<semaphore_mem>>, %arg13: memref<!tpu.dma_semaphore, #tpu.memory_space<semaphore_mem>>, %arg14: memref<640x16xf32, #tpu.memory_space<vmem>>) attributes {dimension_semantics = [#tpu.dimension_semantics<core_parallel>, #tpu.dimension_semantics<subcore_parallel>], iteration_bounds = array<i64: 2, 16>, scalar_prefetch = 0 : i64, scratch_operands = 8 : i64, tpu.core_type = #tpu.core_type<sc_vector_subcore>, window_params = [{transform_indices = #map}, {transform_indices = #map}, {transform_indices = #map}, {transform_indices = #map}, {transform_indices = #map1}]} {
    %eq3A = arith.constant 0 : i32
    %eq3A_0 = arith.cmpi eq, %arg0, %eq3A : i32
    %convert_element_type3A = arith.extui %eq3A_0 : i1 to i32
    %cond3A = arith.constant 0 : i32
    %cond3A_1 = arith.cmpi ne, %convert_element_type3A, %cond3A : i32
    scf.if %cond3A_1 {
      %mul3A_10 = arith.constant 118 : i32
      %mul3A_11 = arith.muli %arg1, %mul3A_10 : i32
      "tpu.region"() ({
        %run_scoped3A = tpu.sem_alloc : memref<!tpu.dma_semaphore, #tpu.memory_space<semaphore_mem>>
        %dma_start3A_40 = arith.constant 0 : i32
        %dma_start3A_41 = arith.constant 0 : i32
        %dma_start3A_42 = tpu.memref_slice %arg7[%dma_start3A_40, %dma_start3A_41] : memref<118x128xi32, #tpu.memory_space<vmem>> -> memref<118x128xi32, #tpu.memory_space<vmem>>
        %dma_start3A_43 = arith.constant 0 : i32
        %dma_start3A_44 = tpu.memref_slice %arg3[%mul3A_11, %dma_start3A_43] : memref<2560x128xi32, #tpu.memory_space<hbm>> -> memref<118x128xi32, #tpu.memory_space<hbm>>
        %dma_start3A_45 = arith.constant 0 : i32
        %dma_start3A_46 = arith.constant 0 : i32
        %dma_start3A_47 = tpu.memref_slice %arg7[%dma_start3A_45, %dma_start3A_46] : memref<118x128xi32, #tpu.memory_space<vmem>> -> memref<118x128xi32, #tpu.memory_space<vmem>>
        %dma_start3A_48 = arith.constant 0 : i32
        %dma_start3A_49 = tpu.memref_slice %arg3[%mul3A_11, %dma_start3A_48] : memref<2560x128xi32, #tpu.memory_space<hbm>> -> memref<118x128xi32, #tpu.memory_space<hbm>>
        tpu.enqueue_dma source(%dma_start3A_49 : memref<118x128xi32, #tpu.memory_space<hbm>>) target(%dma_start3A_47 : memref<118x128xi32, #tpu.memory_space<vmem>>) target_semaphore(%run_scoped3A : memref<!tpu.dma_semaphore, #tpu.memory_space<semaphore_mem>>)
        %dma_wait3A_50 = arith.constant 0 : i32
        %dma_wait3A_51 = arith.constant 0 : i32
        %dma_wait3A_52 = tpu.memref_slice %arg7[%dma_wait3A_50, %dma_wait3A_51] : memref<118x128xi32, #tpu.memory_space<vmem>> -> memref<118x128xi32, #tpu.memory_space<vmem>>
        %dma_wait3A_53 = arith.constant 0 : i32
        %dma_wait3A_54 = tpu.memref_slice %arg3[%mul3A_11, %dma_wait3A_53] : memref<2560x128xi32, #tpu.memory_space<hbm>> -> memref<118x128xi32, #tpu.memory_space<hbm>>
        %dma_wait3A_55 = arith.constant 0 : i32
        %dma_wait3A_56 = arith.constant 0 : i32
        %dma_wait3A_57 = tpu.memref_slice %arg7[%dma_wait3A_55, %dma_wait3A_56] : memref<118x128xi32, #tpu.memory_space<vmem>> -> memref<118x128xi32, #tpu.memory_space<vmem>>
        %dma_wait3A_58 = arith.constant 0 : i32
        %dma_wait3A_59 = tpu.memref_slice %arg3[%mul3A_11, %dma_wait3A_58] : memref<2560x128xi32, #tpu.memory_space<hbm>> -> memref<118x128xi32, #tpu.memory_space<hbm>>
        tpu.wait_dma2 semaphore(%run_scoped3A : memref<!tpu.dma_semaphore, #tpu.memory_space<semaphore_mem>>) src(%dma_wait3A_59 : memref<118x128xi32, #tpu.memory_space<hbm>>) dst(%dma_wait3A_57 : memref<118x128xi32, #tpu.memory_space<vmem>>)
        tpu.yield
      }) : () -> ()
      "tpu.region"() ({
        %run_scoped3A = tpu.sem_alloc : memref<!tpu.dma_semaphore, #tpu.memory_space<semaphore_mem>>
        %dma_start3A_40 = arith.constant 0 : i32
        %dma_start3A_41 = arith.constant 0 : i32
        %dma_start3A_42 = tpu.memref_slice %arg8[%dma_start3A_40, %dma_start3A_41] : memref<118x128xi32, #tpu.memory_space<vmem>> -> memref<118x128xi32, #tpu.memory_space<vmem>>
        %dma_start3A_43 = arith.constant 0 : i32
        %dma_start3A_44 = tpu.memref_slice %arg4[%mul3A_11, %dma_start3A_43] : memref<2560x128xi32, #tpu.memory_space<hbm>> -> memref<118x128xi32, #tpu.memory_space<hbm>>
        %dma_start3A_45 = arith.constant 0 : i32
        %dma_start3A_46 = arith.constant 0 : i32
        %dma_start3A_47 = tpu.memref_slice %arg8[%dma_start3A_45, %dma_start3A_46] : memref<118x128xi32, #tpu.memory_space<vmem>> -> memref<118x128xi32, #tpu.memory_space<vmem>>
        %dma_start3A_48 = arith.constant 0 : i32
        %dma_start3A_49 = tpu.memref_slice %arg4[%mul3A_11, %dma_start3A_48] : memref<2560x128xi32, #tpu.memory_space<hbm>> -> memref<118x128xi32, #tpu.memory_space<hbm>>
        tpu.enqueue_dma source(%dma_start3A_49 : memref<118x128xi32, #tpu.memory_space<hbm>>) target(%dma_start3A_47 : memref<118x128xi32, #tpu.memory_space<vmem>>) target_semaphore(%run_scoped3A : memref<!tpu.dma_semaphore, #tpu.memory_space<semaphore_mem>>)
        %dma_wait3A_50 = arith.constant 0 : i32
        %dma_wait3A_51 = arith.constant 0 : i32
        %dma_wait3A_52 = tpu.memref_slice %arg8[%dma_wait3A_50, %dma_wait3A_51] : memref<118x128xi32, #tpu.memory_space<vmem>> -> memref<118x128xi32, #tpu.memory_space<vmem>>
        %dma_wait3A_53 = arith.constant 0 : i32
        %dma_wait3A_54 = tpu.memref_slice %arg4[%mul3A_11, %dma_wait3A_53] : memref<2560x128xi32, #tpu.memory_space<hbm>> -> memref<118x128xi32, #tpu.memory_space<hbm>>
        %dma_wait3A_55 = arith.constant 0 : i32
        %dma_wait3A_56 = arith.constant 0 : i32
        %dma_wait3A_57 = tpu.memref_slice %arg8[%dma_wait3A_55, %dma_wait3A_56] : memref<118x128xi32, #tpu.memory_space<vmem>> -> memref<118x128xi32, #tpu.memory_space<vmem>>
        %dma_wait3A_58 = arith.constant 0 : i32
        %dma_wait3A_59 = tpu.memref_slice %arg4[%mul3A_11, %dma_wait3A_58] : memref<2560x128xi32, #tpu.memory_space<hbm>> -> memref<118x128xi32, #tpu.memory_space<hbm>>
        tpu.wait_dma2 semaphore(%run_scoped3A : memref<!tpu.dma_semaphore, #tpu.memory_space<semaphore_mem>>) src(%dma_wait3A_59 : memref<118x128xi32, #tpu.memory_space<hbm>>) dst(%dma_wait3A_57 : memref<118x128xi32, #tpu.memory_space<vmem>>)
        tpu.yield
      }) : () -> ()
      %dma_start3A = arith.constant 0 : i32
      %dma_start3A_12 = arith.constant 0 : i32
      %dma_start3A_13 = tpu.memref_slice %arg7[%dma_start3A, %dma_start3A_12] : memref<118x128xi32, #tpu.memory_space<vmem>> -> memref<1x128xi32, #tpu.memory_space<vmem>>
      %dma_start3A_14 = tpu.memref_squeeze %dma_start3A_13 : memref<1x128xi32, #tpu.memory_space<vmem>> -> memref<128xi32, #tpu.memory_space<vmem>>
      %dma_start3A_15 = arith.constant 0 : i32
      %dma_start3A_16 = arith.constant 0 : i32
      %dma_start3A_17 = tpu.memref_slice %arg2[%dma_start3A_15, %dma_start3A_16] : memref<10240x16xf32, #tpu.memory_space<hbm>> -> memref<10240x16xf32, #tpu.memory_space<hbm>>
      tpu.enqueue_indirect_dma source(%dma_start3A_17 : memref<10240x16xf32, #tpu.memory_space<hbm>>) target(%arg9 : memref<128x16xf32, #tpu.memory_space<vmem>>) offsets(%dma_start3A_14 : memref<128xi32, #tpu.memory_space<vmem>>) semaphore(%arg12 : memref<!tpu.dma_semaphore, #tpu.memory_space<semaphore_mem>>)
      %scan3A = arith.constant 0 : i32
      %scan3A_18 = arith.constant 0 : i32
      %scan3A_19 = arith.constant 80 : i32
      %scan3A_20 = arith.addi %scan3A_18, %scan3A_19 : i32
      %scan3A_21 = arith.constant 1 : i32
      %scan3A_22 = scf.for %scan3A_40 = %scan3A_18 to %scan3A_20 step %scan3A_21 iter_args(%scan3A_41 = %scan3A) -> (i32)  : i32 {
        %broadcast_in_dim3A = arith.constant 0.000000e+00 : f32
        %broadcast_in_dim3A_42 = vector.broadcast %broadcast_in_dim3A : f32 to vector<16xf32>
        %mul3A_43 = arith.constant 8 : i32
        %mul3A_44 = arith.muli %scan3A_40, %mul3A_43 : i32
        %add3A = arith.constant 0 : i32
        %add3A_45 = arith.addi %mul3A_44, %add3A : i32
        %swap3A = arith.index_cast %add3A_45 : i32 to index
        %swap3A_46 = arith.constant 0 : index
        %swap3A_47 = tpu.vector_load %arg14[%swap3A, %swap3A_46] {strides = array<i32>} : memref<640x16xf32, #tpu.memory_space<vmem>>, vector<1x16xf32>,
        %swap3A_48 = vector.shape_cast %swap3A_47 : vector<1x16xf32> to vector<16xf32>
        %swap3A_49 = vector.shape_cast %broadcast_in_dim3A_42 : vector<16xf32> to vector<1x16xf32>
        tpu.vector_store %arg14[%swap3A, %swap3A_46], %swap3A_49 {strides = array<i32>} : memref<640x16xf32, #tpu.memory_space<vmem>>, vector<1x16xf32>,
        %broadcast_in_dim3A_50 = arith.constant 0.000000e+00 : f32
        %broadcast_in_dim3A_51 = vector.broadcast %broadcast_in_dim3A_50 : f32 to vector<16xf32>
        %mul3A_52 = arith.constant 8 : i32
        %mul3A_53 = arith.muli %scan3A_40, %mul3A_52 : i32
        %add3A_54 = arith.constant 1 : i32
        %add3A_55 = arith.addi %mul3A_53, %add3A_54 : i32
        %swap3A_56 = arith.index_cast %add3A_55 : i32 to index
        %swap3A_57 = arith.constant 0 : index
        %swap3A_58 = tpu.vector_load %arg14[%swap3A_56, %swap3A_57] {strides = array<i32>} : memref<640x16xf32, #tpu.memory_space<vmem>>, vector<1x16xf32>,
        %swap3A_59 = vector.shape_cast %swap3A_58 : vector<1x16xf32> to vector<16xf32>
        %swap3A_60 = vector.shape_cast %broadcast_in_dim3A_51 : vector<16xf32> to vector<1x16xf32>
        tpu.vector_store %arg14[%swap3A_56, %swap3A_57], %swap3A_60 {strides = array<i32>} : memref<640x16xf32, #tpu.memory_space<vmem>>, vector<1x16xf32>,
        %broadcast_in_dim3A_61 = arith.constant 0.000000e+00 : f32
        %broadcast_in_dim3A_62 = vector.broadcast %broadcast_in_dim3A_61 : f32 to vector<16xf32>
        %mul3A_63 = arith.constant 8 : i32
        %mul3A_64 = arith.muli %scan3A_40, %mul3A_63 : i32
        %add3A_65 = arith.constant 2 : i32
        %add3A_66 = arith.addi %mul3A_64, %add3A_65 : i32
        %swap3A_67 = arith.index_cast %add3A_66 : i32 to index
        %swap3A_68 = arith.constant 0 : index
        %swap3A_69 = tpu.vector_load %arg14[%swap3A_67, %swap3A_68] {strides = array<i32>} : memref<640x16xf32, #tpu.memory_space<vmem>>, vector<1x16xf32>,
        %swap3A_70 = vector.shape_cast %swap3A_69 : vector<1x16xf32> to vector<16xf32>
        %swap3A_71 = vector.shape_cast %broadcast_in_dim3A_62 : vector<16xf32> to vector<1x16xf32>
        tpu.vector_store %arg14[%swap3A_67, %swap3A_68], %swap3A_71 {strides = array<i32>} : memref<640x16xf32, #tpu.memory_space<vmem>>, vector<1x16xf32>,
        %broadcast_in_dim3A_72 = arith.constant 0.000000e+00 : f32
        %broadcast_in_dim3A_73 = vector.broadcast %broadcast_in_dim3A_72 : f32 to vector<16xf32>
        %mul3A_74 = arith.constant 8 : i32
        %mul3A_75 = arith.muli %scan3A_40, %mul3A_74 : i32
        %add3A_76 = arith.constant 3 : i32
        %add3A_77 = arith.addi %mul3A_75, %add3A_76 : i32
        %swap3A_78 = arith.index_cast %add3A_77 : i32 to index
        %swap3A_79 = arith.constant 0 : index
        %swap3A_80 = tpu.vector_load %arg14[%swap3A_78, %swap3A_79] {strides = array<i32>} : memref<640x16xf32, #tpu.memory_space<vmem>>, vector<1x16xf32>,
        %swap3A_81 = vector.shape_cast %swap3A_80 : vector<1x16xf32> to vector<16xf32>
        %swap3A_82 = vector.shape_cast %broadcast_in_dim3A_73 : vector<16xf32> to vector<1x16xf32>
        tpu.vector_store %arg14[%swap3A_78, %swap3A_79], %swap3A_82 {strides = array<i32>} : memref<640x16xf32, #tpu.memory_space<vmem>>, vector<1x16xf32>,
        %broadcast_in_dim3A_83 = arith.constant 0.000000e+00 : f32
        %broadcast_in_dim3A_84 = vector.broadcast %broadcast_in_dim3A_83 : f32 to vector<16xf32>
        %mul3A_85 = arith.constant 8 : i32
        %mul3A_86 = arith.muli %scan3A_40, %mul3A_85 : i32
        %add3A_87 = arith.constant 4 : i32
        %add3A_88 = arith.addi %mul3A_86, %add3A_87 : i32
        %swap3A_89 = arith.index_cast %add3A_88 : i32 to index
        %swap3A_90 = arith.constant 0 : index
        %swap3A_91 = tpu.vector_load %arg14[%swap3A_89, %swap3A_90] {strides = array<i32>} : memref<640x16xf32, #tpu.memory_space<vmem>>, vector<1x16xf32>,
        %swap3A_92 = vector.shape_cast %swap3A_91 : vector<1x16xf32> to vector<16xf32>
        %swap3A_93 = vector.shape_cast %broadcast_in_dim3A_84 : vector<16xf32> to vector<1x16xf32>
        tpu.vector_store %arg14[%swap3A_89, %swap3A_90], %swap3A_93 {strides = array<i32>} : memref<640x16xf32, #tpu.memory_space<vmem>>, vector<1x16xf32>,
        %broadcast_in_dim3A_94 = arith.constant 0.000000e+00 : f32
        %broadcast_in_dim3A_95 = vector.broadcast %broadcast_in_dim3A_94 : f32 to vector<16xf32>
        %mul3A_96 = arith.constant 8 : i32
        %mul3A_97 = arith.muli %scan3A_40, %mul3A_96 : i32
        %add3A_98 = arith.constant 5 : i32
        %add3A_99 = arith.addi %mul3A_97, %add3A_98 : i32
        %swap3A_100 = arith.index_cast %add3A_99 : i32 to index
        %swap3A_101 = arith.constant 0 : index
        %swap3A_102 = tpu.vector_load %arg14[%swap3A_100, %swap3A_101] {strides = array<i32>} : memref<640x16xf32, #tpu.memory_space<vmem>>, vector<1x16xf32>,
        %swap3A_103 = vector.shape_cast %swap3A_102 : vector<1x16xf32> to vector<16xf32>
        %swap3A_104 = vector.shape_cast %broadcast_in_dim3A_95 : vector<16xf32> to vector<1x16xf32>
        tpu.vector_store %arg14[%swap3A_100, %swap3A_101], %swap3A_104 {strides = array<i32>} : memref<640x16xf32, #tpu.memory_space<vmem>>, vector<1x16xf32>,
        %broadcast_in_dim3A_105 = arith.constant 0.000000e+00 : f32
        %broadcast_in_dim3A_106 = vector.broadcast %broadcast_in_dim3A_105 : f32 to vector<16xf32>
        %mul3A_107 = arith.constant 8 : i32
        %mul3A_108 = arith.muli %scan3A_40, %mul3A_107 : i32
        %add3A_109 = arith.constant 6 : i32
        %add3A_110 = arith.addi %mul3A_108, %add3A_109 : i32
        %swap3A_111 = arith.index_cast %add3A_110 : i32 to index
        %swap3A_112 = arith.constant 0 : index
        %swap3A_113 = tpu.vector_load %arg14[%swap3A_111, %swap3A_112] {strides = array<i32>} : memref<640x16xf32, #tpu.memory_space<vmem>>, vector<1x16xf32>,
        %swap3A_114 = vector.shape_cast %swap3A_113 : vector<1x16xf32> to vector<16xf32>
        %swap3A_115 = vector.shape_cast %broadcast_in_dim3A_106 : vector<16xf32> to vector<1x16xf32>
        tpu.vector_store %arg14[%swap3A_111, %swap3A_112], %swap3A_115 {strides = array<i32>} : memref<640x16xf32, #tpu.memory_space<vmem>>, vector<1x16xf32>,
        %broadcast_in_dim3A_116 = arith.constant 0.000000e+00 : f32
        %broadcast_in_dim3A_117 = vector.broadcast %broadcast_in_dim3A_116 : f32 to vector<16xf32>
        %mul3A_118 = arith.constant 8 : i32
        %mul3A_119 = arith.muli %scan3A_40, %mul3A_118 : i32
        %add3A_120 = arith.constant 7 : i32
        %add3A_121 = arith.addi %mul3A_119, %add3A_120 : i32
        %swap3A_122 = arith.index_cast %add3A_121 : i32 to index
        %swap3A_123 = arith.constant 0 : index
        %swap3A_124 = tpu.vector_load %arg14[%swap3A_122, %swap3A_123] {strides = array<i32>} : memref<640x16xf32, #tpu.memory_space<vmem>>, vector<1x16xf32>,
        %swap3A_125 = vector.shape_cast %swap3A_124 : vector<1x16xf32> to vector<16xf32>
        %swap3A_126 = vector.shape_cast %broadcast_in_dim3A_117 : vector<16xf32> to vector<1x16xf32>
        tpu.vector_store %arg14[%swap3A_122, %swap3A_123], %swap3A_126 {strides = array<i32>} : memref<640x16xf32, #tpu.memory_space<vmem>>, vector<1x16xf32>,
        %scan3A_127 = arith.constant 0 : i32
        scf.yield %scan3A_127 : i32
      }
      %scan3A_23 = arith.constant 80 : i32
      %mul3A_24 = arith.constant 640 : i32
      %mul3A_25 = arith.muli %arg1, %mul3A_24 : i32
      "tpu.region"() ({
        %run_scoped3A = tpu.sem_alloc : memref<!tpu.dma_semaphore, #tpu.memory_space<semaphore_mem>>
        %dma_start3A_40 = arith.constant 0 : i32
        %dma_start3A_41 = tpu.memref_slice %arg11[%mul3A_25, %dma_start3A_40] : memref<10240x16xf32, #tpu.memory_space<vmem_shared>> -> memref<640x16xf32, #tpu.memory_space<vmem_shared>>
        %dma_start3A_42 = arith.constant 0 : i32
        %dma_start3A_43 = tpu.memref_slice %arg11[%mul3A_25, %dma_start3A_42] : memref<10240x16xf32, #tpu.memory_space<vmem_shared>> -> memref<640x16xf32, #tpu.memory_space<vmem_shared>>
        tpu.enqueue_dma source(%arg14 : memref<640x16xf32, #tpu.memory_space<vmem>>) target(%dma_start3A_43 : memref<640x16xf32, #tpu.memory_space<vmem_shared>>) target_semaphore(%run_scoped3A : memref<!tpu.dma_semaphore, #tpu.memory_space<semaphore_mem>>)
        %dma_wait3A_44 = arith.constant 0 : i32
        %dma_wait3A_45 = tpu.memref_slice %arg11[%mul3A_25, %dma_wait3A_44] : memref<10240x16xf32, #tpu.memory_space<vmem_shared>> -> memref<640x16xf32, #tpu.memory_space<vmem_shared>>
        %dma_wait3A_46 = arith.constant 0 : i32
        %dma_wait3A_47 = tpu.memref_slice %arg11[%mul3A_25, %dma_wait3A_46] : memref<10240x16xf32, #tpu.memory_space<vmem_shared>> -> memref<640x16xf32, #tpu.memory_space<vmem_shared>>
        tpu.wait_dma2 semaphore(%run_scoped3A : memref<!tpu.dma_semaphore, #tpu.memory_space<semaphore_mem>>) src(%arg14 : memref<640x16xf32, #tpu.memory_space<vmem>>) dst(%dma_wait3A_47 : memref<640x16xf32, #tpu.memory_space<vmem_shared>>)
        tpu.yield
      }) : () -> ()
      %barrier3A = arith.constant 0 : index
      tpu.barrier barrier_id(%barrier3A)
      %scan3A_26 = arith.constant 0 : i32
      %scan3A_27 = arith.constant 0 : i32
      %scan3A_28 = arith.constant 59 : i32
      %scan3A_29 = arith.addi %scan3A_27, %scan3A_28 : i32
      %scan3A_30 = arith.constant 1 : i32
      %scan3A_31 = scf.for %scan3A_40 = %scan3A_27 to %scan3A_29 step %scan3A_30 iter_args(%scan3A_41 = %scan3A_26) -> (i32)  : i32 {
        %mul3A_42 = arith.constant 2 : i32
        %mul3A_43 = arith.muli %mul3A_42, %scan3A_40 : i32
        %add3A = arith.constant 1 : i32
        %add3A_44 = arith.addi %mul3A_43, %add3A : i32
        %add3A_45 = arith.constant 2 : i32
        %add3A_46 = arith.addi %mul3A_43, %add3A_45 : i32
        %rem3A = arith.constant 118 : i32
        %rem3A_47 = arith.remsi %add3A_46, %rem3A : i32
        %dma_start3A_48 = arith.constant 0 : i32
        %dma_start3A_49 = tpu.memref_slice %arg7[%add3A_44, %dma_start3A_48] : memref<118x128xi32, #tpu.memory_space<vmem>> -> memref<1x128xi32, #tpu.memory_space<vmem>>
        %dma_start3A_50 = tpu.memref_squeeze %dma_start3A_49 : memref<1x128xi32, #tpu.memory_space<vmem>> -> memref<128xi32, #tpu.memory_space<vmem>>
        %dma_start3A_51 = arith.constant 0 : i32
        %dma_start3A_52 = arith.constant 0 : i32
        %dma_start3A_53 = tpu.memref_slice %arg2[%dma_start3A_51, %dma_start3A_52] : memref<10240x16xf32, #tpu.memory_space<hbm>> -> memref<10240x16xf32, #tpu.memory_space<hbm>>
        tpu.enqueue_indirect_dma source(%dma_start3A_53 : memref<10240x16xf32, #tpu.memory_space<hbm>>) target(%arg10 : memref<128x16xf32, #tpu.memory_space<vmem>>) offsets(%dma_start3A_50 : memref<128xi32, #tpu.memory_space<vmem>>) semaphore(%arg13 : memref<!tpu.dma_semaphore, #tpu.memory_space<semaphore_mem>>)
        %dma_wait3A_54 = arith.constant 0 : i32
        %dma_wait3A_55 = tpu.memref_slice %arg7[%mul3A_43, %dma_wait3A_54] : memref<118x128xi32, #tpu.memory_space<vmem>> -> memref<1x128xi32, #tpu.memory_space<vmem>>
        %dma_wait3A_56 = tpu.memref_squeeze %dma_wait3A_55 : memref<1x128xi32, #tpu.memory_space<vmem>> -> memref<128xi32, #tpu.memory_space<vmem>>
        %dma_wait3A_57 = arith.constant 0 : i32
        %dma_wait3A_58 = arith.constant 0 : i32
        %dma_wait3A_59 = tpu.memref_slice %arg2[%dma_wait3A_57, %dma_wait3A_58] : memref<10240x16xf32, #tpu.memory_space<hbm>> -> memref<10240x16xf32, #tpu.memory_space<hbm>>
        tpu.wait_indirect_dma semaphore(%arg12 : memref<!tpu.dma_semaphore, #tpu.memory_space<semaphore_mem>>) src(%dma_wait3A_59 : memref<10240x16xf32, #tpu.memory_space<hbm>>) dst(%arg9 : memref<128x16xf32, #tpu.memory_space<vmem>>)
        "tpu.region"() ({
          %run_scoped3A = tpu.sem_alloc : memref<!tpu.dma_semaphore, #tpu.memory_space<semaphore_mem>>
          %dma_start3A_73 = arith.constant 0 : i32
          %dma_start3A_74 = tpu.memref_slice %arg8[%mul3A_43, %dma_start3A_73] : memref<118x128xi32, #tpu.memory_space<vmem>> -> memref<1x128xi32, #tpu.memory_space<vmem>>
          %dma_start3A_75 = tpu.memref_squeeze %dma_start3A_74 : memref<1x128xi32, #tpu.memory_space<vmem>> -> memref<128xi32, #tpu.memory_space<vmem>>
          %dma_start3A_76 = arith.constant 0 : i32
          %dma_start3A_77 = arith.constant 0 : i32
          %dma_start3A_78 = tpu.memref_slice %arg11[%dma_start3A_76, %dma_start3A_77] : memref<10240x16xf32, #tpu.memory_space<vmem_shared>> -> memref<10240x16xf32, #tpu.memory_space<vmem_shared>>
          tpu.enqueue_indirect_dma source(%arg9 : memref<128x16xf32, #tpu.memory_space<vmem>>) target(%dma_start3A_78 : memref<10240x16xf32, #tpu.memory_space<vmem_shared>>) offsets(%dma_start3A_75 : memref<128xi32, #tpu.memory_space<vmem>>) semaphore(%run_scoped3A : memref<!tpu.dma_semaphore, #tpu.memory_space<semaphore_mem>>) {add = true}
          %dma_wait3A_79 = arith.constant 0 : i32
          %dma_wait3A_80 = tpu.memref_slice %arg8[%mul3A_43, %dma_wait3A_79] : memref<118x128xi32, #tpu.memory_space<vmem>> -> memref<1x128xi32, #tpu.memory_space<vmem>>
          %dma_wait3A_81 = tpu.memref_squeeze %dma_wait3A_80 : memref<1x128xi32, #tpu.memory_space<vmem>> -> memref<128xi32, #tpu.memory_space<vmem>>
          %dma_wait3A_82 = arith.constant 0 : i32
          %dma_wait3A_83 = arith.constant 0 : i32
          %dma_wait3A_84 = tpu.memref_slice %arg11[%dma_wait3A_82, %dma_wait3A_83] : memref<10240x16xf32, #tpu.memory_space<vmem_shared>> -> memref<10240x16xf32, #tpu.memory_space<vmem_shared>>
          tpu.wait_indirect_dma semaphore(%run_scoped3A : memref<!tpu.dma_semaphore, #tpu.memory_space<semaphore_mem>>) src(%arg9 : memref<128x16xf32, #tpu.memory_space<vmem>>) dst(%dma_wait3A_84 : memref<10240x16xf32, #tpu.memory_space<vmem_shared>>)
          tpu.yield
        }) : () -> ()
        %dma_start3A_60 = arith.constant 0 : i32
        %dma_start3A_61 = tpu.memref_slice %arg7[%rem3A_47, %dma_start3A_60] : memref<118x128xi32, #tpu.memory_space<vmem>> -> memref<1x128xi32, #tpu.memory_space<vmem>>
        %dma_start3A_62 = tpu.memref_squeeze %dma_start3A_61 : memref<1x128xi32, #tpu.memory_space<vmem>> -> memref<128xi32, #tpu.memory_space<vmem>>
        %dma_start3A_63 = arith.constant 0 : i32
        %dma_start3A_64 = arith.constant 0 : i32
        %dma_start3A_65 = tpu.memref_slice %arg2[%dma_start3A_63, %dma_start3A_64] : memref<10240x16xf32, #tpu.memory_space<hbm>> -> memref<10240x16xf32, #tpu.memory_space<hbm>>
        tpu.enqueue_indirect_dma source(%dma_start3A_65 : memref<10240x16xf32, #tpu.memory_space<hbm>>) target(%arg9 : memref<128x16xf32, #tpu.memory_space<vmem>>) offsets(%dma_start3A_62 : memref<128xi32, #tpu.memory_space<vmem>>) semaphore(%arg12 : memref<!tpu.dma_semaphore, #tpu.memory_space<semaphore_mem>>)
        %dma_wait3A_66 = arith.constant 0 : i32
        %dma_wait3A_67 = tpu.memref_slice %arg7[%add3A_44, %dma_wait3A_66] : memref<118x128xi32, #tpu.memory_space<vmem>> -> memref<1x128xi32, #tpu.memory_space<vmem>>
        %dma_wait3A_68 = tpu.memref_squeeze %dma_wait3A_67 : memref<1x128xi32, #tpu.memory_space<vmem>> -> memref<128xi32, #tpu.memory_space<vmem>>
        %dma_wait3A_69 = arith.constant 0 : i32
        %dma_wait3A_70 = arith.constant 0 : i32
        %dma_wait3A_71 = tpu.memref_slice %arg2[%dma_wait3A_69, %dma_wait3A_70] : memref<10240x16xf32, #tpu.memory_space<hbm>> -> memref<10240x16xf32, #tpu.memory_space<hbm>>
        tpu.wait_indirect_dma semaphore(%arg13 : memref<!tpu.dma_semaphore, #tpu.memory_space<semaphore_mem>>) src(%dma_wait3A_71 : memref<10240x16xf32, #tpu.memory_space<hbm>>) dst(%arg10 : memref<128x16xf32, #tpu.memory_space<vmem>>)
        "tpu.region"() ({
          %run_scoped3A = tpu.sem_alloc : memref<!tpu.dma_semaphore, #tpu.memory_space<semaphore_mem>>
          %dma_start3A_73 = arith.constant 0 : i32
          %dma_start3A_74 = tpu.memref_slice %arg8[%add3A_44, %dma_start3A_73] : memref<118x128xi32, #tpu.memory_space<vmem>> -> memref<1x128xi32, #tpu.memory_space<vmem>>
          %dma_start3A_75 = tpu.memref_squeeze %dma_start3A_74 : memref<1x128xi32, #tpu.memory_space<vmem>> -> memref<128xi32, #tpu.memory_space<vmem>>
          %dma_start3A_76 = arith.constant 0 : i32
          %dma_start3A_77 = arith.constant 0 : i32
          %dma_start3A_78 = tpu.memref_slice %arg11[%dma_start3A_76, %dma_start3A_77] : memref<10240x16xf32, #tpu.memory_space<vmem_shared>> -> memref<10240x16xf32, #tpu.memory_space<vmem_shared>>
          tpu.enqueue_indirect_dma source(%arg10 : memref<128x16xf32, #tpu.memory_space<vmem>>) target(%dma_start3A_78 : memref<10240x16xf32, #tpu.memory_space<vmem_shared>>) offsets(%dma_start3A_75 : memref<128xi32, #tpu.memory_space<vmem>>) semaphore(%run_scoped3A : memref<!tpu.dma_semaphore, #tpu.memory_space<semaphore_mem>>) {add = true}
          %dma_wait3A_79 = arith.constant 0 : i32
          %dma_wait3A_80 = tpu.memref_slice %arg8[%add3A_44, %dma_wait3A_79] : memref<118x128xi32, #tpu.memory_space<vmem>> -> memref<1x128xi32, #tpu.memory_space<vmem>>
          %dma_wait3A_81 = tpu.memref_squeeze %dma_wait3A_80 : memref<1x128xi32, #tpu.memory_space<vmem>> -> memref<128xi32, #tpu.memory_space<vmem>>
          %dma_wait3A_82 = arith.constant 0 : i32
          %dma_wait3A_83 = arith.constant 0 : i32
          %dma_wait3A_84 = tpu.memref_slice %arg11[%dma_wait3A_82, %dma_wait3A_83] : memref<10240x16xf32, #tpu.memory_space<vmem_shared>> -> memref<10240x16xf32, #tpu.memory_space<vmem_shared>>
          tpu.wait_indirect_dma semaphore(%run_scoped3A : memref<!tpu.dma_semaphore, #tpu.memory_space<semaphore_mem>>) src(%arg10 : memref<128x16xf32, #tpu.memory_space<vmem>>) dst(%dma_wait3A_84 : memref<10240x16xf32, #tpu.memory_space<vmem_shared>>)
          tpu.yield
        }) : () -> ()
        %scan3A_72 = arith.constant 0 : i32
        scf.yield %scan3A_72 : i32
      }
      %scan3A_32 = arith.constant 59 : i32
      %dma_wait3A = arith.constant 0 : i32
      %dma_wait3A_33 = arith.constant 0 : i32
      %dma_wait3A_34 = tpu.memref_slice %arg7[%dma_wait3A, %dma_wait3A_33] : memref<118x128xi32, #tpu.memory_space<vmem>> -> memref<1x128xi32, #tpu.memory_space<vmem>>
      %dma_wait3A_35 = tpu.memref_squeeze %dma_wait3A_34 : memref<1x128xi32, #tpu.memory_space<vmem>> -> memref<128xi32, #tpu.memory_space<vmem>>
      %dma_wait3A_36 = arith.constant 0 : i32
      %dma_wait3A_37 = arith.constant 0 : i32
      %dma_wait3A_38 = tpu.memref_slice %arg2[%dma_wait3A_36, %dma_wait3A_37] : memref<10240x16xf32, #tpu.memory_space<hbm>> -> memref<10240x16xf32, #tpu.memory_space<hbm>>
      tpu.wait_indirect_dma semaphore(%arg12 : memref<!tpu.dma_semaphore, #tpu.memory_space<semaphore_mem>>) src(%dma_wait3A_38 : memref<10240x16xf32, #tpu.memory_space<hbm>>) dst(%arg9 : memref<128x16xf32, #tpu.memory_space<vmem>>)
      %barrier3A_39 = arith.constant 0 : index
      tpu.barrier barrier_id(%barrier3A_39)
    } else {
    }
    %eq3A_2 = arith.constant 1 : i32
    %eq3A_3 = arith.cmpi eq, %arg0, %eq3A_2 : i32
    %convert_element_type3A_4 = arith.extui %eq3A_3 : i1 to i32
    %cond3A_5 = arith.constant 0 : i32
    %cond3A_6 = arith.cmpi ne, %convert_element_type3A_4, %cond3A_5 : i32
    scf.if %cond3A_6 {
      %mul3A_10 = arith.constant 42 : i32
      %mul3A_11 = arith.muli %arg1, %mul3A_10 : i32
      %add3A = arith.constant 1888 : i32
      %add3A_12 = arith.addi %add3A, %mul3A_11 : i32
      "tpu.region"() ({
        %run_scoped3A = tpu.sem_alloc : memref<!tpu.dma_semaphore, #tpu.memory_space<semaphore_mem>>
        %dma_start3A_41 = arith.constant 0 : i32
        %dma_start3A_42 = arith.constant 0 : i32
        %dma_start3A_43 = tpu.memref_slice %arg7[%dma_start3A_41, %dma_start3A_42] : memref<118x128xi32, #tpu.memory_space<vmem>> -> memref<42x128xi32, #tpu.memory_space<vmem>>
        %dma_start3A_44 = arith.constant 0 : i32
        %dma_start3A_45 = tpu.memref_slice %arg3[%add3A_12, %dma_start3A_44] : memref<2560x128xi32, #tpu.memory_space<hbm>> -> memref<42x128xi32, #tpu.memory_space<hbm>>
        %dma_start3A_46 = arith.constant 0 : i32
        %dma_start3A_47 = arith.constant 0 : i32
        %dma_start3A_48 = tpu.memref_slice %arg7[%dma_start3A_46, %dma_start3A_47] : memref<118x128xi32, #tpu.memory_space<vmem>> -> memref<42x128xi32, #tpu.memory_space<vmem>>
        %dma_start3A_49 = arith.constant 0 : i32
        %dma_start3A_50 = tpu.memref_slice %arg3[%add3A_12, %dma_start3A_49] : memref<2560x128xi32, #tpu.memory_space<hbm>> -> memref<42x128xi32, #tpu.memory_space<hbm>>
        tpu.enqueue_dma source(%dma_start3A_50 : memref<42x128xi32, #tpu.memory_space<hbm>>) target(%dma_start3A_48 : memref<42x128xi32, #tpu.memory_space<vmem>>) target_semaphore(%run_scoped3A : memref<!tpu.dma_semaphore, #tpu.memory_space<semaphore_mem>>)
        %dma_wait3A_51 = arith.constant 0 : i32
        %dma_wait3A_52 = arith.constant 0 : i32
        %dma_wait3A_53 = tpu.memref_slice %arg7[%dma_wait3A_51, %dma_wait3A_52] : memref<118x128xi32, #tpu.memory_space<vmem>> -> memref<42x128xi32, #tpu.memory_space<vmem>>
        %dma_wait3A_54 = arith.constant 0 : i32
        %dma_wait3A_55 = tpu.memref_slice %arg3[%add3A_12, %dma_wait3A_54] : memref<2560x128xi32, #tpu.memory_space<hbm>> -> memref<42x128xi32, #tpu.memory_space<hbm>>
        %dma_wait3A_56 = arith.constant 0 : i32
        %dma_wait3A_57 = arith.constant 0 : i32
        %dma_wait3A_58 = tpu.memref_slice %arg7[%dma_wait3A_56, %dma_wait3A_57] : memref<118x128xi32, #tpu.memory_space<vmem>> -> memref<42x128xi32, #tpu.memory_space<vmem>>
        %dma_wait3A_59 = arith.constant 0 : i32
        %dma_wait3A_60 = tpu.memref_slice %arg3[%add3A_12, %dma_wait3A_59] : memref<2560x128xi32, #tpu.memory_space<hbm>> -> memref<42x128xi32, #tpu.memory_space<hbm>>
        tpu.wait_dma2 semaphore(%run_scoped3A : memref<!tpu.dma_semaphore, #tpu.memory_space<semaphore_mem>>) src(%dma_wait3A_60 : memref<42x128xi32, #tpu.memory_space<hbm>>) dst(%dma_wait3A_58 : memref<42x128xi32, #tpu.memory_space<vmem>>)
        tpu.yield
      }) : () -> ()
      "tpu.region"() ({
        %run_scoped3A = tpu.sem_alloc : memref<!tpu.dma_semaphore, #tpu.memory_space<semaphore_mem>>
        %dma_start3A_41 = arith.constant 0 : i32
        %dma_start3A_42 = arith.constant 0 : i32
        %dma_start3A_43 = tpu.memref_slice %arg8[%dma_start3A_41, %dma_start3A_42] : memref<118x128xi32, #tpu.memory_space<vmem>> -> memref<42x128xi32, #tpu.memory_space<vmem>>
        %dma_start3A_44 = arith.constant 0 : i32
        %dma_start3A_45 = tpu.memref_slice %arg4[%add3A_12, %dma_start3A_44] : memref<2560x128xi32, #tpu.memory_space<hbm>> -> memref<42x128xi32, #tpu.memory_space<hbm>>
        %dma_start3A_46 = arith.constant 0 : i32
        %dma_start3A_47 = arith.constant 0 : i32
        %dma_start3A_48 = tpu.memref_slice %arg8[%dma_start3A_46, %dma_start3A_47] : memref<118x128xi32, #tpu.memory_space<vmem>> -> memref<42x128xi32, #tpu.memory_space<vmem>>
        %dma_start3A_49 = arith.constant 0 : i32
        %dma_start3A_50 = tpu.memref_slice %arg4[%add3A_12, %dma_start3A_49] : memref<2560x128xi32, #tpu.memory_space<hbm>> -> memref<42x128xi32, #tpu.memory_space<hbm>>
        tpu.enqueue_dma source(%dma_start3A_50 : memref<42x128xi32, #tpu.memory_space<hbm>>) target(%dma_start3A_48 : memref<42x128xi32, #tpu.memory_space<vmem>>) target_semaphore(%run_scoped3A : memref<!tpu.dma_semaphore, #tpu.memory_space<semaphore_mem>>)
        %dma_wait3A_51 = arith.constant 0 : i32
        %dma_wait3A_52 = arith.constant 0 : i32
        %dma_wait3A_53 = tpu.memref_slice %arg8[%dma_wait3A_51, %dma_wait3A_52] : memref<118x128xi32, #tpu.memory_space<vmem>> -> memref<42x128xi32, #tpu.memory_space<vmem>>
        %dma_wait3A_54 = arith.constant 0 : i32
        %dma_wait3A_55 = tpu.memref_slice %arg4[%add3A_12, %dma_wait3A_54] : memref<2560x128xi32, #tpu.memory_space<hbm>> -> memref<42x128xi32, #tpu.memory_space<hbm>>
        %dma_wait3A_56 = arith.constant 0 : i32
        %dma_wait3A_57 = arith.constant 0 : i32
        %dma_wait3A_58 = tpu.memref_slice %arg8[%dma_wait3A_56, %dma_wait3A_57] : memref<118x128xi32, #tpu.memory_space<vmem>> -> memref<42x128xi32, #tpu.memory_space<vmem>>
        %dma_wait3A_59 = arith.constant 0 : i32
        %dma_wait3A_60 = tpu.memref_slice %arg4[%add3A_12, %dma_wait3A_59] : memref<2560x128xi32, #tpu.memory_space<hbm>> -> memref<42x128xi32, #tpu.memory_space<hbm>>
        tpu.wait_dma2 semaphore(%run_scoped3A : memref<!tpu.dma_semaphore, #tpu.memory_space<semaphore_mem>>) src(%dma_wait3A_60 : memref<42x128xi32, #tpu.memory_space<hbm>>) dst(%dma_wait3A_58 : memref<42x128xi32, #tpu.memory_space<vmem>>)
        tpu.yield
      }) : () -> ()
      %dma_start3A = arith.constant 0 : i32
      %dma_start3A_13 = arith.constant 0 : i32
      %dma_start3A_14 = tpu.memref_slice %arg7[%dma_start3A, %dma_start3A_13] : memref<118x128xi32, #tpu.memory_space<vmem>> -> memref<1x128xi32, #tpu.memory_space<vmem>>
      %dma_start3A_15 = tpu.memref_squeeze %dma_start3A_14 : memref<1x128xi32, #tpu.memory_space<vmem>> -> memref<128xi32, #tpu.memory_space<vmem>>
      %dma_start3A_16 = arith.constant 0 : i32
      %dma_start3A_17 = arith.constant 0 : i32
      %dma_start3A_18 = tpu.memref_slice %arg2[%dma_start3A_16, %dma_start3A_17] : memref<10240x16xf32, #tpu.memory_space<hbm>> -> memref<10240x16xf32, #tpu.memory_space<hbm>>
      tpu.enqueue_indirect_dma source(%dma_start3A_18 : memref<10240x16xf32, #tpu.memory_space<hbm>>) target(%arg9 : memref<128x16xf32, #tpu.memory_space<vmem>>) offsets(%dma_start3A_15 : memref<128xi32, #tpu.memory_space<vmem>>) semaphore(%arg12 : memref<!tpu.dma_semaphore, #tpu.memory_space<semaphore_mem>>)
      %scan3A = arith.constant 0 : i32
      %scan3A_19 = arith.constant 0 : i32
      %scan3A_20 = arith.constant 80 : i32
      %scan3A_21 = arith.addi %scan3A_19, %scan3A_20 : i32
      %scan3A_22 = arith.constant 1 : i32
      %scan3A_23 = scf.for %scan3A_41 = %scan3A_19 to %scan3A_21 step %scan3A_22 iter_args(%scan3A_42 = %scan3A) -> (i32)  : i32 {
        %broadcast_in_dim3A = arith.constant 0.000000e+00 : f32
        %broadcast_in_dim3A_43 = vector.broadcast %broadcast_in_dim3A : f32 to vector<16xf32>
        %mul3A_44 = arith.constant 8 : i32
        %mul3A_45 = arith.muli %scan3A_41, %mul3A_44 : i32
        %add3A_46 = arith.constant 0 : i32
        %add3A_47 = arith.addi %mul3A_45, %add3A_46 : i32
        %swap3A = arith.index_cast %add3A_47 : i32 to index
        %swap3A_48 = arith.constant 0 : index
        %swap3A_49 = tpu.vector_load %arg14[%swap3A, %swap3A_48] {strides = array<i32>} : memref<640x16xf32, #tpu.memory_space<vmem>>, vector<1x16xf32>,
        %swap3A_50 = vector.shape_cast %swap3A_49 : vector<1x16xf32> to vector<16xf32>
        %swap3A_51 = vector.shape_cast %broadcast_in_dim3A_43 : vector<16xf32> to vector<1x16xf32>
        tpu.vector_store %arg14[%swap3A, %swap3A_48], %swap3A_51 {strides = array<i32>} : memref<640x16xf32, #tpu.memory_space<vmem>>, vector<1x16xf32>,
        %broadcast_in_dim3A_52 = arith.constant 0.000000e+00 : f32
        %broadcast_in_dim3A_53 = vector.broadcast %broadcast_in_dim3A_52 : f32 to vector<16xf32>
        %mul3A_54 = arith.constant 8 : i32
        %mul3A_55 = arith.muli %scan3A_41, %mul3A_54 : i32
        %add3A_56 = arith.constant 1 : i32
        %add3A_57 = arith.addi %mul3A_55, %add3A_56 : i32
        %swap3A_58 = arith.index_cast %add3A_57 : i32 to index
        %swap3A_59 = arith.constant 0 : index
        %swap3A_60 = tpu.vector_load %arg14[%swap3A_58, %swap3A_59] {strides = array<i32>} : memref<640x16xf32, #tpu.memory_space<vmem>>, vector<1x16xf32>,
        %swap3A_61 = vector.shape_cast %swap3A_60 : vector<1x16xf32> to vector<16xf32>
        %swap3A_62 = vector.shape_cast %broadcast_in_dim3A_53 : vector<16xf32> to vector<1x16xf32>
        tpu.vector_store %arg14[%swap3A_58, %swap3A_59], %swap3A_62 {strides = array<i32>} : memref<640x16xf32, #tpu.memory_space<vmem>>, vector<1x16xf32>,
        %broadcast_in_dim3A_63 = arith.constant 0.000000e+00 : f32
        %broadcast_in_dim3A_64 = vector.broadcast %broadcast_in_dim3A_63 : f32 to vector<16xf32>
        %mul3A_65 = arith.constant 8 : i32
        %mul3A_66 = arith.muli %scan3A_41, %mul3A_65 : i32
        %add3A_67 = arith.constant 2 : i32
        %add3A_68 = arith.addi %mul3A_66, %add3A_67 : i32
        %swap3A_69 = arith.index_cast %add3A_68 : i32 to index
        %swap3A_70 = arith.constant 0 : index
        %swap3A_71 = tpu.vector_load %arg14[%swap3A_69, %swap3A_70] {strides = array<i32>} : memref<640x16xf32, #tpu.memory_space<vmem>>, vector<1x16xf32>,
        %swap3A_72 = vector.shape_cast %swap3A_71 : vector<1x16xf32> to vector<16xf32>
        %swap3A_73 = vector.shape_cast %broadcast_in_dim3A_64 : vector<16xf32> to vector<1x16xf32>
        tpu.vector_store %arg14[%swap3A_69, %swap3A_70], %swap3A_73 {strides = array<i32>} : memref<640x16xf32, #tpu.memory_space<vmem>>, vector<1x16xf32>,
        %broadcast_in_dim3A_74 = arith.constant 0.000000e+00 : f32
        %broadcast_in_dim3A_75 = vector.broadcast %broadcast_in_dim3A_74 : f32 to vector<16xf32>
        %mul3A_76 = arith.constant 8 : i32
        %mul3A_77 = arith.muli %scan3A_41, %mul3A_76 : i32
        %add3A_78 = arith.constant 3 : i32
        %add3A_79 = arith.addi %mul3A_77, %add3A_78 : i32
        %swap3A_80 = arith.index_cast %add3A_79 : i32 to index
        %swap3A_81 = arith.constant 0 : index
        %swap3A_82 = tpu.vector_load %arg14[%swap3A_80, %swap3A_81] {strides = array<i32>} : memref<640x16xf32, #tpu.memory_space<vmem>>, vector<1x16xf32>,
        %swap3A_83 = vector.shape_cast %swap3A_82 : vector<1x16xf32> to vector<16xf32>
        %swap3A_84 = vector.shape_cast %broadcast_in_dim3A_75 : vector<16xf32> to vector<1x16xf32>
        tpu.vector_store %arg14[%swap3A_80, %swap3A_81], %swap3A_84 {strides = array<i32>} : memref<640x16xf32, #tpu.memory_space<vmem>>, vector<1x16xf32>,
        %broadcast_in_dim3A_85 = arith.constant 0.000000e+00 : f32
        %broadcast_in_dim3A_86 = vector.broadcast %broadcast_in_dim3A_85 : f32 to vector<16xf32>
        %mul3A_87 = arith.constant 8 : i32
        %mul3A_88 = arith.muli %scan3A_41, %mul3A_87 : i32
        %add3A_89 = arith.constant 4 : i32
        %add3A_90 = arith.addi %mul3A_88, %add3A_89 : i32
        %swap3A_91 = arith.index_cast %add3A_90 : i32 to index
        %swap3A_92 = arith.constant 0 : index
        %swap3A_93 = tpu.vector_load %arg14[%swap3A_91, %swap3A_92] {strides = array<i32>} : memref<640x16xf32, #tpu.memory_space<vmem>>, vector<1x16xf32>,
        %swap3A_94 = vector.shape_cast %swap3A_93 : vector<1x16xf32> to vector<16xf32>
        %swap3A_95 = vector.shape_cast %broadcast_in_dim3A_86 : vector<16xf32> to vector<1x16xf32>
        tpu.vector_store %arg14[%swap3A_91, %swap3A_92], %swap3A_95 {strides = array<i32>} : memref<640x16xf32, #tpu.memory_space<vmem>>, vector<1x16xf32>,
        %broadcast_in_dim3A_96 = arith.constant 0.000000e+00 : f32
        %broadcast_in_dim3A_97 = vector.broadcast %broadcast_in_dim3A_96 : f32 to vector<16xf32>
        %mul3A_98 = arith.constant 8 : i32
        %mul3A_99 = arith.muli %scan3A_41, %mul3A_98 : i32
        %add3A_100 = arith.constant 5 : i32
        %add3A_101 = arith.addi %mul3A_99, %add3A_100 : i32
        %swap3A_102 = arith.index_cast %add3A_101 : i32 to index
        %swap3A_103 = arith.constant 0 : index
        %swap3A_104 = tpu.vector_load %arg14[%swap3A_102, %swap3A_103] {strides = array<i32>} : memref<640x16xf32, #tpu.memory_space<vmem>>, vector<1x16xf32>,
        %swap3A_105 = vector.shape_cast %swap3A_104 : vector<1x16xf32> to vector<16xf32>
        %swap3A_106 = vector.shape_cast %broadcast_in_dim3A_97 : vector<16xf32> to vector<1x16xf32>
        tpu.vector_store %arg14[%swap3A_102, %swap3A_103], %swap3A_106 {strides = array<i32>} : memref<640x16xf32, #tpu.memory_space<vmem>>, vector<1x16xf32>,
        %broadcast_in_dim3A_107 = arith.constant 0.000000e+00 : f32
        %broadcast_in_dim3A_108 = vector.broadcast %broadcast_in_dim3A_107 : f32 to vector<16xf32>
        %mul3A_109 = arith.constant 8 : i32
        %mul3A_110 = arith.muli %scan3A_41, %mul3A_109 : i32
        %add3A_111 = arith.constant 6 : i32
        %add3A_112 = arith.addi %mul3A_110, %add3A_111 : i32
        %swap3A_113 = arith.index_cast %add3A_112 : i32 to index
        %swap3A_114 = arith.constant 0 : index
        %swap3A_115 = tpu.vector_load %arg14[%swap3A_113, %swap3A_114] {strides = array<i32>} : memref<640x16xf32, #tpu.memory_space<vmem>>, vector<1x16xf32>,
        %swap3A_116 = vector.shape_cast %swap3A_115 : vector<1x16xf32> to vector<16xf32>
        %swap3A_117 = vector.shape_cast %broadcast_in_dim3A_108 : vector<16xf32> to vector<1x16xf32>
        tpu.vector_store %arg14[%swap3A_113, %swap3A_114], %swap3A_117 {strides = array<i32>} : memref<640x16xf32, #tpu.memory_space<vmem>>, vector<1x16xf32>,
        %broadcast_in_dim3A_118 = arith.constant 0.000000e+00 : f32
        %broadcast_in_dim3A_119 = vector.broadcast %broadcast_in_dim3A_118 : f32 to vector<16xf32>
        %mul3A_120 = arith.constant 8 : i32
        %mul3A_121 = arith.muli %scan3A_41, %mul3A_120 : i32
        %add3A_122 = arith.constant 7 : i32
        %add3A_123 = arith.addi %mul3A_121, %add3A_122 : i32
        %swap3A_124 = arith.index_cast %add3A_123 : i32 to index
        %swap3A_125 = arith.constant 0 : index
        %swap3A_126 = tpu.vector_load %arg14[%swap3A_124, %swap3A_125] {strides = array<i32>} : memref<640x16xf32, #tpu.memory_space<vmem>>, vector<1x16xf32>,
        %swap3A_127 = vector.shape_cast %swap3A_126 : vector<1x16xf32> to vector<16xf32>
        %swap3A_128 = vector.shape_cast %broadcast_in_dim3A_119 : vector<16xf32> to vector<1x16xf32>
        tpu.vector_store %arg14[%swap3A_124, %swap3A_125], %swap3A_128 {strides = array<i32>} : memref<640x16xf32, #tpu.memory_space<vmem>>, vector<1x16xf32>,
        %scan3A_129 = arith.constant 0 : i32
        scf.yield %scan3A_129 : i32
      }
      %scan3A_24 = arith.constant 80 : i32
      %mul3A_25 = arith.constant 640 : i32
      %mul3A_26 = arith.muli %arg1, %mul3A_25 : i32
      "tpu.region"() ({
        %run_scoped3A = tpu.sem_alloc : memref<!tpu.dma_semaphore, #tpu.memory_space<semaphore_mem>>
        %dma_start3A_41 = arith.constant 0 : i32
        %dma_start3A_42 = tpu.memref_slice %arg11[%mul3A_26, %dma_start3A_41] : memref<10240x16xf32, #tpu.memory_space<vmem_shared>> -> memref<640x16xf32, #tpu.memory_space<vmem_shared>>
        %dma_start3A_43 = arith.constant 0 : i32
        %dma_start3A_44 = tpu.memref_slice %arg11[%mul3A_26, %dma_start3A_43] : memref<10240x16xf32, #tpu.memory_space<vmem_shared>> -> memref<640x16xf32, #tpu.memory_space<vmem_shared>>
        tpu.enqueue_dma source(%arg14 : memref<640x16xf32, #tpu.memory_space<vmem>>) target(%dma_start3A_44 : memref<640x16xf32, #tpu.memory_space<vmem_shared>>) target_semaphore(%run_scoped3A : memref<!tpu.dma_semaphore, #tpu.memory_space<semaphore_mem>>)
        %dma_wait3A_45 = arith.constant 0 : i32
        %dma_wait3A_46 = tpu.memref_slice %arg11[%mul3A_26, %dma_wait3A_45] : memref<10240x16xf32, #tpu.memory_space<vmem_shared>> -> memref<640x16xf32, #tpu.memory_space<vmem_shared>>
        %dma_wait3A_47 = arith.constant 0 : i32
        %dma_wait3A_48 = tpu.memref_slice %arg11[%mul3A_26, %dma_wait3A_47] : memref<10240x16xf32, #tpu.memory_space<vmem_shared>> -> memref<640x16xf32, #tpu.memory_space<vmem_shared>>
        tpu.wait_dma2 semaphore(%run_scoped3A : memref<!tpu.dma_semaphore, #tpu.memory_space<semaphore_mem>>) src(%arg14 : memref<640x16xf32, #tpu.memory_space<vmem>>) dst(%dma_wait3A_48 : memref<640x16xf32, #tpu.memory_space<vmem_shared>>)
        tpu.yield
      }) : () -> ()
      %barrier3A = arith.constant 0 : index
      tpu.barrier barrier_id(%barrier3A)
      %scan3A_27 = arith.constant 0 : i32
      %scan3A_28 = arith.constant 0 : i32
      %scan3A_29 = arith.constant 21 : i32
      %scan3A_30 = arith.addi %scan3A_28, %scan3A_29 : i32
      %scan3A_31 = arith.constant 1 : i32
      %scan3A_32 = scf.for %scan3A_41 = %scan3A_28 to %scan3A_30 step %scan3A_31 iter_args(%scan3A_42 = %scan3A_27) -> (i32)  : i32 {
        %mul3A_43 = arith.constant 2 : i32
        %mul3A_44 = arith.muli %mul3A_43, %scan3A_41 : i32
        %add3A_45 = arith.constant 1 : i32
        %add3A_46 = arith.addi %mul3A_44, %add3A_45 : i32
        %add3A_47 = arith.constant 2 : i32
        %add3A_48 = arith.addi %mul3A_44, %add3A_47 : i32
        %rem3A = arith.constant 42 : i32
        %rem3A_49 = arith.remsi %add3A_48, %rem3A : i32
        %dma_start3A_50 = arith.constant 0 : i32
        %dma_start3A_51 = tpu.memref_slice %arg7[%add3A_46, %dma_start3A_50] : memref<118x128xi32, #tpu.memory_space<vmem>> -> memref<1x128xi32, #tpu.memory_space<vmem>>
        %dma_start3A_52 = tpu.memref_squeeze %dma_start3A_51 : memref<1x128xi32, #tpu.memory_space<vmem>> -> memref<128xi32, #tpu.memory_space<vmem>>
        %dma_start3A_53 = arith.constant 0 : i32
        %dma_start3A_54 = arith.constant 0 : i32
        %dma_start3A_55 = tpu.memref_slice %arg2[%dma_start3A_53, %dma_start3A_54] : memref<10240x16xf32, #tpu.memory_space<hbm>> -> memref<10240x16xf32, #tpu.memory_space<hbm>>
        tpu.enqueue_indirect_dma source(%dma_start3A_55 : memref<10240x16xf32, #tpu.memory_space<hbm>>) target(%arg10 : memref<128x16xf32, #tpu.memory_space<vmem>>) offsets(%dma_start3A_52 : memref<128xi32, #tpu.memory_space<vmem>>) semaphore(%arg13 : memref<!tpu.dma_semaphore, #tpu.memory_space<semaphore_mem>>)
        %dma_wait3A_56 = arith.constant 0 : i32
        %dma_wait3A_57 = tpu.memref_slice %arg7[%mul3A_44, %dma_wait3A_56] : memref<118x128xi32, #tpu.memory_space<vmem>> -> memref<1x128xi32, #tpu.memory_space<vmem>>
        %dma_wait3A_58 = tpu.memref_squeeze %dma_wait3A_57 : memref<1x128xi32, #tpu.memory_space<vmem>> -> memref<128xi32, #tpu.memory_space<vmem>>
        %dma_wait3A_59 = arith.constant 0 : i32
        %dma_wait3A_60 = arith.constant 0 : i32
        %dma_wait3A_61 = tpu.memref_slice %arg2[%dma_wait3A_59, %dma_wait3A_60] : memref<10240x16xf32, #tpu.memory_space<hbm>> -> memref<10240x16xf32, #tpu.memory_space<hbm>>
        tpu.wait_indirect_dma semaphore(%arg12 : memref<!tpu.dma_semaphore, #tpu.memory_space<semaphore_mem>>) src(%dma_wait3A_61 : memref<10240x16xf32, #tpu.memory_space<hbm>>) dst(%arg9 : memref<128x16xf32, #tpu.memory_space<vmem>>)
        "tpu.region"() ({
          %run_scoped3A = tpu.sem_alloc : memref<!tpu.dma_semaphore, #tpu.memory_space<semaphore_mem>>
          %dma_start3A_75 = arith.constant 0 : i32
          %dma_start3A_76 = tpu.memref_slice %arg8[%mul3A_44, %dma_start3A_75] : memref<118x128xi32, #tpu.memory_space<vmem>> -> memref<1x128xi32, #tpu.memory_space<vmem>>
          %dma_start3A_77 = tpu.memref_squeeze %dma_start3A_76 : memref<1x128xi32, #tpu.memory_space<vmem>> -> memref<128xi32, #tpu.memory_space<vmem>>
          %dma_start3A_78 = arith.constant 0 : i32
          %dma_start3A_79 = arith.constant 0 : i32
          %dma_start3A_80 = tpu.memref_slice %arg11[%dma_start3A_78, %dma_start3A_79] : memref<10240x16xf32, #tpu.memory_space<vmem_shared>> -> memref<10240x16xf32, #tpu.memory_space<vmem_shared>>
          tpu.enqueue_indirect_dma source(%arg9 : memref<128x16xf32, #tpu.memory_space<vmem>>) target(%dma_start3A_80 : memref<10240x16xf32, #tpu.memory_space<vmem_shared>>) offsets(%dma_start3A_77 : memref<128xi32, #tpu.memory_space<vmem>>) semaphore(%run_scoped3A : memref<!tpu.dma_semaphore, #tpu.memory_space<semaphore_mem>>) {add = true}
          %dma_wait3A_81 = arith.constant 0 : i32
          %dma_wait3A_82 = tpu.memref_slice %arg8[%mul3A_44, %dma_wait3A_81] : memref<118x128xi32, #tpu.memory_space<vmem>> -> memref<1x128xi32, #tpu.memory_space<vmem>>
          %dma_wait3A_83 = tpu.memref_squeeze %dma_wait3A_82 : memref<1x128xi32, #tpu.memory_space<vmem>> -> memref<128xi32, #tpu.memory_space<vmem>>
          %dma_wait3A_84 = arith.constant 0 : i32
          %dma_wait3A_85 = arith.constant 0 : i32
          %dma_wait3A_86 = tpu.memref_slice %arg11[%dma_wait3A_84, %dma_wait3A_85] : memref<10240x16xf32, #tpu.memory_space<vmem_shared>> -> memref<10240x16xf32, #tpu.memory_space<vmem_shared>>
          tpu.wait_indirect_dma semaphore(%run_scoped3A : memref<!tpu.dma_semaphore, #tpu.memory_space<semaphore_mem>>) src(%arg9 : memref<128x16xf32, #tpu.memory_space<vmem>>) dst(%dma_wait3A_86 : memref<10240x16xf32, #tpu.memory_space<vmem_shared>>)
          tpu.yield
        }) : () -> ()
        %dma_start3A_62 = arith.constant 0 : i32
        %dma_start3A_63 = tpu.memref_slice %arg7[%rem3A_49, %dma_start3A_62] : memref<118x128xi32, #tpu.memory_space<vmem>> -> memref<1x128xi32, #tpu.memory_space<vmem>>
        %dma_start3A_64 = tpu.memref_squeeze %dma_start3A_63 : memref<1x128xi32, #tpu.memory_space<vmem>> -> memref<128xi32, #tpu.memory_space<vmem>>
        %dma_start3A_65 = arith.constant 0 : i32
        %dma_start3A_66 = arith.constant 0 : i32
        %dma_start3A_67 = tpu.memref_slice %arg2[%dma_start3A_65, %dma_start3A_66] : memref<10240x16xf32, #tpu.memory_space<hbm>> -> memref<10240x16xf32, #tpu.memory_space<hbm>>
        tpu.enqueue_indirect_dma source(%dma_start3A_67 : memref<10240x16xf32, #tpu.memory_space<hbm>>) target(%arg9 : memref<128x16xf32, #tpu.memory_space<vmem>>) offsets(%dma_start3A_64 : memref<128xi32, #tpu.memory_space<vmem>>) semaphore(%arg12 : memref<!tpu.dma_semaphore, #tpu.memory_space<semaphore_mem>>)
        %dma_wait3A_68 = arith.constant 0 : i32
        %dma_wait3A_69 = tpu.memref_slice %arg7[%add3A_46, %dma_wait3A_68] : memref<118x128xi32, #tpu.memory_space<vmem>> -> memref<1x128xi32, #tpu.memory_space<vmem>>
        %dma_wait3A_70 = tpu.memref_squeeze %dma_wait3A_69 : memref<1x128xi32, #tpu.memory_space<vmem>> -> memref<128xi32, #tpu.memory_space<vmem>>
        %dma_wait3A_71 = arith.constant 0 : i32
        %dma_wait3A_72 = arith.constant 0 : i32
        %dma_wait3A_73 = tpu.memref_slice %arg2[%dma_wait3A_71, %dma_wait3A_72] : memref<10240x16xf32, #tpu.memory_space<hbm>> -> memref<10240x16xf32, #tpu.memory_space<hbm>>
        tpu.wait_indirect_dma semaphore(%arg13 : memref<!tpu.dma_semaphore, #tpu.memory_space<semaphore_mem>>) src(%dma_wait3A_73 : memref<10240x16xf32, #tpu.memory_space<hbm>>) dst(%arg10 : memref<128x16xf32, #tpu.memory_space<vmem>>)
        "tpu.region"() ({
          %run_scoped3A = tpu.sem_alloc : memref<!tpu.dma_semaphore, #tpu.memory_space<semaphore_mem>>
          %dma_start3A_75 = arith.constant 0 : i32
          %dma_start3A_76 = tpu.memref_slice %arg8[%add3A_46, %dma_start3A_75] : memref<118x128xi32, #tpu.memory_space<vmem>> -> memref<1x128xi32, #tpu.memory_space<vmem>>
          %dma_start3A_77 = tpu.memref_squeeze %dma_start3A_76 : memref<1x128xi32, #tpu.memory_space<vmem>> -> memref<128xi32, #tpu.memory_space<vmem>>
          %dma_start3A_78 = arith.constant 0 : i32
          %dma_start3A_79 = arith.constant 0 : i32
          %dma_start3A_80 = tpu.memref_slice %arg11[%dma_start3A_78, %dma_start3A_79] : memref<10240x16xf32, #tpu.memory_space<vmem_shared>> -> memref<10240x16xf32, #tpu.memory_space<vmem_shared>>
          tpu.enqueue_indirect_dma source(%arg10 : memref<128x16xf32, #tpu.memory_space<vmem>>) target(%dma_start3A_80 : memref<10240x16xf32, #tpu.memory_space<vmem_shared>>) offsets(%dma_start3A_77 : memref<128xi32, #tpu.memory_space<vmem>>) semaphore(%run_scoped3A : memref<!tpu.dma_semaphore, #tpu.memory_space<semaphore_mem>>) {add = true}
          %dma_wait3A_81 = arith.constant 0 : i32
          %dma_wait3A_82 = tpu.memref_slice %arg8[%add3A_46, %dma_wait3A_81] : memref<118x128xi32, #tpu.memory_space<vmem>> -> memref<1x128xi32, #tpu.memory_space<vmem>>
          %dma_wait3A_83 = tpu.memref_squeeze %dma_wait3A_82 : memref<1x128xi32, #tpu.memory_space<vmem>> -> memref<128xi32, #tpu.memory_space<vmem>>
          %dma_wait3A_84 = arith.constant 0 : i32
          %dma_wait3A_85 = arith.constant 0 : i32
          %dma_wait3A_86 = tpu.memref_slice %arg11[%dma_wait3A_84, %dma_wait3A_85] : memref<10240x16xf32, #tpu.memory_space<vmem_shared>> -> memref<10240x16xf32, #tpu.memory_space<vmem_shared>>
          tpu.wait_indirect_dma semaphore(%run_scoped3A : memref<!tpu.dma_semaphore, #tpu.memory_space<semaphore_mem>>) src(%arg10 : memref<128x16xf32, #tpu.memory_space<vmem>>) dst(%dma_wait3A_86 : memref<10240x16xf32, #tpu.memory_space<vmem_shared>>)
          tpu.yield
        }) : () -> ()
        %scan3A_74 = arith.constant 0 : i32
        scf.yield %scan3A_74 : i32
      }
      %scan3A_33 = arith.constant 21 : i32
      %dma_wait3A = arith.constant 0 : i32
      %dma_wait3A_34 = arith.constant 0 : i32
      %dma_wait3A_35 = tpu.memref_slice %arg7[%dma_wait3A, %dma_wait3A_34] : memref<118x128xi32, #tpu.memory_space<vmem>> -> memref<1x128xi32, #tpu.memory_space<vmem>>
      %dma_wait3A_36 = tpu.memref_squeeze %dma_wait3A_35 : memref<1x128xi32, #tpu.memory_space<vmem>> -> memref<128xi32, #tpu.memory_space<vmem>>
      %dma_wait3A_37 = arith.constant 0 : i32
      %dma_wait3A_38 = arith.constant 0 : i32
      %dma_wait3A_39 = tpu.memref_slice %arg2[%dma_wait3A_37, %dma_wait3A_38] : memref<10240x16xf32, #tpu.memory_space<hbm>> -> memref<10240x16xf32, #tpu.memory_space<hbm>>
      tpu.wait_indirect_dma semaphore(%arg12 : memref<!tpu.dma_semaphore, #tpu.memory_space<semaphore_mem>>) src(%dma_wait3A_39 : memref<10240x16xf32, #tpu.memory_space<hbm>>) dst(%arg9 : memref<128x16xf32, #tpu.memory_space<vmem>>)
      %barrier3A_40 = arith.constant 0 : index
      tpu.barrier barrier_id(%barrier3A_40)
    } else {
    }
    %mul3A = arith.constant 640 : i32
    %mul3A_7 = arith.muli %arg1, %mul3A : i32
    %mul3A_8 = arith.constant 640 : i32
    %mul3A_9 = arith.muli %arg1, %mul3A_8 : i32
    "tpu.region"() ({
      %run_scoped3A = tpu.sem_alloc : memref<!tpu.dma_semaphore, #tpu.memory_space<semaphore_mem>>
      %dma_start3A = arith.constant 0 : i32
      %dma_start3A_10 = tpu.memref_slice %arg6[%arg0, %mul3A_9, %dma_start3A] : memref<2x10240x16xf32, #tpu.memory_space<hbm>> -> memref<1x640x16xf32, #tpu.memory_space<hbm>>
      %dma_start3A_11 = tpu.memref_squeeze %dma_start3A_10 : memref<1x640x16xf32, #tpu.memory_space<hbm>> -> memref<640x16xf32, #tpu.memory_space<hbm>>
      %dma_start3A_12 = arith.constant 0 : i32
      %dma_start3A_13 = tpu.memref_slice %arg11[%mul3A_7, %dma_start3A_12] : memref<10240x16xf32, #tpu.memory_space<vmem_shared>> -> memref<640x16xf32, #tpu.memory_space<vmem_shared>>
      tpu.enqueue_dma source(%dma_start3A_13 : memref<640x16xf32, #tpu.memory_space<vmem_shared>>) target(%dma_start3A_11 : memref<640x16xf32, #tpu.memory_space<hbm>>) target_semaphore(%run_scoped3A : memref<!tpu.dma_semaphore, #tpu.memory_space<semaphore_mem>>)
      %dma_wait3A = arith.constant 0 : i32
      %dma_wait3A_14 = tpu.memref_slice %arg6[%arg0, %mul3A_9, %dma_wait3A] : memref<2x10240x16xf32, #tpu.memory_space<hbm>> -> memref<1x640x16xf32, #tpu.memory_space<hbm>>
      %dma_wait3A_15 = tpu.memref_squeeze %dma_wait3A_14 : memref<1x640x16xf32, #tpu.memory_space<hbm>> -> memref<640x16xf32, #tpu.memory_space<hbm>>
      %dma_wait3A_16 = arith.constant 0 : i32
      %dma_wait3A_17 = tpu.memref_slice %arg11[%mul3A_7, %dma_wait3A_16] : memref<10240x16xf32, #tpu.memory_space<vmem_shared>> -> memref<640x16xf32, #tpu.memory_space<vmem_shared>>
      tpu.wait_dma2 semaphore(%run_scoped3A : memref<!tpu.dma_semaphore, #tpu.memory_space<semaphore_mem>>) src(%dma_wait3A_17 : memref<640x16xf32, #tpu.memory_space<vmem_shared>>) dst(%dma_wait3A_15 : memref<640x16xf32, #tpu.memory_space<hbm>>)
      tpu.yield
    }) : () -> ()
    return
  }
}

module attributes {stable_mosaic.version = 14 : i64} {
  func.func @_d1_body(%arg0: memref<10240x128xf32, #tpu.memory_space<vmem>>, %arg1: memref<128x16xf32, #tpu.memory_space<vmem>>, %arg2: memref<2x10240x1xf32, #tpu.memory_space<vmem>>, %arg3: memref<10240x16xf32, #tpu.memory_space<vmem>>, %arg4: memref<10240x1xf32, #tpu.memory_space<vmem>>) attributes {dimension_semantics = [], scalar_prefetch = 0 : i64, scratch_operands = 0 : i64, tpu.core_type = #tpu.core_type<tc>} {
    %get3A = arith.constant 0 : index
    %get3A_0 = arith.constant 0 : index
    %get3A_1 = arith.constant 0 : index
    %get3A_2 = vector.load %arg2[%get3A, %get3A_0, %get3A_1] : memref<2x10240x1xf32, #tpu.memory_space<vmem>>, vector<1x10240x1xf32>
    %get3A_3 = vector.shape_cast %get3A_2 : vector<1x10240x1xf32> to vector<10240x1xf32>
    %get3A_4 = arith.constant 1 : index
    %get3A_5 = arith.constant 0 : index
    %get3A_6 = arith.constant 0 : index
    %get3A_7 = vector.load %arg2[%get3A_4, %get3A_5, %get3A_6] : memref<2x10240x1xf32, #tpu.memory_space<vmem>>, vector<1x10240x1xf32>
    %get3A_8 = vector.shape_cast %get3A_7 : vector<1x10240x1xf32> to vector<10240x1xf32>
    %add3A = arith.addf %get3A_3, %get3A_8 : vector<10240x1xf32>
    %add3A_9 = arith.constant 1.000000e+00 : f32
    %add3A_10 = vector.broadcast %add3A_9 : f32 to vector<10240x1xf32>
    %add3A_11 = arith.addf %add3A, %add3A_10 : vector<10240x1xf32>
    %rsqrt3A = math.rsqrt %add3A_11 : vector<10240x1xf32>
    %swap3A = arith.constant 0 : index
    %swap3A_12 = arith.constant 0 : index
    %swap3A_13 = vector.load %arg4[%swap3A, %swap3A_12] : memref<10240x1xf32, #tpu.memory_space<vmem>>, vector<10240x1xf32>
    tpu.vector_store %arg4[%swap3A, %swap3A_12], %rsqrt3A {strides = array<i32>} : memref<10240x1xf32, #tpu.memory_space<vmem>>, vector<10240x1xf32>,
    %get3A_14 = arith.constant 0 : index
    %get3A_15 = arith.constant 0 : index
    %get3A_16 = vector.load %arg0[%get3A_14, %get3A_15] : memref<10240x128xf32, #tpu.memory_space<vmem>>, vector<10240x128xf32>
    %get3A_17 = arith.constant 0 : index
    %get3A_18 = arith.constant 0 : index
    %get3A_19 = vector.load %arg1[%get3A_17, %get3A_18] : memref<128x16xf32, #tpu.memory_space<vmem>>, vector<128x16xf32>
    %dot_general3A = arith.constant dense<0.000000e+00> : vector<10240x16xf32>
    %dot_general3A_20 = tpu.matmul %get3A_16, %get3A_19, %dot_general3A {dimension_numbers = #tpu.dot_dimension_numbers<[1], [0], [0], [1], [0, 0, 1, 1], [], []>, transpose_lhs_hint = false} : vector<10240x128xf32>, vector<128x16xf32>, vector<10240x16xf32> -> vector<10240x16xf32>
    %mul3A = vector.broadcast %rsqrt3A : vector<10240x1xf32> to vector<10240x16xf32>
    %mul3A_21 = arith.mulf %dot_general3A_20, %mul3A : vector<10240x16xf32>
    %swap3A_22 = arith.constant 0 : index
    %swap3A_23 = arith.constant 0 : index
    %swap3A_24 = vector.load %arg3[%swap3A_22, %swap3A_23] : memref<10240x16xf32, #tpu.memory_space<vmem>>, vector<10240x16xf32>
    tpu.vector_store %arg3[%swap3A_22, %swap3A_23], %mul3A_21 {strides = array<i32>} : memref<10240x16xf32, #tpu.memory_space<vmem>>, vector<10240x16xf32>,
    return
  }
}

module attributes {stable_mosaic.version = 14 : i64} {
  func.func @_d2_body(%arg0: memref<2x10240x16xf32, #tpu.memory_space<vmem>>, %arg1: memref<10240x16xf32, #tpu.memory_space<vmem>>, %arg2: memref<10240x1xf32, #tpu.memory_space<vmem>>, %arg3: memref<1x16xf32, #tpu.memory_space<vmem>>, %arg4: memref<16x8xf32, #tpu.memory_space<vmem>>, %arg5: memref<10240x8xf32, #tpu.memory_space<vmem>>) attributes {dimension_semantics = [], scalar_prefetch = 0 : i64, scratch_operands = 0 : i64, tpu.core_type = #tpu.core_type<tc>} {
    %get3A = arith.constant 0 : index
    %get3A_0 = arith.constant 0 : index
    %get3A_1 = vector.load %arg2[%get3A, %get3A_0] : memref<10240x1xf32, #tpu.memory_space<vmem>>, vector<10240x1xf32>
    %get3A_2 = arith.constant 0 : index
    %get3A_3 = arith.constant 0 : index
    %get3A_4 = arith.constant 0 : index
    %get3A_5 = vector.load %arg0[%get3A_2, %get3A_3, %get3A_4] : memref<2x10240x16xf32, #tpu.memory_space<vmem>>, vector<1x10240x16xf32>
    %get3A_6 = vector.shape_cast %get3A_5 : vector<1x10240x16xf32> to vector<10240x16xf32>
    %get3A_7 = arith.constant 1 : index
    %get3A_8 = arith.constant 0 : index
    %get3A_9 = arith.constant 0 : index
    %get3A_10 = vector.load %arg0[%get3A_7, %get3A_8, %get3A_9] : memref<2x10240x16xf32, #tpu.memory_space<vmem>>, vector<1x10240x16xf32>
    %get3A_11 = vector.shape_cast %get3A_10 : vector<1x10240x16xf32> to vector<10240x16xf32>
    %add3A = arith.addf %get3A_6, %get3A_11 : vector<10240x16xf32>
    %get3A_12 = arith.constant 0 : index
    %get3A_13 = arith.constant 0 : index
    %get3A_14 = vector.load %arg1[%get3A_12, %get3A_13] : memref<10240x16xf32, #tpu.memory_space<vmem>>, vector<10240x16xf32>
    %add3A_15 = arith.addf %add3A, %get3A_14 : vector<10240x16xf32>
    %mul3A = vector.broadcast %get3A_1 : vector<10240x1xf32> to vector<10240x16xf32>
    %mul3A_16 = arith.mulf %add3A_15, %mul3A : vector<10240x16xf32>
    %get3A_17 = arith.constant 0 : index
    %get3A_18 = arith.constant 0 : index
    %get3A_19 = vector.load %arg3[%get3A_17, %get3A_18] : memref<1x16xf32, #tpu.memory_space<vmem>>, vector<1x16xf32>
    %add3A_20 = vector.broadcast %get3A_19 : vector<1x16xf32> to vector<10240x16xf32>
    %add3A_21 = arith.addf %mul3A_16, %add3A_20 : vector<10240x16xf32>
    %max3A = arith.constant 0.000000e+00 : f32
    %max3A_22 = vector.broadcast %max3A : f32 to vector<10240x16xf32>
    %max3A_23 = arith.maximumf %add3A_21, %max3A_22 : vector<10240x16xf32>
    %get3A_24 = arith.constant 0 : index
    %get3A_25 = arith.constant 0 : index
    %get3A_26 = vector.load %arg4[%get3A_24, %get3A_25] : memref<16x8xf32, #tpu.memory_space<vmem>>, vector<16x8xf32>
    %dot_general3A = arith.constant dense<0.000000e+00> : vector<10240x8xf32>
    %dot_general3A_27 = tpu.matmul %max3A_23, %get3A_26, %dot_general3A {dimension_numbers = #tpu.dot_dimension_numbers<[1], [0], [0], [1], [0, 0, 1, 1], [], []>, transpose_lhs_hint = false} : vector<10240x16xf32>, vector<16x8xf32>, vector<10240x8xf32> -> vector<10240x8xf32>
    %mul3A_28 = vector.broadcast %get3A_1 : vector<10240x1xf32> to vector<10240x8xf32>
    %mul3A_29 = arith.mulf %dot_general3A_27, %mul3A_28 : vector<10240x8xf32>
    %swap3A = arith.constant 0 : index
    %swap3A_30 = arith.constant 0 : index
    %swap3A_31 = vector.load %arg5[%swap3A, %swap3A_30] : memref<10240x8xf32, #tpu.memory_space<vmem>>, vector<10240x8xf32>
    tpu.vector_store %arg5[%swap3A, %swap3A_30], %mul3A_29 {strides = array<i32>} : memref<10240x8xf32, #tpu.memory_space<vmem>>, vector<10240x8xf32>,
    return
  }
}

module attributes {stable_mosaic.version = 14 : i64} {
  func.func @_d3_body(%arg0: memref<2x10240x8xf32, #tpu.memory_space<vmem>>, %arg1: memref<10240x8xf32, #tpu.memory_space<vmem>>, %arg2: memref<10240x1xf32, #tpu.memory_space<vmem>>, %arg3: memref<1x8xf32, #tpu.memory_space<vmem>>, %arg4: memref<10000x8xf32, #tpu.memory_space<vmem>>) attributes {dimension_semantics = [], scalar_prefetch = 0 : i64, scratch_operands = 0 : i64, tpu.core_type = #tpu.core_type<tc>} {
    %get3A = arith.constant 0 : index
    %get3A_0 = arith.constant 0 : index
    %get3A_1 = arith.constant 0 : index
    %get3A_2 = vector.load %arg0[%get3A, %get3A_0, %get3A_1] : memref<2x10240x8xf32, #tpu.memory_space<vmem>>, vector<1x10000x8xf32>
    %get3A_3 = vector.shape_cast %get3A_2 : vector<1x10000x8xf32> to vector<10000x8xf32>
    %get3A_4 = arith.constant 1 : index
    %get3A_5 = arith.constant 0 : index
    %get3A_6 = arith.constant 0 : index
    %get3A_7 = vector.load %arg0[%get3A_4, %get3A_5, %get3A_6] : memref<2x10240x8xf32, #tpu.memory_space<vmem>>, vector<1x10000x8xf32>
    %get3A_8 = vector.shape_cast %get3A_7 : vector<1x10000x8xf32> to vector<10000x8xf32>
    %add3A = arith.addf %get3A_3, %get3A_8 : vector<10000x8xf32>
    %get3A_9 = arith.constant 0 : index
    %get3A_10 = arith.constant 0 : index
    %get3A_11 = vector.load %arg1[%get3A_9, %get3A_10] : memref<10240x8xf32, #tpu.memory_space<vmem>>, vector<10000x8xf32>
    %add3A_12 = arith.addf %add3A, %get3A_11 : vector<10000x8xf32>
    %get3A_13 = arith.constant 0 : index
    %get3A_14 = arith.constant 0 : index
    %get3A_15 = vector.load %arg2[%get3A_13, %get3A_14] : memref<10240x1xf32, #tpu.memory_space<vmem>>, vector<10000x1xf32>
    %mul3A = vector.broadcast %get3A_15 : vector<10000x1xf32> to vector<10000x8xf32>
    %mul3A_16 = arith.mulf %add3A_12, %mul3A : vector<10000x8xf32>
    %get3A_17 = arith.constant 0 : index
    %get3A_18 = arith.constant 0 : index
    %get3A_19 = vector.load %arg3[%get3A_17, %get3A_18] : memref<1x8xf32, #tpu.memory_space<vmem>>, vector<1x8xf32>
    %add3A_20 = vector.broadcast %get3A_19 : vector<1x8xf32> to vector<10000x8xf32>
    %add3A_21 = arith.addf %mul3A_16, %add3A_20 : vector<10000x8xf32>
    %reduce_max3A = arith.constant dense<0xFF800000> : vector<10000xf32>
    %reduce_max3A_22 = vector.multi_reduction <maximumf>, %add3A_21, %reduce_max3A [1] : vector<10000x8xf32> to vector<10000xf32>
    %broadcast_in_dim3A = vector.shape_cast %reduce_max3A_22 : vector<10000xf32> to vector<10000x1xf32>
    %sub3A = vector.broadcast %broadcast_in_dim3A : vector<10000x1xf32> to vector<10000x8xf32>
    %sub3A_23 = arith.subf %add3A_21, %sub3A : vector<10000x8xf32>
    %exp3A = math.exp %sub3A_23 : vector<10000x8xf32>
    %reduce_sum3A = arith.constant dense<0.000000e+00> : vector<10000xf32>
    %reduce_sum3A_24 = vector.multi_reduction <add>, %exp3A, %reduce_sum3A [1] : vector<10000x8xf32> to vector<10000xf32>
    %broadcast_in_dim3A_25 = vector.shape_cast %reduce_sum3A_24 : vector<10000xf32> to vector<10000x1xf32>
    %div3A = vector.broadcast %broadcast_in_dim3A_25 : vector<10000x1xf32> to vector<10000x8xf32>
    %div3A_26 = arith.divf %exp3A, %div3A : vector<10000x8xf32>
    %swap3A = arith.constant 0 : index
    %swap3A_27 = arith.constant 0 : index
    %swap3A_28 = vector.load %arg4[%swap3A, %swap3A_27] : memref<10000x8xf32, #tpu.memory_space<vmem>>, vector<10000x8xf32>
    tpu.vector_store %arg4[%swap3A, %swap3A_27], %div3A_26 {strides = array<i32>} : memref<10000x8xf32, #tpu.memory_space<vmem>>, vector<10000x8xf32>,
    return
  }
}

</mosaic_0001>

<sc_bundles>
// kernel: kernel.11.cloned.1.call-start
scs
__scs_entry_jumppad:
0x0: {  	(pc) =	sbr.rel $0x88, $3  }
0x1: {  	(tag) =	ssettag $0x0;
	lr =	simm.s32 $0x1  }
0x2: {  	[smem:$0x3F9B] =	sst lr;
	_ =	strace $0xD0000000  }
0x3: {  	_ = 	snop  }
0x4: {  	_ = 	snop  }
0x5: {  	_ = 	snop  }
0x6: {  	_ = 	snop  }
0x7: {  	_ = 	snop  }
__scs_overlays_trampoline_lowered:
0x8: {  	[smem:$0x3FAA] =	sst s0  }
0x9: {  	[smem:$0x3FAB] =	sst s1  }
0xa: {  	[smem:$0x3FAC] =	sst s2  }
0xb: {  	[smem:$0x3FAD] =	sst s3  }
0xc: {  	[smem:$0x3FAE] =	sst s4  }
0xd: {  	[smem:$0x3FAF] =	sst s5  }
0xe: {  	[smem:$0x3FB0] =	sst s6  }
0xf: {  	[smem:$0x3FB1] =	sst s7  }
0x10: {  	[smem:$0x3FB2] =	sst s8  }
0x11: {  	[smem:$0x3FB3] =	sst s9;
	s0 =	simm.s32 @!p0 $0x0  }
0x12: {  	s1 =	sld [smem:$0x3F99];
	s0 =	simm.s32 @p0 $0x1  }
0x13: {  	[smem:$0x3FB4] =	sst s0;
	s0 =	simm.s32 @!p1 $0x0  }
0x14: {  	s2 =	sld [smem:$0x3F98];
	s0 =	simm.s32 @p1 $0x1  }
0x15: {  	[smem:$0x3FB5] =	sst s0;
	s0 =	simm.s32 @!p2 $0x0  }
0x16: {  	s3 =	sld [smem:$0x3FDB];
	s0 =	simm.s32 @p2 $0x1  }
0x17: {  	s4 =	simm.s32 $0x1BF5;
	[smem:$0x3FB7] =	sst s0  }
0x18: {  	s0 =	sld [smem:$0x3F9A];
	_ =	swait.ge [sflag:s4], $0x0  }
0x19: {  	s7 =	sld [smem:$0x3F9B]  }
0x1a: {  	s8 =	sadd.s32 $0xFFFFE003, lr  }
0x1b: {  	s9 =	sadd.s32 $0xFFFFFEF7, lr;
	s5 =	simm.s32 $0xFFFFFFFF;
	p2 =	slt.u32 s8, $0xFFFFF086  }
0x1c: {  	p1 =	slt.u32 s9, $0xF7A;
	s5 =	simm.s32 @!p2 $0x0  }
0x1d: {  	s5 =	simm.s32 @p1 $0x1;
	p0 =	seq.s32 s7, s2  }
0x1e: {  	s7 =	smul.u32 @!p0 $0xF7A, s2;
	p2 =	seq.s32 @!p0 s5, $0x0  }
0x1f: {  	s9 =	smul.u32 $0xF7A, s1;
	s8 =	simm.s32 @!p0 $0x1BF5;
	p2 =	por !p2, p0  }
0x20: {  	[sflag:s8] =	ssyncset.s32 @!p0 $0xFFFFF086;
	s6 =	sadd.s32 @!p0 s3, s7;
	s7 =	simm.s32 @!p0 $0x108  }
0x21: {  	s3 =	sadd.s32 s3, s9;
	s6 =	sadd.s32 @!p0 $0x88, s6;
	s7 =	simm.s32 @p2 $0x1082  }
0x22: {  	[simem:s7], [sflag:s8] =	dma.local @!p0 [hbm:s6], $0xF7A  }
0x23: {  	s9 =	sor.u32 $0xD0000000, s2;
	s6 =	simm.s32 $0x108;
	_ =	swait.ge @!p0 [sflag:s8], $0x0  }
0x24: {  	s3 =	sadd.s32 $0x88, s3;
	s6 =	simm.s32 @!p1 $0x1082;
	[sflag:s4] =	ssyncset.s32 $0xFFFFF086  }
0x25: {  	[simem:s6], [sflag:s4] =	dma.local [hbm:s3], $0xF7A  }
0x26: {  	[smem:$0x3F9B] =	sst s1;
	(tag) =	ssettag s2;
	_ =	strace s9  }
0x27: {  	s1 =	sld [smem:$0x3FAB]  }
0x28: {  	s2 =	sld [smem:$0x3FAC]  }
0x29: {  	s4 =	sld [smem:$0x3FAE]  }
0x2a: {  	p0 =	seq.s32 s5, $0x0;
	s5 =	sld [smem:$0x3FAF]  }
0x2b: {  	s6 =	sld [smem:$0x3FB0]  }
0x2c: {  	s7 =	sld [smem:$0x3FB1]  }
0x2d: {  	s3 =	simm.s32 $0x108;
	s8 =	sld [smem:$0x3FB2]  }
0x2e: {  	s3 =	simm.s32 @!p0 $0x1082;
	s9 =	sld [smem:$0x3FB3]  }
0x2f: {  	lr =	sadd.s32 s0, s3;
	s0 =	sld [smem:$0x3FAA]  }
0x30: {  	s3 =	sld [smem:$0x3FAD]  }
0x31: {  	[smem:$0x3FB6] =	sst s10  }
0x32: {  	s10 =	sld [smem:$0x3FB4];
	_ =	sdelay $0x3  }
0x33: {  	p0 =	seq.s32 s10, $0x1;
	s10 =	sld [smem:$0x3FB6];
	_ =	sdelay $0x3  }
0x34: {  	[smem:$0x3FB6] =	sst s10  }
0x35: {  	s10 =	sld [smem:$0x3FB5];
	_ =	sdelay $0x3  }
0x36: {  	p1 =	seq.s32 s10, $0x1;
	s10 =	sld [smem:$0x3FB6];
	_ =	sdelay $0x3  }
0x37: {  	[smem:$0x3FB6] =	sst s10  }
0x38: {  	s10 =	sld [smem:$0x3FB7]  }
0x39: {  	_ = 	snop;
	(pc) =	sbr.ind lr, $3  }
0x3a: {  	_ = 	snop  }
0x3b: {  	_ = 	snop  }
0x3c: {  	p2 =	seq.s32 s10, $0x1;
	s10 =	sld [smem:$0x3FB6]  }
0x3d: {  	_ =	shalt  }
0x3e: {  	_ =	shalt  }
0x3f: {  	_ =	shalt  }
0x40: {  	_ =	shalt  }
0x41: {  	_ =	shalt  }
0x42: {  	_ =	shalt  }
0x43: {  	_ =	shalt  }
0x44: {  	_ =	shalt  }
0x45: {  	_ =	shalt  }
0x46: {  	_ =	shalt  }
0x47: {  	_ =	shalt  }
0x48: {  	_ =	shalt  }
0x49: {  	_ =	shalt  }
0x4a: {  	_ =	shalt  }
0x4b: {  	_ =	shalt  }
0x4c: {  	_ =	shalt  }
0x4d: {  	_ =	shalt  }
0x4e: {  	_ =	shalt  }
0x4f: {  	_ =	shalt  }
0x50: {  	_ =	shalt  }
0x51: {  	_ =	shalt  }
0x52: {  	_ =	shalt  }
0x53: {  	_ =	shalt  }
0x54: {  	_ =	shalt  }
0x55: {  	_ =	shalt  }
0x56: {  	_ =	shalt  }
0x57: {  	_ =	shalt  }
0x58: {  	_ =	shalt  }
0x59: {  	_ =	shalt  }
0x5a: {  	_ =	shalt  }
0x5b: {  	_ =	shalt  }
0x5c: {  	_ =	shalt  }
0x5d: {  	_ =	shalt  }
0x5e: {  	_ =	shalt  }
0x5f: {  	_ =	shalt  }
0x60: {  	_ =	shalt  }
0x61: {  	_ =	shalt  }
0x62: {  	_ =	shalt  }
0x63: {  	_ =	shalt  }
0x64: {  	_ =	shalt  }
0x65: {  	_ =	shalt  }
0x66: {  	_ =	shalt  }
0x67: {  	_ =	shalt  }
0x68: {  	_ =	shalt  }
0x69: {  	_ =	shalt  }
0x6a: {  	_ =	shalt  }
0x6b: {  	_ =	shalt  }
0x6c: {  	_ =	shalt  }
0x6d: {  	_ =	shalt  }
0x6e: {  	_ =	shalt  }
0x6f: {  	_ =	shalt  }
0x70: {  	_ =	shalt  }
0x71: {  	_ =	shalt  }
0x72: {  	_ =	shalt  }
0x73: {  	_ =	shalt  }
0x74: {  	_ =	shalt  }
0x75: {  	_ =	shalt  }
0x76: {  	_ =	shalt  }
0x77: {  	_ =	shalt  }
0x78: {  	_ =	shalt  }
0x79: {  	_ =	shalt  }
0x7a: {  	_ =	shalt  }
0x7b: {  	_ =	shalt  }
0x7c: {  	_ =	shalt  }
0x7d: {  	_ =	shalt  }
0x7e: {  	_ =	shalt  }
0x7f: {  	_ =	shalt  }
0x80: {  	_ =	shalt  }
0x81: {  	_ =	shalt  }
0x82: {  	_ =	shalt  }
0x83: {  	_ =	shalt  }
0x84: {  	_ =	shalt  }
0x85: {  	_ =	shalt  }
0x86: {  	_ =	shalt  }
0x87: {  	_ =	shalt  }
.Lfunc_end0:
.L_simem_size_0:
called_computation.1_lowered:
.L_overlay_start_0:
0x88: {  	s2 =	sld [smem:$0x3FD9]  }
0x89: {  	s3 =	sld [smem:$0x3FFE];
	_ =	sdelay $0x1  }
0x8a: {  	s1 =	srdreg.scid  }
0x8b: {  	s0 =	sand.u32 $0x1, s1  }
0x8c: {  	s16 =	sshll.u32 s0, $0xA;
	s2 =	sadd.s32 s3, s2  }
0x8d: {  	s2 =	sadd.s32 s2, s16  }
0x8e: {  	[smem:$0x3FC2] =	sst s2  }
0x8f: {  	_ = 	snop  }
0x90: {  	(tm) =	ssettm $0x1  }
0x91: {  	s17 =	sld [smem:$0x3FFB];
	_ =	sdelay $0x3  }
0x92: {  	_ =	strace s17  }
0x93: {  	s2 =	sld [smem:$0x3FFC];
	_ =	sdelay $0x3  }
0x94: {  	_ =	strace s2  }
0x95: {  	s2 =	sld [smem:$0x3FFD];
	_ =	sdelay $0x3  }
0x96: {  	_ =	strace s2  }
0x97: {  	_ =	strace $0x8FFFFFFF  }
0x98: {  	s18 =	sld [smem:$0x3FDB];
	_ =	sdelay $0x1  }
0x99: {  	s19 =	simm.s32 $_scs_section_size  }
0x9a: {  	s4 =	simm.s32 $_size__tile_overlayer_lowered;
	s5 =	simm.s32 $_tile_overlayer_lowered  }
0x9b: {  	s22 =	simm.s32 $0x1BFF;
	s21 =	sshll.u32 s5, $0x1;
	s2 =	sadd.s32 s19, s18  }
0x9c: {  	s6 =	simm.s32 $0x0;
	s20 =	sshll.u32 s4, $0x1;
	s4 =	sadd.s32 s21, s2  }
0x9d: {  	[timem:s6], [sflag:s22] =	dma.local [hbm:s4], s20  }
0x9e: {  	_ =	swait.ge [sflag:s22], s20  }
0x9f: {  	s3 =	ssub.s32 $0x0, s20;
	[sflag:s22] =	ssyncset.done $0x0  }
0xa0: {  	[sflag:s22] =	ssyncadd.s32 s3;
	_ =	sdelay $0x1  }
0xa1: {  	s23 =	simm.s32 $0x1B8B  }
0xa2: {  	_ =	swait.ge [sflag:s23], $0x1  }
0xa3: {  	[sflag:s23] =	ssyncset.done $0x0  }
0xa4: {  	s25 =	simm.s32 $0x1B8E;
	s24 =	sld [smem:$0x3FFE];
	[sflag:s23] =	ssyncadd.s32 $0xFFFFFFFF  }
0xa5: {  	s26 =	simm.s32 $execute0_lowered;
	[smem:$0x3FD2] =	sst s25  }
0xa6: {  	s4 =	sshll.u32 s26, $0x1;
	_ =	strace $0x80000049;
	[dreg:$0x1] =	wrdreg $0xFFFFFFFF  }
0xa7: {  	s28 =	simm.s32 $_size_execute0_lowered;
	s2 =	sadd.s32 s2, s4;
	[dreg:$0x0] =	wrdreg $0x0  }
0xa8: {  	s4 =	sshll.u32 s28, $0x1;
	[dreg:$0x2] =	wrdreg s2  }
0xa9: {  	[dreg:$0x3] =	wrdreg s4  }
0xaa: {  	[dreg:$0x4] =	wrdreg $0xC0  }
0xab: {  	_ =	task [dreg:s6], $0x5FFFF  }
0xac: {  	[dreg:$0x1] =	wrdreg $0xFFFFFFFF  }
0xad: {  	[dreg:$0x0] =	wrdreg $0x60  }
0xae: {  	[dreg:$0x2] =	wrdreg s24  }
0xaf: {  	[dreg:$0x3] =	wrdreg $0x86000  }
0xb0: {  	[dreg:$0x4] =	wrdreg $0x9  }
0xb1: {  	_ =	task.clear_ibuf [dreg:s6], $0x5FFFF;
	_ =	strace $0x90000049  }
0xb2: {  	s29 =	simm.s32 $0x9;
	_ =	strace $0x8000004B  }
0xb3: {  	_ =	swait.ge [sflag:s29], $0x1  }
0xb4: {  	[sflag:s29] =	ssyncadd.s32 $0xFFFFFFFF  }
0xb5: {  	_ =	strace $0x9000004B  }
0xb6: {  	_ =	sfence  }
0xb7: {  	s30 =	sld [smem:$0x0];
	_ =	sdelay $0x2  }
0xb8: {  	s31 =	sshll.u32 s1, $0xD;
	s1 =	sshrl.u32 s1, $0x2  }
0xb9: {  	s3 =	sand.u32 $0x4000, s31;
	s1 =	sadd.s32 s1, s30  }
0xba: {  	s0 =	sor.u32 s3, s0;
	s1 =	sshll.u32 s1, $0x11  }
0xbb: {  	s0 =	sor.u32 s1, s0  }
0xbc: {  	s0 =	sadd.s32 $0x8F2B, s0  }
0xbd: {  	[sflag:s0] =	ssyncadd.remote.s32 $0x1  }
0xbe: {  	_ =	sfence.sel $0xFFFF  }
0xbf: {  	[dreg:$0x0] =	wrdreg $0xFFFFFFFF;
	(pc) =	sbr.abs _section_cstart, $3  }
0xc0: {  	[dreg:$0x1] =	wrdreg $0xFFFFFFFF  }
0xc1: {  	_ =	task.clear_ibuf [dreg:s6], $0x2FFFF;
	_ =	strace $0x9FFFFFFF  }
0xc2: {  	(tm) =	ssettm $0x7FFFFFFF  }
0xc3: {  	_ =	shalt  }
tec
execute0_lowered:
.L_overlay_start_1:
0x0: {  	(tag) =	ssettag $0x1  }
0x1: {  	s5 =	rddreg [dreg:$0x0]  }
0x2: {  	s1 =	rddreg [dreg:$0x1]  }
0x3: {  	s0 =	rddreg [dreg:$0x2];
	s2 =	srdreg.scid  }
0x4: {  	s3 =	simm.s32 $0x0;
	s17 =	simm.s32 $0x7E00;
	s6 =	sand.u32 $0x1, s2  }
0x5: {  	s18 =	simm.s32 $0x1;
	s2 =	stileid.u32;
	s7 =	smul.u32 $0x28000, s6  }
0x6: {  	s19 =	simm.s32 $0x2;
	s21 =	simm.s32 $0x0;
	s11 =	smul.u32 $0x2800, s2  }
0x7: {  	[smem:$0x7FF] =	sst s3;
	s4 =	sadd.s32 $0x15600, s5;
	s10 =	smul.u32 $0x760, s2  }
0x8: {  	s8 =	sadd.s32 $0xB600, s5;
	s9 =	sadd.s32 $0x1600, s5;
	s13 =	smul.u32 $0xA000, s2  }
0x9: {  	_ =	strace $0x8000004A;
	s12 =	ssub.s32 $0x2, s6;
	s15 =	smul.u32 $0x1500, s2  }
0xa: {  	p0 =	seq.s32 s6, $0x1;
	s14 =	sshrl.u32 s12, $0x1;
	s7 =	sadd.s32 s11, s7  }
0xb: {  	s12 =	ssub.s32 s12, s14;
	s29 =	sshrl.u32 s13, $0x2;
	s30 =	sshrl.u32 s15, $0x3  }
0xc: {  	s6 =	sadd.s32 s9, s10;
	s20 =	sadd.s32 s11, s1;
	s13 =	simm.s32 $0x3B00  }
.Ltmp0:
0xd: {  	s14 =	simm.s32 $0x80;
	s15 =	simm.s32 $0x7600;
	(pc) =	sbr.rel .LBB2_1-.Ltmp0, $4  }
0xe: {  	s7 =	sshrl.u32 s7, $0x3;
	s31 =	sadd.s32 $0x7600, s30;
	s11 =	smax.u32 s12, $0x1  }
0xf: {  	s12 =	simm.s32 $0x3;
	s20 =	sshrl.u32 s20, $0x3;
	s16 =	sadd.s32 s7, s5  }
0x10: {  	s5 =	sadd.s32 s8, s10;
	s7 =	sadd.s32 s29, s1;
	s8 =	sadd.s32 s8, s31  }
0x11: {  	v0 =	vimm.f32 $0.0e+00;
	s9 =	sadd.s32 s9, s31;
	s10 =	sadd.s32 $0x1F600, s16;
	s16 =	simm.s32 $0xAE00  }
.LBB2_7:
0x12: {  	s23 =	sadd.s32 $0x80, s22;
	[sflag:s12] =	ssyncadd.s32 @p1 $0xFFFFF800  }
0x13: {  	[tilespmem:s17], [sflag:$0x2] =	stream.indirect.gather [hbm4b:s4+s14], $0x10, s23, s14, $0xb8;
	[tilespmem:$0xD600] =	vst v63  }
0x14: {  	_ =	swait.ge [sflag:s18], $0x800  }
0x15: {  	[sflag:s18] =	ssyncset.done $0x0  }
0x16: {  	s29 =	sadd.s32 $0x3B00, s22;
	[sflag:s18] =	ssyncadd.s32 $0xFFFFF800  }
0x17: {  	[spmem:s1] =	stream.indirect.scatter.add.f32 [tilespmem:s15], [sflag:$0x3], $0x10, s29, s14, $0xb8;
	[tilespmem:$0xD600] =	vst v63  }
0x18: {  	_ =	swait.ge [sflag:s12], $0x800  }
0x19: {  	[sflag:s12] =	ssyncset.done $0x0  }
0x1a: {  	s30 =	sadd.s32 $0x100, s22;
	[sflag:s12] =	ssyncadd.s32 $0xFFFFF800  }
0x1b: {  	[tilespmem:s15], [sflag:$0x1] =	stream.indirect.gather [hbm4b:s4+s14], $0x10, s30, s14, $0xb8;
	[tilespmem:$0xD600] =	vst v63  }
0x1c: {  	_ =	swait.ge [sflag:s19], $0x800  }
0x1d: {  	[sflag:s19] =	ssyncset.done $0x0  }
0x1e: {  	s31 =	sadd.s32 $0x3B80, s22;
	[sflag:s19] =	ssyncadd.s32 $0xFFFFF800  }
0x1f: {  	[spmem:s1] =	stream.indirect.scatter.add.f32 [tilespmem:s17], [sflag:$0x3], $0x10, s31, s14, $0xb8;
	[tilespmem:$0xD600] =	vst v63  }
0x20: {  	_ =	swait.ge [sflag:s12], $0x800  }
0x21: {  	s22 =	simm.s32 $0x7580;
	[sflag:s12] =	ssyncset.done $0x0  }
0x22: {  	s24 =	simm.s32 $0x3A80;
	s23 =	simm.s32 $0x7500;
	[sflag:s12] =	ssyncadd.s32 $0xFFFFF800  }
.LBB2_13:
0x23: {  	[tilespmem:s17], [sflag:$0x2] =	stream.indirect.gather [hbm4b:s4+s14], $0x10, s24, s14, $0xb8;
	[tilespmem:$0xD600] =	vst v63  }
0x24: {  	_ =	swait.ge [sflag:s18], $0x800  }
0x25: {  	[sflag:s18] =	ssyncset.done $0x0  }
0x26: {  	[sflag:s18] =	ssyncadd.s32 $0xFFFFF800  }
0x27: {  	[spmem:s1] =	stream.indirect.scatter.add.f32 [tilespmem:s15], [sflag:$0x3], $0x10, s23, s14, $0xb8;
	[tilespmem:$0xD600] =	vst v63  }
0x28: {  	_ =	swait.ge [sflag:s12], $0x800  }
0x29: {  	[sflag:s12] =	ssyncset.done $0x0  }
0x2a: {  	[sflag:s12] =	ssyncadd.s32 $0xFFFFF800  }
0x2b: {  	[tilespmem:s15], [sflag:$0x1] =	stream.indirect.gather [hbm4b:s4+s14], $0x10, s3, s14, $0xb8;
	[tilespmem:$0xD600] =	vst v63  }
0x2c: {  	_ =	swait.ge [sflag:s19], $0x800  }
0x2d: {  	[sflag:s19] =	ssyncset.done $0x0  }
0x2e: {  	[sflag:s19] =	ssyncadd.s32 $0xFFFFF800  }
0x2f: {  	[spmem:s1] =	stream.indirect.scatter.add.f32 [tilespmem:s17], [sflag:$0x3], $0x10, s22, s14, $0xb8;
	[tilespmem:$0xD600] =	vst v63  }
0x30: {  	_ =	swait.ge [sflag:s12], $0x800  }
0x31: {  	[sflag:s12] =	ssyncset.done $0x0  }
0x32: {  	[sflag:s12] =	ssyncadd.s32 $0xFFFFF800  }
0x33: {  	_ =	swait.ge [sflag:s18], $0x800  }
0x34: {  	s21 =	sadd.s32 $0x1, s21;
	[sflag:s18] =	ssyncset.done $0x0  }
0x35: {  	s31 =	sshll.u32 s2, $0x6;
	p1 =	sne.s32 s21, s11;
	[sflag:s18] =	ssyncadd.s32 $0xFFFFF800  }
.Ltmp1:
0x36: {  	s22 =	sor.u32 $0x1C03, s31;
	[bflag:$0x0] =	sbarrier.arrive $0xFFFF;
	(pc) =	sbr.rel @!p1 .LBB2_14-.Ltmp1, $4  }
0x37: {  	[hbm:s10], [sflag:s22] =	dma.local [spmem:s20], $0x500  }
0x38: {  	_ =	swait.ge [sflag:s12], $0x500  }
0x39: {  	[sflag:s12] =	ssyncset.done $0x0  }
0x3a: {  	[sflag:s12] =	ssyncadd.s32 $0xFFFFFB00  }
.LBB2_1:
.Ltmp2:
0x3b: {  	(pc) =	sbr.rel @!p0 .LBB2_2-.Ltmp2, $2  }
0x3c: {  	_ =	sdelay $0x2  }
0x3d: {  	s22 =	simm.s32 $0x0  }
0x3e: {  	[tilespmem:s22], [sflag:$0x3] =	stream.linear.gather [hbm4b:s8+s22], $0x1500, $0x38;
	[tilespmem:$0xD600] =	vst v63  }
0x3f: {  	_ =	swait.ge [sflag:s12], $0x1500  }
0x40: {  	[sflag:s12] =	ssyncset.done $0x0  }
0x41: {  	[sflag:s12] =	ssyncadd.s32 $0xFFFFEB00  }
0x42: {  	[tilespmem:s13], [sflag:$0x3] =	stream.linear.gather [hbm4b:s9+s22], $0x1500, $0x38;
	[tilespmem:$0xD600] =	vst v63  }
0x43: {  	_ =	swait.ge [sflag:s12], $0x1500  }
0x44: {  	[sflag:s12] =	ssyncset.done $0x0  }
0x45: {  	[sflag:s12] =	ssyncadd.s32 $0xFFFFEB00  }
0x46: {  	[tilespmem:s15], [sflag:$0x1] =	stream.indirect.gather [hbm4b:s4+s14], $0x10, s22, s14, $0xb8;
	[tilespmem:$0xD600] =	vst v63  }
0x47: {  	s23 =	simm.s32 $0x200;
	s22 =	simm.s32 $0x0  }
.LBB2_9:
0x48: {  	p1 =	sne.s32 s23, $0x9E00;
	[tilespmem:s22+$0xAE70] =	vst v0  }
0x49: {  	[tilespmem:s22+$0xAE00] =	vst v0  }
0x4a: {  	[tilespmem:s22+$0xAE10] =	vst v0  }
.Ltmp3:
0x4b: {  	[tilespmem:s22+$0xAE20] =	vst v0;
	(pc) =	sbr.rel @p1 .LBB2_9-.Ltmp3, $4  }
0x4c: {  	[tilespmem:s22+$0xAE30] =	vst v0  }
0x4d: {  	[tilespmem:s22+$0xAE40] =	vst v0  }
0x4e: {  	[tilespmem:s22+$0xAE50] =	vst v0  }
0x4f: {  	[tilespmem:s22+$0xAE60] =	vst v0;
	s22 =	sshra.s32 s23, $0x2;
	s23 =	sadd.s32 $0x200, s23  }
0x50: {  	[tilespmem:s22+$0xAE70] =	vst v0  }
0x51: {  	[tilespmem:s22+$0xAE00] =	vst v0  }
0x52: {  	[tilespmem:s22+$0xAE10] =	vst v0  }
0x53: {  	[tilespmem:s22+$0xAE20] =	vst v0  }
0x54: {  	[tilespmem:s22+$0xAE30] =	vst v0  }
0x55: {  	[tilespmem:s22+$0xAE40] =	vst v0  }
0x56: {  	[tilespmem:s22+$0xAE50] =	vst v0  }
0x57: {  	[tilespmem:s22+$0xAE60] =	vst v0  }
0x58: {  	[spmem:s7] =	stream.linear.scatter [tilespmem:s16], [sflag:$0x3], $0x2800, $0x38;
	[tilespmem:$0xD600] =	vst v63  }
0x59: {  	_ =	swait.ge [sflag:s12], $0x2800  }
0x5a: {  	[sflag:s12] =	ssyncset.done $0x0  }
0x5b: {  	[sflag:s12] =	ssyncadd.s32 $0xFFFFD800  }
0x5c: {  	s28 =	simm.s32 $0x80;
	[bflag:$0x0] =	sbarrier.arrive $0xFFFF  }
0x5d: {  	[tilespmem:s17], [sflag:$0x2] =	stream.indirect.gather [hbm4b:s4+s14], $0x10, s28, s14, $0xb8;
	[tilespmem:$0xD600] =	vst v63  }
0x5e: {  	_ =	swait.ge [sflag:s18], $0x800  }
0x5f: {  	[sflag:s18] =	ssyncset.done $0x0  }
0x60: {  	s29 =	simm.s32 $0x3B00;
	[sflag:s18] =	ssyncadd.s32 $0xFFFFF800  }
0x61: {  	[spmem:s1] =	stream.indirect.scatter.add.f32 [tilespmem:s15], [sflag:$0x3], $0x10, s29, s14, $0xb8;
	[tilespmem:$0xD600] =	vst v63  }
0x62: {  	_ =	swait.ge [sflag:s12], $0x800  }
0x63: {  	[sflag:s12] =	ssyncset.done $0x0  }
0x64: {  	s30 =	simm.s32 $0x100;
	[sflag:s12] =	ssyncadd.s32 $0xFFFFF800  }
0x65: {  	[tilespmem:s15], [sflag:$0x1] =	stream.indirect.gather [hbm4b:s4+s14], $0x10, s30, s14, $0xb8;
	[tilespmem:$0xD600] =	vst v63  }
0x66: {  	_ =	swait.ge [sflag:s19], $0x800  }
0x67: {  	[sflag:s19] =	ssyncset.done $0x0  }
0x68: {  	s31 =	simm.s32 $0x3B80;
	[sflag:s19] =	ssyncadd.s32 $0xFFFFF800  }
0x69: {  	[spmem:s1] =	stream.indirect.scatter.add.f32 [tilespmem:s17], [sflag:$0x3], $0x10, s31, s14, $0xb8;
	[tilespmem:$0xD600] =	vst v63  }
0x6a: {  	_ =	swait.ge [sflag:s12], $0x800  }
0x6b: {  	s23 =	simm.s32 $0x800;
	s22 =	simm.s32 $0x100;
	[sflag:s12] =	ssyncset.done $0x0  }
.LBB2_11:
0x6c: {  	s24 =	sadd.s32 $0x80, s22  }
0x6d: {  	[sflag:s12] =	ssyncadd.s32 $0xFFFFF800;
	s25 =	smov.u32 s23;
	s26 =	sadd.s32 $0x400, s23  }
0x6e: {  	[tilespmem:s17], [sflag:$0x2] =	stream.indirect.gather [hbm4b:s4+s14], $0x10, s24, s14, $0xb8;
	[tilespmem:$0xD600] =	vst v63  }
0x6f: {  	p1 =	sne.s32 s23, $0x4C00;
	_ =	swait.ge [sflag:s18], $0x800  }
0x70: {  	[sflag:s18] =	ssyncset.done $0x0  }
0x71: {  	s23 =	sadd.s32 $0x3B00, s22;
	[sflag:s18] =	ssyncadd.s32 $0xFFFFF800  }
0x72: {  	[spmem:s1] =	stream.indirect.scatter.add.f32 [tilespmem:s15], [sflag:$0x3], $0x10, s23, s14, $0xb8;
	[tilespmem:$0xD600] =	vst v63  }
0x73: {  	_ =	swait.ge [sflag:s12], $0x800  }
0x74: {  	[sflag:s12] =	ssyncset.done $0x0  }
0x75: {  	s23 =	sadd.s32 $0x100, s22;
	[sflag:s12] =	ssyncadd.s32 $0xFFFFF800  }
0x76: {  	[tilespmem:s15], [sflag:$0x1] =	stream.indirect.gather [hbm4b:s4+s14], $0x10, s23, s14, $0xb8;
	[tilespmem:$0xD600] =	vst v63  }
0x77: {  	_ =	swait.ge [sflag:s19], $0x800  }
.Ltmp4:
0x78: {  	[sflag:s19] =	ssyncset.done $0x0;
	(pc) =	sbr.rel @p1 .LBB2_11-.Ltmp4, $4  }
0x79: {  	s22 =	sadd.s32 $0x3B80, s22;
	[sflag:s19] =	ssyncadd.s32 $0xFFFFF800  }
0x7a: {  	[spmem:s1] =	stream.indirect.scatter.add.f32 [tilespmem:s17], [sflag:$0x3], $0x10, s22, s14, $0xb8;
	[tilespmem:$0xD600] =	vst v63  }
0x7b: {  	_ =	swait.ge [sflag:s12], $0x800  }
0x7c: {  	s23 =	smov.u32 s26;
	s22 =	sshra.s32 s25, $0x2;
	[sflag:s12] =	ssyncset.done $0x0  }
0x7d: {  	s23 =	sadd.s32 $0x80, s22;
	[sflag:s12] =	ssyncadd.s32 $0xFFFFF800  }
0x7e: {  	[tilespmem:s17], [sflag:$0x2] =	stream.indirect.gather [hbm4b:s4+s14], $0x10, s23, s14, $0xb8;
	[tilespmem:$0xD600] =	vst v63  }
0x7f: {  	_ =	swait.ge [sflag:s18], $0x800  }
0x80: {  	[sflag:s18] =	ssyncset.done $0x0  }
0x81: {  	s29 =	sadd.s32 $0x3B00, s22;
	[sflag:s18] =	ssyncadd.s32 $0xFFFFF800  }
0x82: {  	[spmem:s1] =	stream.indirect.scatter.add.f32 [tilespmem:s15], [sflag:$0x3], $0x10, s29, s14, $0xb8;
	[tilespmem:$0xD600] =	vst v63  }
0x83: {  	_ =	swait.ge [sflag:s12], $0x800  }
0x84: {  	[sflag:s12] =	ssyncset.done $0x0  }
0x85: {  	s30 =	sadd.s32 $0x100, s22;
	[sflag:s12] =	ssyncadd.s32 $0xFFFFF800  }
0x86: {  	[tilespmem:s15], [sflag:$0x1] =	stream.indirect.gather [hbm4b:s4+s14], $0x10, s30, s14, $0xb8;
	[tilespmem:$0xD600] =	vst v63  }
0x87: {  	_ =	swait.ge [sflag:s19], $0x800  }
0x88: {  	[sflag:s19] =	ssyncset.done $0x0  }
.Ltmp5:
0x89: {  	s31 =	sadd.s32 $0x3B80, s22;
	[sflag:s19] =	ssyncadd.s32 $0xFFFFF800;
	(pc) =	sbr.rel .LBB2_13-.Ltmp5, $4  }
0x8a: {  	[spmem:s1] =	stream.indirect.scatter.add.f32 [tilespmem:s17], [sflag:$0x3], $0x10, s31, s14, $0xb8;
	[tilespmem:$0xD600] =	vst v63  }
0x8b: {  	_ =	swait.ge [sflag:s12], $0x800  }
0x8c: {  	s22 =	simm.s32 $0x4F80;
	[sflag:s12] =	ssyncset.done $0x0  }
0x8d: {  	s24 =	simm.s32 $0x1480;
	s23 =	simm.s32 $0x4F00;
	[sflag:s12] =	ssyncadd.s32 $0xFFFFF800  }
.LBB2_2:
0x8e: {  	[tilespmem:s22], [sflag:$0x3] =	stream.linear.gather [hbm4b:s5+s22], $0x3B00, $0x38;
	[tilespmem:$0xD600] =	vst v63  }
0x8f: {  	_ =	swait.ge [sflag:s12], $0x3B00  }
0x90: {  	[sflag:s12] =	ssyncset.done $0x0  }
0x91: {  	[sflag:s12] =	ssyncadd.s32 $0xFFFFC500  }
0x92: {  	[tilespmem:s13], [sflag:$0x3] =	stream.linear.gather [hbm4b:s6+s22], $0x3B00, $0x38;
	[tilespmem:$0xD600] =	vst v63  }
0x93: {  	_ =	swait.ge [sflag:s12], $0x3B00  }
0x94: {  	[sflag:s12] =	ssyncset.done $0x0  }
0x95: {  	[sflag:s12] =	ssyncadd.s32 $0xFFFFC500  }
0x96: {  	[tilespmem:s15], [sflag:$0x1] =	stream.indirect.gather [hbm4b:s4+s14], $0x10, s22, s14, $0xb8;
	[tilespmem:$0xD600] =	vst v63  }
0x97: {  	s23 =	simm.s32 $0x200;
	s22 =	simm.s32 $0x0  }
.LBB2_3:
0x98: {  	p1 =	sne.s32 s23, $0x9E00;
	[tilespmem:s22+$0xAE70] =	vst v0  }
0x99: {  	[tilespmem:s22+$0xAE00] =	vst v0  }
0x9a: {  	[tilespmem:s22+$0xAE10] =	vst v0  }
.Ltmp6:
0x9b: {  	[tilespmem:s22+$0xAE20] =	vst v0;
	(pc) =	sbr.rel @p1 .LBB2_3-.Ltmp6, $4  }
0x9c: {  	[tilespmem:s22+$0xAE30] =	vst v0  }
0x9d: {  	[tilespmem:s22+$0xAE40] =	vst v0  }
0x9e: {  	[tilespmem:s22+$0xAE50] =	vst v0  }
0x9f: {  	[tilespmem:s22+$0xAE60] =	vst v0;
	s22 =	sshra.s32 s23, $0x2;
	s23 =	sadd.s32 $0x200, s23  }
0xa0: {  	[tilespmem:s22+$0xAE70] =	vst v0  }
0xa1: {  	[tilespmem:s22+$0xAE00] =	vst v0  }
0xa2: {  	[tilespmem:s22+$0xAE10] =	vst v0  }
0xa3: {  	[tilespmem:s22+$0xAE20] =	vst v0  }
0xa4: {  	[tilespmem:s22+$0xAE30] =	vst v0  }
0xa5: {  	[tilespmem:s22+$0xAE40] =	vst v0  }
0xa6: {  	[tilespmem:s22+$0xAE50] =	vst v0  }
0xa7: {  	[tilespmem:s22+$0xAE60] =	vst v0;
	p2 =	por $0x0, $0x0  }
0xa8: {  	[spmem:s7] =	stream.linear.scatter [tilespmem:s16], [sflag:$0x3], $0x2800, $0x38;
	[tilespmem:$0xD600] =	vst v63  }
.Ltmp7:
0xa9: {  	_ =	swait.ge [sflag:s12], $0x2800;
	(pc) =	sbr.rel @p2 .LBB2_7-.Ltmp7, $4  }
0xaa: {  	[sflag:s12] =	ssyncset.done $0x0  }
0xab: {  	[sflag:s12] =	ssyncadd.s32 $0xFFFFD800  }
0xac: {  	[bflag:$0x0] =	sbarrier.arrive $0xFFFF  }
0xad: {  	s22 =	simm.s32 $0x0;
	p1 =	por $0x0, $0x0  }
0xae: {  	s22 =	simm.s32 $0x80  }
0xaf: {  	[tilespmem:s17], [sflag:$0x2] =	stream.indirect.gather [hbm4b:s4+s14], $0x10, s22, s14, $0xb8;
	[tilespmem:$0xD600] =	vst v63  }
0xb0: {  	_ =	swait.ge [sflag:s18], $0x800  }
0xb1: {  	[sflag:s18] =	ssyncset.done $0x0  }
0xb2: {  	s29 =	simm.s32 $0x3B00;
	[sflag:s18] =	ssyncadd.s32 $0xFFFFF800  }
0xb3: {  	[spmem:s1] =	stream.indirect.scatter.add.f32 [tilespmem:s15], [sflag:$0x3], $0x10, s29, s14, $0xb8;
	[tilespmem:$0xD600] =	vst v63  }
0xb4: {  	_ =	swait.ge [sflag:s12], $0x800  }
0xb5: {  	[sflag:s12] =	ssyncset.done $0x0  }
0xb6: {  	s30 =	simm.s32 $0x100;
	[sflag:s12] =	ssyncadd.s32 $0xFFFFF800  }
0xb7: {  	[tilespmem:s15], [sflag:$0x1] =	stream.indirect.gather [hbm4b:s4+s14], $0x10, s30, s14, $0xb8;
	[tilespmem:$0xD600] =	vst v63  }
0xb8: {  	p2 =	por $0x0, $0x0;
	_ =	swait.ge [sflag:s19], $0x800  }
.Ltmp8:
0xb9: {  	[sflag:s19] =	ssyncset.done $0x0;
	(pc) =	sbr.rel @p2 .LBB2_7-.Ltmp8, $4  }
0xba: {  	s31 =	simm.s32 $0x3B80;
	[sflag:s19] =	ssyncadd.s32 $0xFFFFF800  }
0xbb: {  	[spmem:s1] =	stream.indirect.scatter.add.f32 [tilespmem:s17], [sflag:$0x3], $0x10, s31, s14, $0xb8;
	[tilespmem:$0xD600] =	vst v63  }
0xbc: {  	s23 =	simm.s32 $0x800;
	_ =	swait.ge [sflag:s12], $0x800  }
0xbd: {  	p1 =	por $0x1, $0x1;
	s22 =	simm.s32 $0x100;
	[sflag:s12] =	ssyncset.done $0x0  }
.LBB2_6:
0xbe: {  	s24 =	sadd.s32 $0x80, s22  }
0xbf: {  	[sflag:s12] =	ssyncadd.s32 $0xFFFFF800;
	s25 =	smov.u32 s23;
	s26 =	sadd.s32 $0x400, s23  }
0xc0: {  	[tilespmem:s17], [sflag:$0x2] =	stream.indirect.gather [hbm4b:s4+s14], $0x10, s24, s14, $0xb8;
	[tilespmem:$0xD600] =	vst v63  }
0xc1: {  	p2 =	seq.s32 s23, $0xE400;
	_ =	swait.ge [sflag:s18], $0x800  }
0xc2: {  	[sflag:s18] =	ssyncset.done $0x0  }
0xc3: {  	s23 =	sadd.s32 $0x3B00, s22;
	[sflag:s18] =	ssyncadd.s32 $0xFFFFF800  }
0xc4: {  	[spmem:s1] =	stream.indirect.scatter.add.f32 [tilespmem:s15], [sflag:$0x3], $0x10, s23, s14, $0xb8;
	[tilespmem:$0xD600] =	vst v63  }
0xc5: {  	_ =	swait.ge [sflag:s12], $0x800  }
0xc6: {  	[sflag:s12] =	ssyncset.done $0x0  }
0xc7: {  	s23 =	sadd.s32 $0x100, s22;
	[sflag:s12] =	ssyncadd.s32 $0xFFFFF800  }
0xc8: {  	[tilespmem:s15], [sflag:$0x1] =	stream.indirect.gather [hbm4b:s4+s14], $0x10, s23, s14, $0xb8;
	[tilespmem:$0xD600] =	vst v63  }
0xc9: {  	_ =	swait.ge [sflag:s19], $0x800  }
.Ltmp9:
0xca: {  	[sflag:s19] =	ssyncset.done $0x0;
	(pc) =	sbr.rel @!p2 .LBB2_6-.Ltmp9, $4  }
0xcb: {  	s22 =	sadd.s32 $0x3B80, s22;
	[sflag:s19] =	ssyncadd.s32 $0xFFFFF800  }
0xcc: {  	[spmem:s1] =	stream.indirect.scatter.add.f32 [tilespmem:s17], [sflag:$0x3], $0x10, s22, s14, $0xb8;
	[tilespmem:$0xD600] =	vst v63  }
0xcd: {  	_ =	swait.ge [sflag:s12], $0x800  }
0xce: {  	s23 =	smov.u32 s26;
	s22 =	sshra.s32 s25, $0x2;
	[sflag:s12] =	ssyncset.done $0x0  }
.Ltmp10:
0xcf: {  	_ = 	snop;
	(pc) =	sbr.rel .LBB2_7-.Ltmp10, $1  }
0xd0: {  	_ =	sdelay $0x3  }
.LBB2_14:
0xd1: {  	_ =	sfence.sel $0x180000  }
0xd2: {  	[bflag:$0x0] =	sbarrier.arrive $0xFFFF  }
0xd3: {  	p0 =	sne.s32 s2, $0x0;
	_ =	strace $0x9000004A  }
0xd4: {  	s0 =	sadd.s32 @!p0 $0x100000, s0;
	[bflag:$0x2] =	sbarrier.arrive $0xFFFF  }
0xd5: {  	[sflag:s0] =	ssyncadd.tile.s32 @!p0 $0x1;
	_ =	shalt  }
.Lfunc_end2:
_tile_overlayer_lowered:
.L_overlay_start_2:
0xd6: {  	(tag) =	ssettag $0x2  }
0xd7: {  	s0 =	rddreg [dreg:$0x0];
	s2 =	stileid.u32  }
0xd8: {  	s1 =	rddreg [dreg:$0x1];
	p0 =	sne.s32 s2, $0x0  }
0xd9: {  	s3 =	rddreg [dreg:$0x2];
	[bflag:$0x3] =	sbarrier.arrive $0xFFFF;
	s2 =	simm.s32 @!p0 $0x1C03  }
0xda: {  	[timem:s3], [sflag:s2] =	dma.local @!p0 [hbm:s0], s1  }
0xdb: {  	s0 =	simm.s32 @!p0 $0x3  }
0xdc: {  	_ =	swait.ge @!p0 [sflag:s0], s1  }
0xdd: {  	s1 =	ssub.s32 @!p0 $0x0, s1;
	[sflag:s0] =	ssyncset.done @!p0 $0x0  }
0xde: {  	[sflag:s0] =	ssyncadd.s32 @!p0 s1  }
0xdf: {  	[bflag:$0x3] =	sbarrier.arrive $0xFFFF  }
0xe0: {  	_ =	shalt  }

// kernel: kernel.14.cloned.1.call-start
scs
__scs_entry_jumppad:
0x0: {  	(pc) =	sbr.rel $0x88, $3  }
0x1: {  	(tag) =	ssettag $0x0;
	lr =	simm.s32 $0x1  }
0x2: {  	[smem:$0x3F9B] =	sst lr;
	_ =	strace $0xD0000000  }
0x3: {  	_ = 	snop  }
0x4: {  	_ = 	snop  }
0x5: {  	_ = 	snop  }
0x6: {  	_ = 	snop  }
0x7: {  	_ = 	snop  }
__scs_overlays_trampoline_lowered:
0x8: {  	[smem:$0x3FAA] =	sst s0  }
0x9: {  	[smem:$0x3FAB] =	sst s1  }
0xa: {  	[smem:$0x3FAC] =	sst s2  }
0xb: {  	[smem:$0x3FAD] =	sst s3  }
0xc: {  	[smem:$0x3FAE] =	sst s4  }
0xd: {  	[smem:$0x3FAF] =	sst s5  }
0xe: {  	[smem:$0x3FB0] =	sst s6  }
0xf: {  	[smem:$0x3FB1] =	sst s7  }
0x10: {  	[smem:$0x3FB2] =	sst s8  }
0x11: {  	[smem:$0x3FB3] =	sst s9;
	s0 =	simm.s32 @!p0 $0x0  }
0x12: {  	s1 =	sld [smem:$0x3F99];
	s0 =	simm.s32 @p0 $0x1  }
0x13: {  	[smem:$0x3FB4] =	sst s0;
	s0 =	simm.s32 @!p1 $0x0  }
0x14: {  	s2 =	sld [smem:$0x3F98];
	s0 =	simm.s32 @p1 $0x1  }
0x15: {  	[smem:$0x3FB5] =	sst s0;
	s0 =	simm.s32 @!p2 $0x0  }
0x16: {  	s3 =	sld [smem:$0x3FDB];
	s0 =	simm.s32 @p2 $0x1  }
0x17: {  	s4 =	simm.s32 $0x1BF5;
	[smem:$0x3FB7] =	sst s0  }
0x18: {  	s0 =	sld [smem:$0x3F9A];
	_ =	swait.ge [sflag:s4], $0x0  }
0x19: {  	s7 =	sld [smem:$0x3F9B]  }
0x1a: {  	s8 =	sadd.s32 $0xFFFFE003, lr  }
0x1b: {  	s9 =	sadd.s32 $0xFFFFFEF7, lr;
	s5 =	simm.s32 $0xFFFFFFFF;
	p2 =	slt.u32 s8, $0xFFFFF086  }
0x1c: {  	p1 =	slt.u32 s9, $0xF7A;
	s5 =	simm.s32 @!p2 $0x0  }
0x1d: {  	s5 =	simm.s32 @p1 $0x1;
	p0 =	seq.s32 s7, s2  }
0x1e: {  	s7 =	smul.u32 @!p0 $0xF7A, s2;
	p2 =	seq.s32 @!p0 s5, $0x0  }
0x1f: {  	s9 =	smul.u32 $0xF7A, s1;
	s8 =	simm.s32 @!p0 $0x1BF5;
	p2 =	por !p2, p0  }
0x20: {  	[sflag:s8] =	ssyncset.s32 @!p0 $0xFFFFF086;
	s6 =	sadd.s32 @!p0 s3, s7;
	s7 =	simm.s32 @!p0 $0x108  }
0x21: {  	s3 =	sadd.s32 s3, s9;
	s6 =	sadd.s32 @!p0 $0x88, s6;
	s7 =	simm.s32 @p2 $0x1082  }
0x22: {  	[simem:s7], [sflag:s8] =	dma.local @!p0 [hbm:s6], $0xF7A  }
0x23: {  	s9 =	sor.u32 $0xD0000000, s2;
	s6 =	simm.s32 $0x108;
	_ =	swait.ge @!p0 [sflag:s8], $0x0  }
0x24: {  	s3 =	sadd.s32 $0x88, s3;
	s6 =	simm.s32 @!p1 $0x1082;
	[sflag:s4] =	ssyncset.s32 $0xFFFFF086  }
0x25: {  	[simem:s6], [sflag:s4] =	dma.local [hbm:s3], $0xF7A  }
0x26: {  	[smem:$0x3F9B] =	sst s1;
	(tag) =	ssettag s2;
	_ =	strace s9  }
0x27: {  	s1 =	sld [smem:$0x3FAB]  }
0x28: {  	s2 =	sld [smem:$0x3FAC]  }
0x29: {  	s4 =	sld [smem:$0x3FAE]  }
0x2a: {  	p0 =	seq.s32 s5, $0x0;
	s5 =	sld [smem:$0x3FAF]  }
0x2b: {  	s6 =	sld [smem:$0x3FB0]  }
0x2c: {  	s7 =	sld [smem:$0x3FB1]  }
0x2d: {  	s3 =	simm.s32 $0x108;
	s8 =	sld [smem:$0x3FB2]  }
0x2e: {  	s3 =	simm.s32 @!p0 $0x1082;
	s9 =	sld [smem:$0x3FB3]  }
0x2f: {  	lr =	sadd.s32 s0, s3;
	s0 =	sld [smem:$0x3FAA]  }
0x30: {  	s3 =	sld [smem:$0x3FAD]  }
0x31: {  	[smem:$0x3FB6] =	sst s10  }
0x32: {  	s10 =	sld [smem:$0x3FB4];
	_ =	sdelay $0x3  }
0x33: {  	p0 =	seq.s32 s10, $0x1;
	s10 =	sld [smem:$0x3FB6];
	_ =	sdelay $0x3  }
0x34: {  	[smem:$0x3FB6] =	sst s10  }
0x35: {  	s10 =	sld [smem:$0x3FB5];
	_ =	sdelay $0x3  }
0x36: {  	p1 =	seq.s32 s10, $0x1;
	s10 =	sld [smem:$0x3FB6];
	_ =	sdelay $0x3  }
0x37: {  	[smem:$0x3FB6] =	sst s10  }
0x38: {  	s10 =	sld [smem:$0x3FB7]  }
0x39: {  	_ = 	snop;
	(pc) =	sbr.ind lr, $3  }
0x3a: {  	_ = 	snop  }
0x3b: {  	_ = 	snop  }
0x3c: {  	p2 =	seq.s32 s10, $0x1;
	s10 =	sld [smem:$0x3FB6]  }
0x3d: {  	_ =	shalt  }
0x3e: {  	_ =	shalt  }
0x3f: {  	_ =	shalt  }
0x40: {  	_ =	shalt  }
0x41: {  	_ =	shalt  }
0x42: {  	_ =	shalt  }
0x43: {  	_ =	shalt  }
0x44: {  	_ =	shalt  }
0x45: {  	_ =	shalt  }
0x46: {  	_ =	shalt  }
0x47: {  	_ =	shalt  }
0x48: {  	_ =	shalt  }
0x49: {  	_ =	shalt  }
0x4a: {  	_ =	shalt  }
0x4b: {  	_ =	shalt  }
0x4c: {  	_ =	shalt  }
0x4d: {  	_ =	shalt  }
0x4e: {  	_ =	shalt  }
0x4f: {  	_ =	shalt  }
0x50: {  	_ =	shalt  }
0x51: {  	_ =	shalt  }
0x52: {  	_ =	shalt  }
0x53: {  	_ =	shalt  }
0x54: {  	_ =	shalt  }
0x55: {  	_ =	shalt  }
0x56: {  	_ =	shalt  }
0x57: {  	_ =	shalt  }
0x58: {  	_ =	shalt  }
0x59: {  	_ =	shalt  }
0x5a: {  	_ =	shalt  }
0x5b: {  	_ =	shalt  }
0x5c: {  	_ =	shalt  }
0x5d: {  	_ =	shalt  }
0x5e: {  	_ =	shalt  }
0x5f: {  	_ =	shalt  }
0x60: {  	_ =	shalt  }
0x61: {  	_ =	shalt  }
0x62: {  	_ =	shalt  }
0x63: {  	_ =	shalt  }
0x64: {  	_ =	shalt  }
0x65: {  	_ =	shalt  }
0x66: {  	_ =	shalt  }
0x67: {  	_ =	shalt  }
0x68: {  	_ =	shalt  }
0x69: {  	_ =	shalt  }
0x6a: {  	_ =	shalt  }
0x6b: {  	_ =	shalt  }
0x6c: {  	_ =	shalt  }
0x6d: {  	_ =	shalt  }
0x6e: {  	_ =	shalt  }
0x6f: {  	_ =	shalt  }
0x70: {  	_ =	shalt  }
0x71: {  	_ =	shalt  }
0x72: {  	_ =	shalt  }
0x73: {  	_ =	shalt  }
0x74: {  	_ =	shalt  }
0x75: {  	_ =	shalt  }
0x76: {  	_ =	shalt  }
0x77: {  	_ =	shalt  }
0x78: {  	_ =	shalt  }
0x79: {  	_ =	shalt  }
0x7a: {  	_ =	shalt  }
0x7b: {  	_ =	shalt  }
0x7c: {  	_ =	shalt  }
0x7d: {  	_ =	shalt  }
0x7e: {  	_ =	shalt  }
0x7f: {  	_ =	shalt  }
0x80: {  	_ =	shalt  }
0x81: {  	_ =	shalt  }
0x82: {  	_ =	shalt  }
0x83: {  	_ =	shalt  }
0x84: {  	_ =	shalt  }
0x85: {  	_ =	shalt  }
0x86: {  	_ =	shalt  }
0x87: {  	_ =	shalt  }
.Lfunc_end0:
.L_simem_size_0:
called_computation.2_lowered:
.L_overlay_start_0:
0x88: {  	s2 =	sld [smem:$0x3FD9]  }
0x89: {  	s3 =	sld [smem:$0x3FFE];
	_ =	sdelay $0x1  }
0x8a: {  	s1 =	srdreg.scid  }
0x8b: {  	s0 =	sand.u32 $0x1, s1  }
0x8c: {  	s16 =	sshll.u32 s0, $0xA;
	s2 =	sadd.s32 s3, s2  }
0x8d: {  	s2 =	sadd.s32 s2, s16  }
0x8e: {  	[smem:$0x3FC2] =	sst s2  }
0x8f: {  	_ = 	snop  }
0x90: {  	(tm) =	ssettm $0x1  }
0x91: {  	s17 =	sld [smem:$0x3FFB];
	_ =	sdelay $0x3  }
0x92: {  	_ =	strace s17  }
0x93: {  	s2 =	sld [smem:$0x3FFC];
	_ =	sdelay $0x3  }
0x94: {  	_ =	strace s2  }
0x95: {  	s2 =	sld [smem:$0x3FFD];
	_ =	sdelay $0x3  }
0x96: {  	_ =	strace s2  }
0x97: {  	_ =	strace $0x8FFFFFFF  }
0x98: {  	s18 =	sld [smem:$0x3FDB];
	_ =	sdelay $0x1  }
0x99: {  	s19 =	simm.s32 $_scs_section_size  }
0x9a: {  	s4 =	simm.s32 $_size__tile_overlayer_lowered;
	s5 =	simm.s32 $_tile_overlayer_lowered  }
0x9b: {  	s22 =	simm.s32 $0x1BFF;
	s21 =	sshll.u32 s5, $0x1;
	s2 =	sadd.s32 s19, s18  }
0x9c: {  	s6 =	simm.s32 $0x0;
	s20 =	sshll.u32 s4, $0x1;
	s4 =	sadd.s32 s21, s2  }
0x9d: {  	[timem:s6], [sflag:s22] =	dma.local [hbm:s4], s20  }
0x9e: {  	_ =	swait.ge [sflag:s22], s20  }
0x9f: {  	s3 =	ssub.s32 $0x0, s20;
	[sflag:s22] =	ssyncset.done $0x0  }
0xa0: {  	[sflag:s22] =	ssyncadd.s32 s3;
	_ =	sdelay $0x1  }
0xa1: {  	s23 =	simm.s32 $0x1B8B  }
0xa2: {  	_ =	swait.ge [sflag:s23], $0x1  }
0xa3: {  	[sflag:s23] =	ssyncset.done $0x0  }
0xa4: {  	s25 =	simm.s32 $0x1B8E;
	s24 =	sld [smem:$0x3FFE];
	[sflag:s23] =	ssyncadd.s32 $0xFFFFFFFF  }
0xa5: {  	s26 =	simm.s32 $execute0_lowered;
	[smem:$0x3FD2] =	sst s25  }
0xa6: {  	s4 =	sshll.u32 s26, $0x1;
	_ =	strace $0x8000004C;
	[dreg:$0x1] =	wrdreg $0xFFFFFFFF  }
0xa7: {  	s28 =	simm.s32 $_size_execute0_lowered;
	s2 =	sadd.s32 s2, s4;
	[dreg:$0x0] =	wrdreg $0x0  }
0xa8: {  	s4 =	sshll.u32 s28, $0x1;
	[dreg:$0x2] =	wrdreg s2  }
0xa9: {  	[dreg:$0x3] =	wrdreg s4  }
0xaa: {  	[dreg:$0x4] =	wrdreg $0xC0  }
0xab: {  	_ =	task [dreg:s6], $0x5FFFF  }
0xac: {  	[dreg:$0x1] =	wrdreg $0xFFFFFFFF  }
0xad: {  	[dreg:$0x0] =	wrdreg $0x60  }
0xae: {  	[dreg:$0x2] =	wrdreg s24  }
0xaf: {  	[dreg:$0x3] =	wrdreg $0x60000  }
0xb0: {  	[dreg:$0x4] =	wrdreg $0x9  }
0xb1: {  	_ =	task.clear_ibuf [dreg:s6], $0x5FFFF;
	_ =	strace $0x9000004C  }
0xb2: {  	s29 =	simm.s32 $0x9;
	_ =	strace $0x8000004E  }
0xb3: {  	_ =	swait.ge [sflag:s29], $0x1  }
0xb4: {  	[sflag:s29] =	ssyncadd.s32 $0xFFFFFFFF  }
0xb5: {  	_ =	strace $0x9000004E  }
0xb6: {  	_ =	sfence  }
0xb7: {  	s30 =	sld [smem:$0x0];
	_ =	sdelay $0x2  }
0xb8: {  	s31 =	sshll.u32 s1, $0xD;
	s1 =	sshrl.u32 s1, $0x2  }
0xb9: {  	s3 =	sand.u32 $0x4000, s31;
	s1 =	sadd.s32 s1, s30  }
0xba: {  	s0 =	sor.u32 s3, s0;
	s1 =	sshll.u32 s1, $0x11  }
0xbb: {  	s0 =	sor.u32 s1, s0  }
0xbc: {  	s0 =	sadd.s32 $0x8F2B, s0  }
0xbd: {  	[sflag:s0] =	ssyncadd.remote.s32 $0x1  }
0xbe: {  	_ =	sfence.sel $0xFFFF  }
0xbf: {  	[dreg:$0x0] =	wrdreg $0xFFFFFFFF;
	(pc) =	sbr.abs _section_cstart, $3  }
0xc0: {  	[dreg:$0x1] =	wrdreg $0xFFFFFFFF  }
0xc1: {  	_ =	task.clear_ibuf [dreg:s6], $0x2FFFF;
	_ =	strace $0x9FFFFFFF  }
0xc2: {  	(tm) =	ssettm $0x7FFFFFFF  }
0xc3: {  	_ =	shalt  }
tec
execute0_lowered:
.L_overlay_start_1:
0x0: {  	(tag) =	ssettag $0x1  }
0x1: {  	s5 =	rddreg [dreg:$0x0]  }
0x2: {  	s2 =	rddreg [dreg:$0x1]  }
0x3: {  	s0 =	rddreg [dreg:$0x2];
	s3 =	simm.s32 $0x0;
	s1 =	stileid.u32  }
0x4: {  	s4 =	srdreg.scid;
	s18 =	simm.s32 $0x5C00;
	s19 =	simm.s32 $0x1  }
0x5: {  	s20 =	simm.s32 $0x2;
	s21 =	simm.s32 $0x0;
	[smem:$0x7FF] =	sst s3  }
0x6: {  	s7 =	smul.u32 $0x1400, s1;
	s6 =	sand.u32 $0x1, s4;
	s4 =	sadd.s32 $0x15600, s5  }
0x7: {  	s10 =	sadd.s32 $0xB600, s5;
	s11 =	sadd.s32 $0x1600, s5;
	s13 =	smul.u32 $0x580, s1  }
0x8: {  	s15 =	smul.u32 $0x2400, s1;
	s31 =	sshll.u32 s1, $0x6;
	_ =	strace $0x8000004D  }
0x9: {  	s9 =	smul.u32 $0x14000, s6;
	s12 =	ssub.s32 $0x2, s6;
	p0 =	seq.s32 s6, $0x1  }
0xa: {  	s8 =	sshrl.u32 s7, $0x3;
	s14 =	sshrl.u32 s12, $0x1;
	s6 =	sadd.s32 s11, s13  }
0xb: {  	s30 =	sshrl.u32 s15, $0x3;
	s17 =	sadd.s32 s7, s2;
	s15 =	simm.s32 $0x5800  }
0xc: {  	s8 =	sadd.s32 s8, s5;
	s9 =	sadd.s32 s7, s9;
	s12 =	ssub.s32 s12, s14  }
.Ltmp0:
0xd: {  	s14 =	simm.s32 $0x80;
	s9 =	sshrl.u32 s9, $0x3;
	(pc) =	sbr.rel .LBB2_1-.Ltmp0, $4  }
0xe: {  	s17 =	sshrl.u32 s17, $0x3;
	s7 =	sadd.s32 $0x17E00, s8;
	s16 =	sadd.s32 s9, s5  }
0xf: {  	s5 =	sadd.s32 s10, s13;
	s9 =	sadd.s32 $0x5800, s30;
	s13 =	simm.s32 $0x2C00  }
0x10: {  	s8 =	sadd.s32 s10, s9;
	s9 =	sadd.s32 s11, s9;
	s10 =	sadd.s32 $0x1A600, s16  }
0x11: {  	s11 =	smax.u32 s12, $0x1;
	s12 =	simm.s32 $0x3;
	s16 =	sor.u32 $0x1C03, s31  }
.LBB2_5:
0x12: {  	s23 =	sadd.s32 $0x80, s22;
	[sflag:s12] =	ssyncadd.s32 @p1 $0xFFFFFC00  }
0x13: {  	[tilespmem:s18], [sflag:$0x2] =	stream.indirect.gather [hbm4b:s4+s14], $0x8, s23, s14, $0xb8;
	[tilespmem:$0x7400] =	vst v63  }
0x14: {  	_ =	swait.ge [sflag:s19], $0x400  }
0x15: {  	[sflag:s19] =	ssyncset.done $0x0  }
0x16: {  	s29 =	sadd.s32 $0x2C00, s22;
	[sflag:s19] =	ssyncadd.s32 $0xFFFFFC00  }
0x17: {  	[spmem:s2] =	stream.indirect.scatter.add.f32 [tilespmem:s15], [sflag:$0x3], $0x8, s29, s14, $0xb8;
	[tilespmem:$0x7400] =	vst v63  }
0x18: {  	_ =	swait.ge [sflag:s12], $0x400  }
0x19: {  	[sflag:s12] =	ssyncset.done $0x0  }
0x1a: {  	s30 =	sadd.s32 $0x100, s22;
	[sflag:s12] =	ssyncadd.s32 $0xFFFFFC00  }
0x1b: {  	[tilespmem:s15], [sflag:$0x1] =	stream.indirect.gather [hbm4b:s4+s14], $0x8, s30, s14, $0xb8;
	[tilespmem:$0x7400] =	vst v63  }
0x1c: {  	_ =	swait.ge [sflag:s20], $0x400  }
0x1d: {  	[sflag:s20] =	ssyncset.done $0x0  }
0x1e: {  	s31 =	sadd.s32 $0x2C80, s22;
	[sflag:s20] =	ssyncadd.s32 $0xFFFFFC00  }
0x1f: {  	[spmem:s2] =	stream.indirect.scatter.add.f32 [tilespmem:s18], [sflag:$0x3], $0x8, s31, s14, $0xb8;
	[tilespmem:$0x7400] =	vst v63  }
0x20: {  	_ =	swait.ge [sflag:s12], $0x400  }
0x21: {  	s22 =	simm.s32 $0x5780;
	[sflag:s12] =	ssyncset.done $0x0  }
0x22: {  	s24 =	simm.s32 $0x2B80;
	s23 =	simm.s32 $0x5700;
	[sflag:s12] =	ssyncadd.s32 $0xFFFFFC00  }
.LBB2_9:
0x23: {  	[tilespmem:s18], [sflag:$0x2] =	stream.indirect.gather [hbm4b:s4+s14], $0x8, s24, s14, $0xb8;
	[tilespmem:$0x7400] =	vst v63  }
0x24: {  	_ =	swait.ge [sflag:s19], $0x400  }
0x25: {  	[sflag:s19] =	ssyncset.done $0x0  }
0x26: {  	[sflag:s19] =	ssyncadd.s32 $0xFFFFFC00  }
0x27: {  	[spmem:s2] =	stream.indirect.scatter.add.f32 [tilespmem:s15], [sflag:$0x3], $0x8, s23, s14, $0xb8;
	[tilespmem:$0x7400] =	vst v63  }
0x28: {  	_ =	swait.ge [sflag:s12], $0x400  }
0x29: {  	[sflag:s12] =	ssyncset.done $0x0  }
0x2a: {  	[sflag:s12] =	ssyncadd.s32 $0xFFFFFC00  }
0x2b: {  	[tilespmem:s15], [sflag:$0x1] =	stream.indirect.gather [hbm4b:s4+s14], $0x8, s3, s14, $0xb8;
	[tilespmem:$0x7400] =	vst v63  }
0x2c: {  	_ =	swait.ge [sflag:s20], $0x400  }
0x2d: {  	[sflag:s20] =	ssyncset.done $0x0  }
0x2e: {  	[sflag:s20] =	ssyncadd.s32 $0xFFFFFC00  }
0x2f: {  	[spmem:s2] =	stream.indirect.scatter.add.f32 [tilespmem:s18], [sflag:$0x3], $0x8, s22, s14, $0xb8;
	[tilespmem:$0x7400] =	vst v63  }
0x30: {  	_ =	swait.ge [sflag:s12], $0x400  }
0x31: {  	[sflag:s12] =	ssyncset.done $0x0  }
0x32: {  	[sflag:s12] =	ssyncadd.s32 $0xFFFFFC00  }
0x33: {  	_ =	swait.ge [sflag:s19], $0x400  }
0x34: {  	s21 =	sadd.s32 $0x1, s21;
	[sflag:s19] =	ssyncset.done $0x0  }
0x35: {  	p1 =	sne.s32 s21, s11;
	[sflag:s19] =	ssyncadd.s32 $0xFFFFFC00  }
.Ltmp1:
0x36: {  	[bflag:$0x0] =	sbarrier.arrive $0xFFFF;
	(pc) =	sbr.rel @!p1 .LBB2_10-.Ltmp1, $4  }
0x37: {  	[hbm:s10], [sflag:s16] =	dma.local [spmem:s17], $0x280  }
0x38: {  	_ =	swait.ge [sflag:s12], $0x280  }
0x39: {  	[sflag:s12] =	ssyncset.done $0x0  }
0x3a: {  	[sflag:s12] =	ssyncadd.s32 $0xFFFFFD80  }
.LBB2_1:
.Ltmp2:
0x3b: {  	(pc) =	sbr.rel @!p0 .LBB2_2-.Ltmp2, $2  }
0x3c: {  	_ =	sdelay $0x2  }
0x3d: {  	s22 =	simm.s32 $0x0  }
0x3e: {  	[tilespmem:s22], [sflag:$0x3] =	stream.linear.gather [hbm4b:s8+s22], $0x2400, $0x38;
	[tilespmem:$0x7400] =	vst v63  }
0x3f: {  	_ =	swait.ge [sflag:s12], $0x2400  }
0x40: {  	[sflag:s12] =	ssyncset.done $0x0  }
0x41: {  	[sflag:s12] =	ssyncadd.s32 $0xFFFFDC00  }
0x42: {  	[tilespmem:s13], [sflag:$0x3] =	stream.linear.gather [hbm4b:s9+s22], $0x2400, $0x38;
	[tilespmem:$0x7400] =	vst v63  }
0x43: {  	_ =	swait.ge [sflag:s12], $0x2400  }
0x44: {  	[sflag:s12] =	ssyncset.done $0x0  }
0x45: {  	[sflag:s12] =	ssyncadd.s32 $0xFFFFDC00  }
0x46: {  	[tilespmem:s15], [sflag:$0x1] =	stream.indirect.gather [hbm4b:s4+s14], $0x8, s22, s14, $0xb8;
	[tilespmem:$0x7400] =	vst v63  }
0x47: {  	[spmem:s17], [sflag:s16] =	dma.local [hbm:s7], $0x280  }
0x48: {  	_ =	swait.ge [sflag:s12], $0x280  }
0x49: {  	[sflag:s12] =	ssyncset.done $0x0  }
0x4a: {  	[sflag:s12] =	ssyncadd.s32 $0xFFFFFD80  }
0x4b: {  	s28 =	simm.s32 $0x80;
	[bflag:$0x0] =	sbarrier.arrive $0xFFFF  }
0x4c: {  	[tilespmem:s18], [sflag:$0x2] =	stream.indirect.gather [hbm4b:s4+s14], $0x8, s28, s14, $0xb8;
	[tilespmem:$0x7400] =	vst v63  }
0x4d: {  	_ =	swait.ge [sflag:s19], $0x400  }
0x4e: {  	[sflag:s19] =	ssyncset.done $0x0  }
0x4f: {  	s29 =	simm.s32 $0x2C00;
	[sflag:s19] =	ssyncadd.s32 $0xFFFFFC00  }
0x50: {  	[spmem:s2] =	stream.indirect.scatter.add.f32 [tilespmem:s15], [sflag:$0x3], $0x8, s29, s14, $0xb8;
	[tilespmem:$0x7400] =	vst v63  }
0x51: {  	_ =	swait.ge [sflag:s12], $0x400  }
0x52: {  	[sflag:s12] =	ssyncset.done $0x0  }
0x53: {  	s30 =	simm.s32 $0x100;
	[sflag:s12] =	ssyncadd.s32 $0xFFFFFC00  }
0x54: {  	[tilespmem:s15], [sflag:$0x1] =	stream.indirect.gather [hbm4b:s4+s14], $0x8, s30, s14, $0xb8;
	[tilespmem:$0x7400] =	vst v63  }
0x55: {  	_ =	swait.ge [sflag:s20], $0x400  }
0x56: {  	[sflag:s20] =	ssyncset.done $0x0  }
0x57: {  	s31 =	simm.s32 $0x2C80;
	[sflag:s20] =	ssyncadd.s32 $0xFFFFFC00  }
0x58: {  	[spmem:s2] =	stream.indirect.scatter.add.f32 [tilespmem:s18], [sflag:$0x3], $0x8, s31, s14, $0xb8;
	[tilespmem:$0x7400] =	vst v63  }
0x59: {  	_ =	swait.ge [sflag:s12], $0x400  }
0x5a: {  	s23 =	simm.s32 $0x800;
	s22 =	simm.s32 $0x100;
	[sflag:s12] =	ssyncset.done $0x0  }
.LBB2_7:
0x5b: {  	s24 =	sadd.s32 $0x80, s22  }
0x5c: {  	[sflag:s12] =	ssyncadd.s32 $0xFFFFFC00;
	s25 =	smov.u32 s23;
	s26 =	sadd.s32 $0x400, s23  }
0x5d: {  	[tilespmem:s18], [sflag:$0x2] =	stream.indirect.gather [hbm4b:s4+s14], $0x8, s24, s14, $0xb8;
	[tilespmem:$0x7400] =	vst v63  }
0x5e: {  	p1 =	sne.s32 s23, $0x8800;
	_ =	swait.ge [sflag:s19], $0x400  }
0x5f: {  	[sflag:s19] =	ssyncset.done $0x0  }
0x60: {  	s23 =	sadd.s32 $0x2C00, s22;
	[sflag:s19] =	ssyncadd.s32 $0xFFFFFC00  }
0x61: {  	[spmem:s2] =	stream.indirect.scatter.add.f32 [tilespmem:s15], [sflag:$0x3], $0x8, s23, s14, $0xb8;
	[tilespmem:$0x7400] =	vst v63  }
0x62: {  	_ =	swait.ge [sflag:s12], $0x400  }
0x63: {  	[sflag:s12] =	ssyncset.done $0x0  }
0x64: {  	s23 =	sadd.s32 $0x100, s22;
	[sflag:s12] =	ssyncadd.s32 $0xFFFFFC00  }
0x65: {  	[tilespmem:s15], [sflag:$0x1] =	stream.indirect.gather [hbm4b:s4+s14], $0x8, s23, s14, $0xb8;
	[tilespmem:$0x7400] =	vst v63  }
0x66: {  	_ =	swait.ge [sflag:s20], $0x400  }
.Ltmp3:
0x67: {  	[sflag:s20] =	ssyncset.done $0x0;
	(pc) =	sbr.rel @p1 .LBB2_7-.Ltmp3, $4  }
0x68: {  	s22 =	sadd.s32 $0x2C80, s22;
	[sflag:s20] =	ssyncadd.s32 $0xFFFFFC00  }
0x69: {  	[spmem:s2] =	stream.indirect.scatter.add.f32 [tilespmem:s18], [sflag:$0x3], $0x8, s22, s14, $0xb8;
	[tilespmem:$0x7400] =	vst v63  }
0x6a: {  	_ =	swait.ge [sflag:s12], $0x400  }
0x6b: {  	s23 =	smov.u32 s26;
	s22 =	sshra.s32 s25, $0x2;
	[sflag:s12] =	ssyncset.done $0x0  }
0x6c: {  	s23 =	sadd.s32 $0x80, s22;
	[sflag:s12] =	ssyncadd.s32 $0xFFFFFC00  }
0x6d: {  	[tilespmem:s18], [sflag:$0x2] =	stream.indirect.gather [hbm4b:s4+s14], $0x8, s23, s14, $0xb8;
	[tilespmem:$0x7400] =	vst v63  }
0x6e: {  	_ =	swait.ge [sflag:s19], $0x400  }
0x6f: {  	[sflag:s19] =	ssyncset.done $0x0  }
0x70: {  	s29 =	sadd.s32 $0x2C00, s22;
	[sflag:s19] =	ssyncadd.s32 $0xFFFFFC00  }
0x71: {  	[spmem:s2] =	stream.indirect.scatter.add.f32 [tilespmem:s15], [sflag:$0x3], $0x8, s29, s14, $0xb8;
	[tilespmem:$0x7400] =	vst v63  }
0x72: {  	_ =	swait.ge [sflag:s12], $0x400  }
0x73: {  	[sflag:s12] =	ssyncset.done $0x0  }
0x74: {  	s30 =	sadd.s32 $0x100, s22;
	[sflag:s12] =	ssyncadd.s32 $0xFFFFFC00  }
0x75: {  	[tilespmem:s15], [sflag:$0x1] =	stream.indirect.gather [hbm4b:s4+s14], $0x8, s30, s14, $0xb8;
	[tilespmem:$0x7400] =	vst v63  }
0x76: {  	_ =	swait.ge [sflag:s20], $0x400  }
0x77: {  	[sflag:s20] =	ssyncset.done $0x0  }
.Ltmp4:
0x78: {  	s31 =	sadd.s32 $0x2C80, s22;
	[sflag:s20] =	ssyncadd.s32 $0xFFFFFC00;
	(pc) =	sbr.rel .LBB2_9-.Ltmp4, $4  }
0x79: {  	[spmem:s2] =	stream.indirect.scatter.add.f32 [tilespmem:s18], [sflag:$0x3], $0x8, s31, s14, $0xb8;
	[tilespmem:$0x7400] =	vst v63  }
0x7a: {  	_ =	swait.ge [sflag:s12], $0x400  }
0x7b: {  	s22 =	simm.s32 $0x4F80;
	[sflag:s12] =	ssyncset.done $0x0  }
0x7c: {  	s24 =	simm.s32 $0x2380;
	s23 =	simm.s32 $0x4F00;
	[sflag:s12] =	ssyncadd.s32 $0xFFFFFC00  }
.LBB2_2:
0x7d: {  	[tilespmem:s22], [sflag:$0x3] =	stream.linear.gather [hbm4b:s5+s22], $0x2C00, $0x38;
	[tilespmem:$0x7400] =	vst v63  }
0x7e: {  	_ =	swait.ge [sflag:s12], $0x2C00  }
0x7f: {  	[sflag:s12] =	ssyncset.done $0x0  }
0x80: {  	[sflag:s12] =	ssyncadd.s32 $0xFFFFD400  }
0x81: {  	[tilespmem:s13], [sflag:$0x3] =	stream.linear.gather [hbm4b:s6+s22], $0x2C00, $0x38;
	[tilespmem:$0x7400] =	vst v63  }
0x82: {  	_ =	swait.ge [sflag:s12], $0x2C00  }
0x83: {  	[sflag:s12] =	ssyncset.done $0x0  }
0x84: {  	p2 =	por $0x0, $0x0;
	[sflag:s12] =	ssyncadd.s32 $0xFFFFD400  }
0x85: {  	[tilespmem:s15], [sflag:$0x1] =	stream.indirect.gather [hbm4b:s4+s14], $0x8, s22, s14, $0xb8;
	[tilespmem:$0x7400] =	vst v63  }
0x86: {  	[spmem:s17], [sflag:s16] =	dma.local [hbm:s7], $0x280  }
.Ltmp5:
0x87: {  	_ =	swait.ge [sflag:s12], $0x280;
	(pc) =	sbr.rel @p2 .LBB2_5-.Ltmp5, $4  }
0x88: {  	[sflag:s12] =	ssyncset.done $0x0  }
0x89: {  	[sflag:s12] =	ssyncadd.s32 $0xFFFFFD80  }
0x8a: {  	[bflag:$0x0] =	sbarrier.arrive $0xFFFF  }
0x8b: {  	p1 =	por $0x0, $0x0;
	s22 =	simm.s32 $0x0  }
0x8c: {  	s22 =	simm.s32 $0x80  }
0x8d: {  	[tilespmem:s18], [sflag:$0x2] =	stream.indirect.gather [hbm4b:s4+s14], $0x8, s22, s14, $0xb8;
	[tilespmem:$0x7400] =	vst v63  }
0x8e: {  	_ =	swait.ge [sflag:s19], $0x400  }
0x8f: {  	[sflag:s19] =	ssyncset.done $0x0  }
0x90: {  	s29 =	simm.s32 $0x2C00;
	[sflag:s19] =	ssyncadd.s32 $0xFFFFFC00  }
0x91: {  	[spmem:s2] =	stream.indirect.scatter.add.f32 [tilespmem:s15], [sflag:$0x3], $0x8, s29, s14, $0xb8;
	[tilespmem:$0x7400] =	vst v63  }
0x92: {  	_ =	swait.ge [sflag:s12], $0x400  }
0x93: {  	[sflag:s12] =	ssyncset.done $0x0  }
0x94: {  	s30 =	simm.s32 $0x100;
	[sflag:s12] =	ssyncadd.s32 $0xFFFFFC00  }
0x95: {  	[tilespmem:s15], [sflag:$0x1] =	stream.indirect.gather [hbm4b:s4+s14], $0x8, s30, s14, $0xb8;
	[tilespmem:$0x7400] =	vst v63  }
0x96: {  	p2 =	por $0x0, $0x0;
	_ =	swait.ge [sflag:s20], $0x400  }
.Ltmp6:
0x97: {  	[sflag:s20] =	ssyncset.done $0x0;
	(pc) =	sbr.rel @p2 .LBB2_5-.Ltmp6, $4  }
0x98: {  	s31 =	simm.s32 $0x2C80;
	[sflag:s20] =	ssyncadd.s32 $0xFFFFFC00  }
0x99: {  	[spmem:s2] =	stream.indirect.scatter.add.f32 [tilespmem:s18], [sflag:$0x3], $0x8, s31, s14, $0xb8;
	[tilespmem:$0x7400] =	vst v63  }
0x9a: {  	s23 =	simm.s32 $0x800;
	_ =	swait.ge [sflag:s12], $0x400  }
0x9b: {  	p1 =	por $0x1, $0x1;
	s22 =	simm.s32 $0x100;
	[sflag:s12] =	ssyncset.done $0x0  }
.LBB2_4:
0x9c: {  	s24 =	sadd.s32 $0x80, s22  }
0x9d: {  	[sflag:s12] =	ssyncadd.s32 $0xFFFFFC00;
	s25 =	smov.u32 s23;
	s26 =	sadd.s32 $0x400, s23  }
0x9e: {  	[tilespmem:s18], [sflag:$0x2] =	stream.indirect.gather [hbm4b:s4+s14], $0x8, s24, s14, $0xb8;
	[tilespmem:$0x7400] =	vst v63  }
0x9f: {  	p2 =	seq.s32 s23, $0xA800;
	_ =	swait.ge [sflag:s19], $0x400  }
0xa0: {  	[sflag:s19] =	ssyncset.done $0x0  }
0xa1: {  	s23 =	sadd.s32 $0x2C00, s22;
	[sflag:s19] =	ssyncadd.s32 $0xFFFFFC00  }
0xa2: {  	[spmem:s2] =	stream.indirect.scatter.add.f32 [tilespmem:s15], [sflag:$0x3], $0x8, s23, s14, $0xb8;
	[tilespmem:$0x7400] =	vst v63  }
0xa3: {  	_ =	swait.ge [sflag:s12], $0x400  }
0xa4: {  	[sflag:s12] =	ssyncset.done $0x0  }
0xa5: {  	s23 =	sadd.s32 $0x100, s22;
	[sflag:s12] =	ssyncadd.s32 $0xFFFFFC00  }
0xa6: {  	[tilespmem:s15], [sflag:$0x1] =	stream.indirect.gather [hbm4b:s4+s14], $0x8, s23, s14, $0xb8;
	[tilespmem:$0x7400] =	vst v63  }
0xa7: {  	_ =	swait.ge [sflag:s20], $0x400  }
.Ltmp7:
0xa8: {  	[sflag:s20] =	ssyncset.done $0x0;
	(pc) =	sbr.rel @!p2 .LBB2_4-.Ltmp7, $4  }
0xa9: {  	s22 =	sadd.s32 $0x2C80, s22;
	[sflag:s20] =	ssyncadd.s32 $0xFFFFFC00  }
0xaa: {  	[spmem:s2] =	stream.indirect.scatter.add.f32 [tilespmem:s18], [sflag:$0x3], $0x8, s22, s14, $0xb8;
	[tilespmem:$0x7400] =	vst v63  }
0xab: {  	_ =	swait.ge [sflag:s12], $0x400  }
0xac: {  	s23 =	smov.u32 s26;
	s22 =	sshra.s32 s25, $0x2;
	[sflag:s12] =	ssyncset.done $0x0  }
.Ltmp8:
0xad: {  	_ = 	snop;
	(pc) =	sbr.rel .LBB2_5-.Ltmp8, $1  }
0xae: {  	_ =	sdelay $0x3  }
.LBB2_10:
0xaf: {  	_ =	sfence.sel $0x180000  }
0xb0: {  	[bflag:$0x0] =	sbarrier.arrive $0xFFFF  }
0xb1: {  	p0 =	sne.s32 s1, $0x0;
	_ =	strace $0x9000004D  }
0xb2: {  	s0 =	sadd.s32 @!p0 $0x100000, s0;
	[bflag:$0x2] =	sbarrier.arrive $0xFFFF  }
0xb3: {  	[sflag:s0] =	ssyncadd.tile.s32 @!p0 $0x1;
	_ =	shalt  }
.Lfunc_end2:
_tile_overlayer_lowered:
.L_overlay_start_2:
0xb4: {  	(tag) =	ssettag $0x2  }
0xb5: {  	s0 =	rddreg [dreg:$0x0];
	s2 =	stileid.u32  }
0xb6: {  	s1 =	rddreg [dreg:$0x1];
	p0 =	sne.s32 s2, $0x0  }
0xb7: {  	s3 =	rddreg [dreg:$0x2];
	[bflag:$0x3] =	sbarrier.arrive $0xFFFF;
	s2 =	simm.s32 @!p0 $0x1C03  }
0xb8: {  	[timem:s3], [sflag:s2] =	dma.local @!p0 [hbm:s0], s1  }
0xb9: {  	s0 =	simm.s32 @!p0 $0x3  }
0xba: {  	_ =	swait.ge @!p0 [sflag:s0], s1  }
0xbb: {  	s1 =	ssub.s32 @!p0 $0x0, s1;
	[sflag:s0] =	ssyncset.done @!p0 $0x0  }
0xbc: {  	[sflag:s0] =	ssyncadd.s32 @!p0 s1  }
0xbd: {  	[bflag:$0x3] =	sbarrier.arrive $0xFFFF  }
0xbe: {  	_ =	shalt  }

// kernel: kernel.8.cloned.1.call-start
scs
__scs_entry_jumppad:
0x0: {  	(pc) =	sbr.rel $0x88, $3  }
0x1: {  	(tag) =	ssettag $0x0;
	lr =	simm.s32 $0x1  }
0x2: {  	[smem:$0x3F9B] =	sst lr;
	_ =	strace $0xD0000000  }
0x3: {  	_ = 	snop  }
0x4: {  	_ = 	snop  }
0x5: {  	_ = 	snop  }
0x6: {  	_ = 	snop  }
0x7: {  	_ = 	snop  }
__scs_overlays_trampoline_lowered:
0x8: {  	[smem:$0x3FAA] =	sst s0  }
0x9: {  	[smem:$0x3FAB] =	sst s1  }
0xa: {  	[smem:$0x3FAC] =	sst s2  }
0xb: {  	[smem:$0x3FAD] =	sst s3  }
0xc: {  	[smem:$0x3FAE] =	sst s4  }
0xd: {  	[smem:$0x3FAF] =	sst s5  }
0xe: {  	[smem:$0x3FB0] =	sst s6  }
0xf: {  	[smem:$0x3FB1] =	sst s7  }
0x10: {  	[smem:$0x3FB2] =	sst s8  }
0x11: {  	[smem:$0x3FB3] =	sst s9;
	s0 =	simm.s32 @!p0 $0x0  }
0x12: {  	s1 =	sld [smem:$0x3F99];
	s0 =	simm.s32 @p0 $0x1  }
0x13: {  	[smem:$0x3FB4] =	sst s0;
	s0 =	simm.s32 @!p1 $0x0  }
0x14: {  	s2 =	sld [smem:$0x3F98];
	s0 =	simm.s32 @p1 $0x1  }
0x15: {  	[smem:$0x3FB5] =	sst s0;
	s0 =	simm.s32 @!p2 $0x0  }
0x16: {  	s3 =	sld [smem:$0x3FDB];
	s0 =	simm.s32 @p2 $0x1  }
0x17: {  	s4 =	simm.s32 $0x1BF5;
	[smem:$0x3FB7] =	sst s0  }
0x18: {  	s0 =	sld [smem:$0x3F9A];
	_ =	swait.ge [sflag:s4], $0x0  }
0x19: {  	s7 =	sld [smem:$0x3F9B]  }
0x1a: {  	s8 =	sadd.s32 $0xFFFFE003, lr  }
0x1b: {  	s9 =	sadd.s32 $0xFFFFFEF7, lr;
	s5 =	simm.s32 $0xFFFFFFFF;
	p2 =	slt.u32 s8, $0xFFFFF086  }
0x1c: {  	p1 =	slt.u32 s9, $0xF7A;
	s5 =	simm.s32 @!p2 $0x0  }
0x1d: {  	s5 =	simm.s32 @p1 $0x1;
	p0 =	seq.s32 s7, s2  }
0x1e: {  	s7 =	smul.u32 @!p0 $0xF7A, s2;
	p2 =	seq.s32 @!p0 s5, $0x0  }
0x1f: {  	s9 =	smul.u32 $0xF7A, s1;
	s8 =	simm.s32 @!p0 $0x1BF5;
	p2 =	por !p2, p0  }
0x20: {  	[sflag:s8] =	ssyncset.s32 @!p0 $0xFFFFF086;
	s6 =	sadd.s32 @!p0 s3, s7;
	s7 =	simm.s32 @!p0 $0x108  }
0x21: {  	s3 =	sadd.s32 s3, s9;
	s6 =	sadd.s32 @!p0 $0x88, s6;
	s7 =	simm.s32 @p2 $0x1082  }
0x22: {  	[simem:s7], [sflag:s8] =	dma.local @!p0 [hbm:s6], $0xF7A  }
0x23: {  	s9 =	sor.u32 $0xD0000000, s2;
	s6 =	simm.s32 $0x108;
	_ =	swait.ge @!p0 [sflag:s8], $0x0  }
0x24: {  	s3 =	sadd.s32 $0x88, s3;
	s6 =	simm.s32 @!p1 $0x1082;
	[sflag:s4] =	ssyncset.s32 $0xFFFFF086  }
0x25: {  	[simem:s6], [sflag:s4] =	dma.local [hbm:s3], $0xF7A  }
0x26: {  	[smem:$0x3F9B] =	sst s1;
	(tag) =	ssettag s2;
	_ =	strace s9  }
0x27: {  	s1 =	sld [smem:$0x3FAB]  }
0x28: {  	s2 =	sld [smem:$0x3FAC]  }
0x29: {  	s4 =	sld [smem:$0x3FAE]  }
0x2a: {  	p0 =	seq.s32 s5, $0x0;
	s5 =	sld [smem:$0x3FAF]  }
0x2b: {  	s6 =	sld [smem:$0x3FB0]  }
0x2c: {  	s7 =	sld [smem:$0x3FB1]  }
0x2d: {  	s3 =	simm.s32 $0x108;
	s8 =	sld [smem:$0x3FB2]  }
0x2e: {  	s3 =	simm.s32 @!p0 $0x1082;
	s9 =	sld [smem:$0x3FB3]  }
0x2f: {  	lr =	sadd.s32 s0, s3;
	s0 =	sld [smem:$0x3FAA]  }
0x30: {  	s3 =	sld [smem:$0x3FAD]  }
0x31: {  	[smem:$0x3FB6] =	sst s10  }
0x32: {  	s10 =	sld [smem:$0x3FB4];
	_ =	sdelay $0x3  }
0x33: {  	p0 =	seq.s32 s10, $0x1;
	s10 =	sld [smem:$0x3FB6];
	_ =	sdelay $0x3  }
0x34: {  	[smem:$0x3FB6] =	sst s10  }
0x35: {  	s10 =	sld [smem:$0x3FB5];
	_ =	sdelay $0x3  }
0x36: {  	p1 =	seq.s32 s10, $0x1;
	s10 =	sld [smem:$0x3FB6];
	_ =	sdelay $0x3  }
0x37: {  	[smem:$0x3FB6] =	sst s10  }
0x38: {  	s10 =	sld [smem:$0x3FB7]  }
0x39: {  	_ = 	snop;
	(pc) =	sbr.ind lr, $3  }
0x3a: {  	_ = 	snop  }
0x3b: {  	_ = 	snop  }
0x3c: {  	p2 =	seq.s32 s10, $0x1;
	s10 =	sld [smem:$0x3FB6]  }
0x3d: {  	_ =	shalt  }
0x3e: {  	_ =	shalt  }
0x3f: {  	_ =	shalt  }
0x40: {  	_ =	shalt  }
0x41: {  	_ =	shalt  }
0x42: {  	_ =	shalt  }
0x43: {  	_ =	shalt  }
0x44: {  	_ =	shalt  }
0x45: {  	_ =	shalt  }
0x46: {  	_ =	shalt  }
0x47: {  	_ =	shalt  }
0x48: {  	_ =	shalt  }
0x49: {  	_ =	shalt  }
0x4a: {  	_ =	shalt  }
0x4b: {  	_ =	shalt  }
0x4c: {  	_ =	shalt  }
0x4d: {  	_ =	shalt  }
0x4e: {  	_ =	shalt  }
0x4f: {  	_ =	shalt  }
0x50: {  	_ =	shalt  }
0x51: {  	_ =	shalt  }
0x52: {  	_ =	shalt  }
0x53: {  	_ =	shalt  }
0x54: {  	_ =	shalt  }
0x55: {  	_ =	shalt  }
0x56: {  	_ =	shalt  }
0x57: {  	_ =	shalt  }
0x58: {  	_ =	shalt  }
0x59: {  	_ =	shalt  }
0x5a: {  	_ =	shalt  }
0x5b: {  	_ =	shalt  }
0x5c: {  	_ =	shalt  }
0x5d: {  	_ =	shalt  }
0x5e: {  	_ =	shalt  }
0x5f: {  	_ =	shalt  }
0x60: {  	_ =	shalt  }
0x61: {  	_ =	shalt  }
0x62: {  	_ =	shalt  }
0x63: {  	_ =	shalt  }
0x64: {  	_ =	shalt  }
0x65: {  	_ =	shalt  }
0x66: {  	_ =	shalt  }
0x67: {  	_ =	shalt  }
0x68: {  	_ =	shalt  }
0x69: {  	_ =	shalt  }
0x6a: {  	_ =	shalt  }
0x6b: {  	_ =	shalt  }
0x6c: {  	_ =	shalt  }
0x6d: {  	_ =	shalt  }
0x6e: {  	_ =	shalt  }
0x6f: {  	_ =	shalt  }
0x70: {  	_ =	shalt  }
0x71: {  	_ =	shalt  }
0x72: {  	_ =	shalt  }
0x73: {  	_ =	shalt  }
0x74: {  	_ =	shalt  }
0x75: {  	_ =	shalt  }
0x76: {  	_ =	shalt  }
0x77: {  	_ =	shalt  }
0x78: {  	_ =	shalt  }
0x79: {  	_ =	shalt  }
0x7a: {  	_ =	shalt  }
0x7b: {  	_ =	shalt  }
0x7c: {  	_ =	shalt  }
0x7d: {  	_ =	shalt  }
0x7e: {  	_ =	shalt  }
0x7f: {  	_ =	shalt  }
0x80: {  	_ =	shalt  }
0x81: {  	_ =	shalt  }
0x82: {  	_ =	shalt  }
0x83: {  	_ =	shalt  }
0x84: {  	_ =	shalt  }
0x85: {  	_ =	shalt  }
0x86: {  	_ =	shalt  }
0x87: {  	_ =	shalt  }
.Lfunc_end0:
.L_simem_size_0:
called_computation_lowered:
.L_overlay_start_0:
0x88: {  	s2 =	sld [smem:$0x3FD9]  }
0x89: {  	s3 =	sld [smem:$0x3FFE];
	_ =	sdelay $0x1  }
0x8a: {  	s1 =	srdreg.scid  }
0x8b: {  	s0 =	sand.u32 $0x1, s1  }
0x8c: {  	s17 =	sshll.u32 s0, $0xA;
	s2 =	sadd.s32 s3, s2  }
0x8d: {  	s2 =	sadd.s32 s2, s17  }
0x8e: {  	[smem:$0x3FC2] =	sst s2  }
0x8f: {  	_ = 	snop  }
0x90: {  	s2 =	sld [smem:$0x3FD0];
	(tm) =	ssettm $0x1  }
0x91: {  	s18 =	sld [smem:$0x3FFB];
	_ =	sdelay $0x3  }
0x92: {  	_ =	strace s18  }
0x93: {  	s3 =	sld [smem:$0x3FFC];
	_ =	sdelay $0x3  }
0x94: {  	_ =	strace s3  }
0x95: {  	s3 =	sld [smem:$0x3FFD];
	_ =	sdelay $0x3  }
0x96: {  	_ =	strace s3  }
0x97: {  	_ =	strace $0x8FFFFFFF  }
0x98: {  	s19 =	sld [smem:$0x3FDB];
	_ =	sdelay $0x1  }
0x99: {  	s4 =	simm.s32 $_scs_section_size  }
0x9a: {  	s5 =	simm.s32 $_size__tile_overlayer_lowered;
	s6 =	simm.s32 $_tile_overlayer_lowered  }
0x9b: {  	s22 =	simm.s32 $0x1BFF;
	s21 =	sshll.u32 s6, $0x1;
	s3 =	sadd.s32 s4, s19  }
0x9c: {  	s7 =	simm.s32 $0x0;
	s20 =	sshll.u32 s5, $0x1;
	s5 =	sadd.s32 s21, s3  }
0x9d: {  	[timem:s7], [sflag:s22] =	dma.local [hbm:s5], s20  }
0x9e: {  	_ =	swait.ge [sflag:s22], s20  }
0x9f: {  	s4 =	ssub.s32 $0x0, s20;
	[sflag:s22] =	ssyncset.done $0x0  }
0xa0: {  	[sflag:s22] =	ssyncadd.s32 s4;
	_ =	sdelay $0x1  }
0xa1: {  	s23 =	simm.s32 $0x1B8B  }
0xa2: {  	_ =	swait.ge [sflag:s23], $0x1  }
0xa3: {  	[sflag:s23] =	ssyncset.done $0x0  }
0xa4: {  	s25 =	simm.s32 $0x1B8E;
	s24 =	sld [smem:$0x3FFE];
	[sflag:s23] =	ssyncadd.s32 $0xFFFFFFFF  }
0xa5: {  	s26 =	simm.s32 $execute0_lowered;
	[smem:$0x3FD2] =	sst s25  }
0xa6: {  	s5 =	sshll.u32 s26, $0x1;
	_ =	strace $0x80000046;
	[dreg:$0x1] =	wrdreg $0xFFFFFFFF  }
0xa7: {  	s28 =	simm.s32 $_size_execute0_lowered;
	s3 =	sadd.s32 s3, s5;
	[dreg:$0x0] =	wrdreg $0x0  }
0xa8: {  	s5 =	sshll.u32 s28, $0x1;
	[dreg:$0x2] =	wrdreg s3  }
0xa9: {  	[dreg:$0x3] =	wrdreg s5  }
0xaa: {  	[dreg:$0x4] =	wrdreg $0xC0  }
0xab: {  	_ =	task [dreg:s7], $0x5FFFF  }
0xac: {  	[dreg:$0x1] =	wrdreg $0xFFFFFFFF  }
0xad: {  	[dreg:$0x0] =	wrdreg $0x60  }
0xae: {  	[dreg:$0x2] =	wrdreg s24  }
0xaf: {  	[dreg:$0x3] =	wrdreg s2  }
0xb0: {  	[dreg:$0x4] =	wrdreg $0x2F000  }
0xb1: {  	[dreg:$0x5] =	wrdreg $0x9  }
0xb2: {  	_ =	task.clear_ibuf [dreg:s7], $0x6FFFF;
	_ =	strace $0x90000046  }
0xb3: {  	s29 =	simm.s32 $0x9;
	_ =	strace $0x80000048  }
0xb4: {  	_ =	swait.ge [sflag:s29], $0x1  }
0xb5: {  	[sflag:s29] =	ssyncadd.s32 $0xFFFFFFFF  }
0xb6: {  	_ =	strace $0x90000048  }
0xb7: {  	_ =	sfence  }
0xb8: {  	s30 =	sld [smem:$0x0];
	_ =	sdelay $0x2  }
0xb9: {  	s31 =	sshll.u32 s1, $0xD;
	s1 =	sshrl.u32 s1, $0x2  }
0xba: {  	s3 =	sand.u32 $0x4000, s31;
	s1 =	sadd.s32 s1, s30  }
0xbb: {  	s0 =	sor.u32 s3, s0;
	s1 =	sshll.u32 s1, $0x11  }
0xbc: {  	s0 =	sor.u32 s1, s0  }
0xbd: {  	s0 =	sadd.s32 $0x8F2B, s0  }
0xbe: {  	[sflag:s0] =	ssyncadd.remote.s32 $0x1  }
0xbf: {  	_ =	sfence.sel $0xFFFF  }
0xc0: {  	[dreg:$0x0] =	wrdreg $0xFFFFFFFF;
	(pc) =	sbr.abs _section_cstart, $3  }
0xc1: {  	[dreg:$0x1] =	wrdreg $0xFFFFFFFF  }
0xc2: {  	_ =	task.clear_ibuf [dreg:s7], $0x2FFFF;
	_ =	strace $0x9FFFFFFF  }
0xc3: {  	(tm) =	ssettm $0x7FFFFFFF  }
tec
execute0_lowered:
.L_overlay_start_1:
0x0: {  	(tag) =	ssettag $0x1  }
0x1: {  	s4 =	rddreg [dreg:$0x0]  }
0x2: {  	s7 =	rddreg [dreg:$0x1]  }
0x3: {  	s2 =	rddreg [dreg:$0x2]  }
0x4: {  	s0 =	rddreg [dreg:$0x3]  }
0x5: {  	s5 =	srdreg.scid;
	s1 =	stileid.u32  }
0x6: {  	s3 =	simm.s32 $0x0;
	s5 =	sand.u32 $0x1, s5;
	s8 =	smul.u32 $0x280, s1  }
0x7: {  	[smem:$0x7FF] =	sst s3;
	s10 =	smul.u32 $0x2400, s1;
	s11 =	sadd.s32 $0x1600, s4  }
0x8: {  	s12 =	smul.u32 $0x580, s1;
	s13 =	sshll.u32 s1, $0x6;
	s6 =	ssub.s32 $0x2, s5  }
0x9: {  	_ =	strace $0x80000047;
	s31 =	smul.u32 $0x2800, s5;
	p0 =	seq.s32 s5, $0x1  }
0xa: {  	s13 =	sor.u32 $0x1C01, s13;
	s9 =	sshrl.u32 s6, $0x1;
	s4 =	sadd.s32 s8, s2  }
.Ltmp0:
0xb: {  	s10 =	sshrl.u32 s10, $0x3;
	s5 =	sadd.s32 s11, s12;
	(pc) =	sbr.rel .LBB2_1-.Ltmp0, $4  }
0xc: {  	s12 =	simm.s32 $0x2C00;
	s9 =	ssub.s32 s6, s9;
	s10 =	sadd.s32 s11, s10  }
0xd: {  	s8 =	sadd.s32 s8, s31;
	s11 =	simm.s32 $0x80;
	s14 =	sshrl.u32 s4, $0x3  }
0xe: {  	s6 =	sadd.s32 $0x5800, s10;
	s8 =	sshrl.u32 s8, $0x3;
	s10 =	simm.s32 $0x1  }
0xf: {  	v0 =	vimm.f32 $1.000000000e+00;
	v1 =	vimm.f32 $0.0e+00;
	s7 =	sadd.s32 s7, s8;
	s8 =	smax.u32 s9, $0x1;
	s9 =	simm.s32 $0x2C80  }
.LBB2_7:
0x10: {  	[sflag:s10] =	ssyncadd.s32 $0xFFFFFF80  }
.LBB2_8:
0x11: {  	s3 =	sadd.s32 $0x1, s3  }
0x12: {  	p1 =	sne.s32 s3, s8  }
.Ltmp1:
0x13: {  	[bflag:$0x0] =	sbarrier.arrive $0xFFFF;
	(pc) =	sbr.rel @!p1 .LBB2_9-.Ltmp1, $4  }
0x14: {  	[hbm:s7], [sflag:s13] =	dma.local [spmem:s14], $0x50  }
0x15: {  	_ =	swait.ge [sflag:s10], $0x50  }
0x16: {  	[sflag:s10] =	ssyncset.done $0x0  }
0x17: {  	[sflag:s10] =	ssyncadd.s32 $0xFFFFFFB0  }
.LBB2_1:
0x18: {  	[tilespmem:$0x2C00] =	vst v0  }
0x19: {  	[tilespmem:$0x2C10] =	vst v0  }
0x1a: {  	[tilespmem:$0x2C20] =	vst v0  }
0x1b: {  	[tilespmem:$0x2C30] =	vst v0  }
0x1c: {  	[tilespmem:$0x2C40] =	vst v0  }
0x1d: {  	[tilespmem:$0x2C50] =	vst v0  }
0x1e: {  	[tilespmem:$0x2C60] =	vst v0  }
0x1f: {  	[tilespmem:$0x2C70] =	vst v0  }
0x20: {  	[tilespmem:$0x2C80] =	vst v1  }
0x21: {  	[tilespmem:$0x2C90] =	vst v1  }
0x22: {  	[tilespmem:$0x2CA0] =	vst v1  }
0x23: {  	[tilespmem:$0x2CB0] =	vst v1  }
0x24: {  	[tilespmem:$0x2CC0] =	vst v1  }
0x25: {  	[tilespmem:$0x2CD0] =	vst v1  }
0x26: {  	[tilespmem:$0x2CE0] =	vst v1  }
0x27: {  	[tilespmem:$0x2CF0] =	vst v1  }
0x28: {  	[tilespmem:$0x2D00] =	vst v1  }
0x29: {  	[tilespmem:$0x2D10] =	vst v1  }
0x2a: {  	[tilespmem:$0x2D20] =	vst v1  }
0x2b: {  	[tilespmem:$0x2D30] =	vst v1  }
0x2c: {  	[tilespmem:$0x2D40] =	vst v1  }
0x2d: {  	[tilespmem:$0x2D50] =	vst v1  }
0x2e: {  	[tilespmem:$0x2D60] =	vst v1  }
0x2f: {  	[tilespmem:$0x2D70] =	vst v1  }
0x30: {  	[tilespmem:$0x2D80] =	vst v1  }
0x31: {  	[tilespmem:$0x2D90] =	vst v1  }
0x32: {  	[tilespmem:$0x2DA0] =	vst v1  }
0x33: {  	[tilespmem:$0x2DB0] =	vst v1  }
0x34: {  	[tilespmem:$0x2DC0] =	vst v1  }
0x35: {  	[tilespmem:$0x2DD0] =	vst v1  }
0x36: {  	[tilespmem:$0x2DE0] =	vst v1  }
0x37: {  	[tilespmem:$0x2DF0] =	vst v1  }
0x38: {  	[tilespmem:$0x2E00] =	vst v1  }
0x39: {  	[tilespmem:$0x2E10] =	vst v1  }
0x3a: {  	[tilespmem:$0x2E20] =	vst v1  }
0x3b: {  	[tilespmem:$0x2E30] =	vst v1  }
0x3c: {  	[tilespmem:$0x2E40] =	vst v1  }
0x3d: {  	[tilespmem:$0x2E50] =	vst v1  }
0x3e: {  	[tilespmem:$0x2E60] =	vst v1  }
0x3f: {  	[tilespmem:$0x2E70] =	vst v1  }
0x40: {  	[tilespmem:$0x2E80] =	vst v1  }
0x41: {  	[tilespmem:$0x2E90] =	vst v1  }
0x42: {  	[tilespmem:$0x2EA0] =	vst v1  }
0x43: {  	[tilespmem:$0x2EB0] =	vst v1  }
0x44: {  	[tilespmem:$0x2EC0] =	vst v1  }
0x45: {  	[tilespmem:$0x2ED0] =	vst v1  }
0x46: {  	[tilespmem:$0x2EE0] =	vst v1  }
.Ltmp2:
0x47: {  	[tilespmem:$0x2EF0] =	vst v1;
	(pc) =	sbr.rel @!p0 .LBB2_2-.Ltmp2, $4  }
0x48: {  	[spmem:s4] =	stream.linear.scatter [tilespmem:s9], [sflag:$0x1], $0x280, $0x38;
	[tilespmem:$0x3180] =	vst v63  }
0x49: {  	_ =	swait.ge [sflag:s10], $0x280  }
0x4a: {  	[sflag:s10] =	ssyncset.done $0x0  }
0x4b: {  	s15 =	simm.s32 $0x0;
	[sflag:s10] =	ssyncadd.s32 $0xFFFFFD80  }
0x4c: {  	[tilespmem:s15], [sflag:$0x1] =	stream.linear.gather [hbm4b:s6+s15], $0x2400, $0x38;
	[tilespmem:$0x3180] =	vst v63  }
0x4d: {  	_ =	swait.ge [sflag:s10], $0x2400  }
0x4e: {  	[sflag:s10] =	ssyncset.done $0x0  }
0x4f: {  	[sflag:s10] =	ssyncadd.s32 $0xFFFFDC00  }
0x50: {  	s31 =	simm.s32 $0x0;
	[bflag:$0x0] =	sbarrier.arrive $0xFFFF  }
0x51: {  	[spmem:s2] =	stream.indirect.scatter.add.f32 [tilespmem:s12], [sflag:$0x1], $0x1, s31, s11, $0xb8;
	[tilespmem:$0x3180] =	vst v63  }
0x52: {  	_ =	swait.ge [sflag:s10], $0x80  }
0x53: {  	s15 =	simm.s32 $0x200;
	[sflag:s10] =	ssyncset.done $0x0  }
.LBB2_6:
0x54: {  	s16 =	sshra.s32 s15, $0x2;
	[sflag:s10] =	ssyncadd.s32 $0xFFFFFF80;
	p1 =	sne.s32 s15, $0x8E00  }
0x55: {  	[spmem:s2] =	stream.indirect.scatter.add.f32 [tilespmem:s12], [sflag:$0x1], $0x1, s16, s11, $0xb8;
	[tilespmem:$0x3180] =	vst v63  }
.Ltmp3:
0x56: {  	_ = 	snop;
	(pc) =	sbr.rel @p1 .LBB2_6-.Ltmp3, $4  }
0x57: {  	_ = 	snop  }
0x58: {  	s15 =	sadd.s32 $0x200, s15  }
0x59: {  	_ =	swait.ge [sflag:s10], $0x80  }
0x5a: {  	[sflag:s10] =	ssyncset.done $0x0  }
.Ltmp4:
0x5b: {  	_ = 	snop;
	(pc) =	sbr.rel .LBB2_7-.Ltmp4, $1  }
0x5c: {  	_ =	sdelay $0x3  }
.LBB2_2:
0x5d: {  	[tilespmem:s15], [sflag:$0x1] =	stream.linear.gather [hbm4b:s5+s15], $0x2C00, $0x38;
	[tilespmem:$0x3180] =	vst v63  }
0x5e: {  	_ =	swait.ge [sflag:s10], $0x2C00  }
0x5f: {  	[sflag:s10] =	ssyncset.done $0x0  }
0x60: {  	[sflag:s10] =	ssyncadd.s32 $0xFFFFD400  }
0x61: {  	s31 =	simm.s32 $0x0;
	[bflag:$0x0] =	sbarrier.arrive $0xFFFF  }
0x62: {  	[spmem:s2] =	stream.indirect.scatter.add.f32 [tilespmem:s12], [sflag:$0x1], $0x1, s31, s11, $0xb8;
	[tilespmem:$0x3180] =	vst v63  }
0x63: {  	_ =	swait.ge [sflag:s10], $0x80  }
0x64: {  	s15 =	simm.s32 $0x200;
	[sflag:s10] =	ssyncset.done $0x0  }
.LBB2_3:
0x65: {  	s16 =	sshra.s32 s15, $0x2;
	[sflag:s10] =	ssyncadd.s32 $0xFFFFFF80;
	p1 =	seq.s32 s15, $0xAE00  }
0x66: {  	[spmem:s2] =	stream.indirect.scatter.add.f32 [tilespmem:s12], [sflag:$0x1], $0x1, s16, s11, $0xb8;
	[tilespmem:$0x3180] =	vst v63  }
.Ltmp5:
0x67: {  	_ = 	snop;
	(pc) =	sbr.rel @!p1 .LBB2_3-.Ltmp5, $4  }
0x68: {  	_ = 	snop  }
0x69: {  	s15 =	sadd.s32 $0x200, s15  }
0x6a: {  	_ =	swait.ge [sflag:s10], $0x80  }
0x6b: {  	[sflag:s10] =	ssyncset.done $0x0  }
.Ltmp6:
0x6c: {  	(pc) =	sbr.rel .LBB2_8-.Ltmp6, $2  }
0x6d: {  	_ =	sdelay $0x2  }
0x6e: {  	[sflag:s10] =	ssyncadd.s32 $0xFFFFFF80  }
.LBB2_9:
0x6f: {  	_ =	sfence.sel $0x180000  }
0x70: {  	[bflag:$0x0] =	sbarrier.arrive $0xFFFF  }
0x71: {  	p0 =	sne.s32 s1, $0x0;
	_ =	strace $0x90000047  }
0x72: {  	s0 =	sadd.s32 @!p0 $0x100000, s0;
	[bflag:$0x2] =	sbarrier.arrive $0xFFFF  }
0x73: {  	[sflag:s0] =	ssyncadd.tile.s32 @!p0 $0x1;
	_ =	shalt  }
.Lfunc_end2:
_tile_overlayer_lowered:
.L_overlay_start_2:
0x74: {  	(tag) =	ssettag $0x2  }
0x75: {  	s0 =	rddreg [dreg:$0x0];
	s2 =	stileid.u32  }
0x76: {  	s1 =	rddreg [dreg:$0x1];
	p0 =	sne.s32 s2, $0x0  }
0x77: {  	s3 =	rddreg [dreg:$0x2];
	[bflag:$0x3] =	sbarrier.arrive $0xFFFF;
	s2 =	simm.s32 @!p0 $0x1C01  }
0x78: {  	[timem:s3], [sflag:s2] =	dma.local @!p0 [hbm:s0], s1  }
0x79: {  	s0 =	simm.s32 @!p0 $0x1  }
0x7a: {  	_ =	swait.ge @!p0 [sflag:s0], s1  }
0x7b: {  	s1 =	ssub.s32 @!p0 $0x0, s1;
	[sflag:s0] =	ssyncset.done @!p0 $0x0  }
0x7c: {  	[sflag:s0] =	ssyncadd.s32 @!p0 s1  }
0x7d: {  	[bflag:$0x3] =	sbarrier.arrive $0xFFFF  }
0x7e: {  	_ =	shalt  }

</sc_bundles>
